<compile_context>
chip_gen: v7x
topology: tpu7x:2x2x1
jax: 0.10.2.dev20260603
libtpu: 0.0.44.dev20260713+nightly
codegen_flags: <defaults>
</compile_context>

<pallas_src>
import functools

import jax
import jax.numpy as jnp
from jax import lax
from jax.experimental import pallas as pl
from jax.experimental.pallas import tpu as pltpu
from jax.experimental.pallas import tpu_sc as plsc

_B, _D = 16384, 2048
_H = 2048


_BR = 512
_G = _B // _BR


def _mse_kernel(yh_ref, y_ref, out_ref, acc_ref):
    i = pl.program_id(0)

    @pl.when(i == 0)
    def _init():
        acc_ref[0] = 0.0

    d = yh_ref[...] - y_ref[...]
    acc_ref[0] += jnp.sum(d * d)

    @pl.when(i == _G - 1)
    def _fin():
        out_ref[0] = acc_ref[0]


def _tc_sumsq_diff(y_hat, y):
    return pl.pallas_call(
        _mse_kernel,
        grid=(_G,),
        in_specs=[
            pl.BlockSpec((_BR, _D), lambda i: (i, 0)),
            pl.BlockSpec((_BR, _D), lambda i: (i, 0)),
        ],
        out_specs=pl.BlockSpec(memory_space=pltpu.SMEM),
        out_shape=jax.ShapeDtypeStruct((1,), jnp.float32),
        scratch_shapes=[pltpu.SMEM((1,), jnp.float32)],
        compiler_params=pltpu.CompilerParams(
            dimension_semantics=("arbitrary",),
        ),
    )(y_hat, y)



_NC, _NS = 2, 16
_NW = _NC * _NS
_RPW = _H // _NW
_CR = 8
_NCHUNK = _RPW // _CR


def _sc_body(w1_hbm, w2_hbm, out_hbm, buf_a, buf_b, acc_v, sem_a, sem_b):
    wid = lax.axis_index("s") * _NC + lax.axis_index("c")
    row0 = wid * _RPW

    for a_idx, w_hbm in ((0, w1_hbm), (1, w2_hbm)):
        accs = [jnp.zeros((16,), jnp.float32) for _ in range(_CR)]
        cps = [pltpu.async_copy(
            w_hbm.at[pl.ds(row0, _CR), :], buf_a, sem_a)]
        for c in range(_NCHUNK):
            if c + 1 < _NCHUNK:
                nb, ns = (buf_b, sem_b) if (c % 2 == 0) else (buf_a, sem_a)
                cps.append(pltpu.async_copy(
                    w_hbm.at[pl.ds(row0 + (c + 1) * _CR, _CR), :], nb, ns))
            cps[c].wait()
            buf = buf_a if (c % 2 == 0) else buf_b

            def body(j, a, _buf=buf):
                new = []
                for r in range(_CR):
                    v = _buf[r, pl.ds(j * 16, 16)]
                    new.append(a[r] + v * v)
                return tuple(new)
            accs = lax.fori_loop(0, _D // 16, body, tuple(accs))

        total = accs[0]
        for r in range(1, _CR):
            total = total + accs[r]
        acc_v[...] = total
        pltpu.sync_copy(acc_v, out_hbm.at[a_idx, wid])


def _sc_w_sumsq(w1, w2):
    mesh = plsc.VectorSubcoreMesh(
        core_axis_name="c", subcore_axis_name="s",
        num_cores=_NC, num_subcores=_NS)
    kfn = pl.kernel(
        _sc_body,
        out_type=jax.ShapeDtypeStruct((2, _NW, 16), jnp.float32),
        mesh=mesh,
        scratch_types=[
            pltpu.VMEM((_CR, _D), jnp.float32),
            pltpu.VMEM((_CR, _D), jnp.float32),
            pltpu.VMEM((16,), jnp.float32),
            pltpu.SemaphoreType.DMA,
            pltpu.SemaphoreType.DMA,
        ],
        cost_estimate=pl.CostEstimate(
            flops=2 * 2 * _H * _D,
            bytes_accessed=2 * 4 * _H * _D,
            transcendentals=0,
        ),
    )
    return kfn(w1, w2)


def kernel(y_hat, y, W1, W2):
    w_part = _sc_w_sumsq(W1, W2)
    sumsq = _tc_sumsq_diff(y_hat, y)
    mse = sumsq[0] / (_B * _D)
    pen = jnp.sqrt(jnp.sum(w_part[0])) + jnp.sqrt(jnp.sum(w_part[1]))
    return mse + pen

# --- scband reference (transcript-rebuilt; emitter-appended) ---
"""Pipeline reference for scband-top-kast-loss-38654705664469 (READ-ONLY COPY).

The authoritative reference and input builder live on the scoring server;
editing this copy changes nothing except your own understanding.
"""

import jax, jax.numpy as jnp
import numpy as np

B, D = 16384, 2048
H = 2048
ALPHA = 1.0

def setup_inputs(seed: int = 0) -> dict:
    key = jax.random.key(seed)
    k1, k2, k3, k4 = jax.random.split(key, 4)
    y_hat = jax.random.normal(k1, (B, D), dtype=jnp.float32)
    y = jax.random.normal(k2, (B, D), dtype=jnp.float32)
    # Learned parameters of the wrapped net (two plain Linear layers; no
    # TopKastLinear layers present, so only the 'weight' params contribute
    # to the L2 penalty -- biases are skipped per the module logic).
    W1 = jax.random.normal(k3, (H, D), dtype=jnp.float32) * 0.02
    W2 = jax.random.normal(k4, (D, H), dtype=jnp.float32) * 0.02
    return {"y_hat": y_hat, "y": y, "W1": W1, "W2": W2}

def reference(y_hat, y, W1, W2):
    # torch.nn.MSELoss() default reduction='mean'
    l = jnp.mean((y_hat - y) ** 2)
    # compute_norm_active_set: net has no TopKastLinear children, so the loop
    # falls to the else branch and sums torch.linalg.norm (Frobenius norm)
    # of each child's 'weight' parameter only.
    penalty = jnp.linalg.norm(W1) + jnp.linalg.norm(W2)
    return l + ALPHA * penalty

if __name__ == "__main__":
    import jax
    _d = setup_inputs()
    print(jax.jit(kernel)(*tuple(_d.values())))

</pallas_src>

<mosaic_0001>
#map = affine_map<(d0, d1) -> (0, 0)>
#map1 = affine_map<(d0, d1) -> (0, 0, 0)>
module attributes {stable_mosaic.version = 14 : i64} {
  func.func @_sc_body(%arg0: i32, %arg1: i32, %arg2: memref<2048x2048xf32, #tpu.memory_space<hbm>>, %arg3: memref<2048x2048xf32, #tpu.memory_space<hbm>>, %arg4: memref<2x32x16xf32, #tpu.memory_space<hbm>>, %arg5: memref<8x2048xf32, #tpu.memory_space<vmem>>, %arg6: memref<8x2048xf32, #tpu.memory_space<vmem>>, %arg7: memref<16xf32, #tpu.memory_space<vmem>>, %arg8: memref<!tpu.dma_semaphore, #tpu.memory_space<semaphore_mem>>, %arg9: memref<!tpu.dma_semaphore, #tpu.memory_space<semaphore_mem>>) attributes {dimension_semantics = [#tpu.dimension_semantics<core_parallel>, #tpu.dimension_semantics<subcore_parallel>], iteration_bounds = array<i64: 2, 16>, scalar_prefetch = 0 : i64, scratch_operands = 5 : i64, tpu.core_type = #tpu.core_type<sc_vector_subcore>, window_params = [{transform_indices = #map}, {transform_indices = #map}, {transform_indices = #map1}]} {
    %mul3A = arith.constant 2 : i32
    %mul3A_0 = arith.muli %arg1, %mul3A : i32
    %add3A = arith.addi %mul3A_0, %arg0 : i32
    %mul3A_1 = arith.constant 64 : i32
    %mul3A_2 = arith.muli %add3A, %mul3A_1 : i32
    %broadcast_in_dim3A = arith.constant 0.000000e+00 : f32
    %broadcast_in_dim3A_3 = vector.broadcast %broadcast_in_dim3A : f32 to vector<16xf32>
    %broadcast_in_dim3A_4 = arith.constant 0.000000e+00 : f32
    %broadcast_in_dim3A_5 = vector.broadcast %broadcast_in_dim3A_4 : f32 to vector<16xf32>
    %broadcast_in_dim3A_6 = arith.constant 0.000000e+00 : f32
    %broadcast_in_dim3A_7 = vector.broadcast %broadcast_in_dim3A_6 : f32 to vector<16xf32>
    %broadcast_in_dim3A_8 = arith.constant 0.000000e+00 : f32
    %broadcast_in_dim3A_9 = vector.broadcast %broadcast_in_dim3A_8 : f32 to vector<16xf32>
    %broadcast_in_dim3A_10 = arith.constant 0.000000e+00 : f32
    %broadcast_in_dim3A_11 = vector.broadcast %broadcast_in_dim3A_10 : f32 to vector<16xf32>
    %broadcast_in_dim3A_12 = arith.constant 0.000000e+00 : f32
    %broadcast_in_dim3A_13 = vector.broadcast %broadcast_in_dim3A_12 : f32 to vector<16xf32>
    %broadcast_in_dim3A_14 = arith.constant 0.000000e+00 : f32
    %broadcast_in_dim3A_15 = vector.broadcast %broadcast_in_dim3A_14 : f32 to vector<16xf32>
    %broadcast_in_dim3A_16 = arith.constant 0.000000e+00 : f32
    %broadcast_in_dim3A_17 = vector.broadcast %broadcast_in_dim3A_16 : f32 to vector<16xf32>
    %dma_start3A = arith.constant 0 : i32
    %dma_start3A_18 = tpu.memref_slice %arg2[%mul3A_2, %dma_start3A] : memref<2048x2048xf32, #tpu.memory_space<hbm>> -> memref<8x2048xf32, #tpu.memory_space<hbm>>
    %dma_start3A_19 = arith.constant 0 : i32
    %dma_start3A_20 = tpu.memref_slice %arg2[%mul3A_2, %dma_start3A_19] : memref<2048x2048xf32, #tpu.memory_space<hbm>> -> memref<8x2048xf32, #tpu.memory_space<hbm>>
    tpu.enqueue_dma source(%dma_start3A_20 : memref<8x2048xf32, #tpu.memory_space<hbm>>) target(%arg5 : memref<8x2048xf32, #tpu.memory_space<vmem>>) target_semaphore(%arg8 : memref<!tpu.dma_semaphore, #tpu.memory_space<semaphore_mem>>)
    %add3A_21 = arith.constant 8 : i32
    %add3A_22 = arith.addi %mul3A_2, %add3A_21 : i32
    %dma_start3A_23 = arith.constant 0 : i32
    %dma_start3A_24 = tpu.memref_slice %arg2[%add3A_22, %dma_start3A_23] : memref<2048x2048xf32, #tpu.memory_space<hbm>> -> memref<8x2048xf32, #tpu.memory_space<hbm>>
    %dma_start3A_25 = arith.constant 0 : i32
    %dma_start3A_26 = tpu.memref_slice %arg2[%add3A_22, %dma_start3A_25] : memref<2048x2048xf32, #tpu.memory_space<hbm>> -> memref<8x2048xf32, #tpu.memory_space<hbm>>
    tpu.enqueue_dma source(%dma_start3A_26 : memref<8x2048xf32, #tpu.memory_space<hbm>>) target(%arg6 : memref<8x2048xf32, #tpu.memory_space<vmem>>) target_semaphore(%arg9 : memref<!tpu.dma_semaphore, #tpu.memory_space<semaphore_mem>>)
    %dma_wait3A = arith.constant 0 : i32
    %dma_wait3A_27 = tpu.memref_slice %arg2[%mul3A_2, %dma_wait3A] : memref<2048x2048xf32, #tpu.memory_space<hbm>> -> memref<8x2048xf32, #tpu.memory_space<hbm>>
    %dma_wait3A_28 = arith.constant 0 : i32
    %dma_wait3A_29 = tpu.memref_slice %arg2[%mul3A_2, %dma_wait3A_28] : memref<2048x2048xf32, #tpu.memory_space<hbm>> -> memref<8x2048xf32, #tpu.memory_space<hbm>>
    tpu.wait_dma2 semaphore(%arg8 : memref<!tpu.dma_semaphore, #tpu.memory_space<semaphore_mem>>) src(%dma_wait3A_29 : memref<8x2048xf32, #tpu.memory_space<hbm>>) dst(%arg5 : memref<8x2048xf32, #tpu.memory_space<vmem>>)
    %scan3A = arith.constant 0 : i32
    %scan3A_30 = arith.constant 128 : i32
    %scan3A_31 = arith.addi %scan3A, %scan3A_30 : i32
    %scan3A_32 = arith.constant 1 : i32
    %scan3A_33:8 = scf.for %scan3A_305 = %scan3A to %scan3A_31 step %scan3A_32 iter_args(%scan3A_306 = %broadcast_in_dim3A_3, %scan3A_307 = %broadcast_in_dim3A_5, %scan3A_308 = %broadcast_in_dim3A_7, %scan3A_309 = %broadcast_in_dim3A_9, %scan3A_310 = %broadcast_in_dim3A_11, %scan3A_311 = %broadcast_in_dim3A_13, %scan3A_312 = %broadcast_in_dim3A_15, %scan3A_313 = %broadcast_in_dim3A_17) -> (vector<16xf32>, vector<16xf32>, vector<16xf32>, vector<16xf32>, vector<16xf32>, vector<16xf32>, vector<16xf32>, vector<16xf32>)  : i32 {
      %mul3A_314 = arith.constant 16 : i32
      %mul3A_315 = arith.muli %scan3A_305, %mul3A_314 : i32
      %get3A = arith.constant 0 : i32
      %get3A_316 = arith.index_cast %get3A : i32 to index
      %get3A_317 = arith.index_cast %mul3A_315 : i32 to index
      %get3A_318 = tpu.vector_load %arg5[%get3A_316, %get3A_317] {strides = array<i32>} : memref<8x2048xf32, #tpu.memory_space<vmem>>, vector<1x16xf32>,
      %get3A_319 = vector.shape_cast %get3A_318 : vector<1x16xf32> to vector<16xf32>
      %mul3A_320 = arith.mulf %get3A_319, %get3A_319 : vector<16xf32>
      %add3A_321 = arith.addf %scan3A_306, %mul3A_320 : vector<16xf32>
      %mul3A_322 = arith.constant 16 : i32
      %mul3A_323 = arith.muli %scan3A_305, %mul3A_322 : i32
      %get3A_324 = arith.constant 1 : i32
      %get3A_325 = arith.index_cast %get3A_324 : i32 to index
      %get3A_326 = arith.index_cast %mul3A_323 : i32 to index
      %get3A_327 = tpu.vector_load %arg5[%get3A_325, %get3A_326] {strides = array<i32>} : memref<8x2048xf32, #tpu.memory_space<vmem>>, vector<1x16xf32>,
      %get3A_328 = vector.shape_cast %get3A_327 : vector<1x16xf32> to vector<16xf32>
      %mul3A_329 = arith.mulf %get3A_328, %get3A_328 : vector<16xf32>
      %add3A_330 = arith.addf %scan3A_307, %mul3A_329 : vector<16xf32>
      %mul3A_331 = arith.constant 16 : i32
      %mul3A_332 = arith.muli %scan3A_305, %mul3A_331 : i32
      %get3A_333 = arith.constant 2 : i32
      %get3A_334 = arith.index_cast %get3A_333 : i32 to index
      %get3A_335 = arith.index_cast %mul3A_332 : i32 to index
      %get3A_336 = tpu.vector_load %arg5[%get3A_334, %get3A_335] {strides = array<i32>} : memref<8x2048xf32, #tpu.memory_space<vmem>>, vector<1x16xf32>,
      %get3A_337 = vector.shape_cast %get3A_336 : vector<1x16xf32> to vector<16xf32>
      %mul3A_338 = arith.mulf %get3A_337, %get3A_337 : vector<16xf32>
      %add3A_339 = arith.addf %scan3A_308, %mul3A_338 : vector<16xf32>
      %mul3A_340 = arith.constant 16 : i32
      %mul3A_341 = arith.muli %scan3A_305, %mul3A_340 : i32
      %get3A_342 = arith.constant 3 : i32
      %get3A_343 = arith.index_cast %get3A_342 : i32 to index
      %get3A_344 = arith.index_cast %mul3A_341 : i32 to index
      %get3A_345 = tpu.vector_load %arg5[%get3A_343, %get3A_344] {strides = array<i32>} : memref<8x2048xf32, #tpu.memory_space<vmem>>, vector<1x16xf32>,
      %get3A_346 = vector.shape_cast %get3A_345 : vector<1x16xf32> to vector<16xf32>
      %mul3A_347 = arith.mulf %get3A_346, %get3A_346 : vector<16xf32>
      %add3A_348 = arith.addf %scan3A_309, %mul3A_347 : vector<16xf32>
      %mul3A_349 = arith.constant 16 : i32
      %mul3A_350 = arith.muli %scan3A_305, %mul3A_349 : i32
      %get3A_351 = arith.constant 4 : i32
      %get3A_352 = arith.index_cast %get3A_351 : i32 to index
      %get3A_353 = arith.index_cast %mul3A_350 : i32 to index
      %get3A_354 = tpu.vector_load %arg5[%get3A_352, %get3A_353] {strides = array<i32>} : memref<8x2048xf32, #tpu.memory_space<vmem>>, vector<1x16xf32>,
      %get3A_355 = vector.shape_cast %get3A_354 : vector<1x16xf32> to vector<16xf32>
      %mul3A_356 = arith.mulf %get3A_355, %get3A_355 : vector<16xf32>
      %add3A_357 = arith.addf %scan3A_310, %mul3A_356 : vector<16xf32>
      %mul3A_358 = arith.constant 16 : i32
      %mul3A_359 = arith.muli %scan3A_305, %mul3A_358 : i32
      %get3A_360 = arith.constant 5 : i32
      %get3A_361 = arith.index_cast %get3A_360 : i32 to index
      %get3A_362 = arith.index_cast %mul3A_359 : i32 to index
      %get3A_363 = tpu.vector_load %arg5[%get3A_361, %get3A_362] {strides = array<i32>} : memref<8x2048xf32, #tpu.memory_space<vmem>>, vector<1x16xf32>,
      %get3A_364 = vector.shape_cast %get3A_363 : vector<1x16xf32> to vector<16xf32>
      %mul3A_365 = arith.mulf %get3A_364, %get3A_364 : vector<16xf32>
      %add3A_366 = arith.addf %scan3A_311, %mul3A_365 : vector<16xf32>
      %mul3A_367 = arith.constant 16 : i32
      %mul3A_368 = arith.muli %scan3A_305, %mul3A_367 : i32
      %get3A_369 = arith.constant 6 : i32
      %get3A_370 = arith.index_cast %get3A_369 : i32 to index
      %get3A_371 = arith.index_cast %mul3A_368 : i32 to index
      %get3A_372 = tpu.vector_load %arg5[%get3A_370, %get3A_371] {strides = array<i32>} : memref<8x2048xf32, #tpu.memory_space<vmem>>, vector<1x16xf32>,
      %get3A_373 = vector.shape_cast %get3A_372 : vector<1x16xf32> to vector<16xf32>
      %mul3A_374 = arith.mulf %get3A_373, %get3A_373 : vector<16xf32>
      %add3A_375 = arith.addf %scan3A_312, %mul3A_374 : vector<16xf32>
      %mul3A_376 = arith.constant 16 : i32
      %mul3A_377 = arith.muli %scan3A_305, %mul3A_376 : i32
      %get3A_378 = arith.constant 7 : i32
      %get3A_379 = arith.index_cast %get3A_378 : i32 to index
      %get3A_380 = arith.index_cast %mul3A_377 : i32 to index
      %get3A_381 = tpu.vector_load %arg5[%get3A_379, %get3A_380] {strides = array<i32>} : memref<8x2048xf32, #tpu.memory_space<vmem>>, vector<1x16xf32>,
      %get3A_382 = vector.shape_cast %get3A_381 : vector<1x16xf32> to vector<16xf32>
      %mul3A_383 = arith.mulf %get3A_382, %get3A_382 : vector<16xf32>
      %add3A_384 = arith.addf %scan3A_313, %mul3A_383 : vector<16xf32>
      scf.yield %add3A_321, %add3A_330, %add3A_339, %add3A_348, %add3A_357, %add3A_366, %add3A_375, %add3A_384 : vector<16xf32>, vector<16xf32>, vector<16xf32>, vector<16xf32>, vector<16xf32>, vector<16xf32>, vector<16xf32>, vector<16xf32>
    }
    %scan3A_34 = arith.constant 128 : i32
    %add3A_35 = arith.constant 16 : i32
    %add3A_36 = arith.addi %mul3A_2, %add3A_35 : i32
    %dma_start3A_37 = arith.constant 0 : i32
    %dma_start3A_38 = tpu.memref_slice %arg2[%add3A_36, %dma_start3A_37] : memref<2048x2048xf32, #tpu.memory_space<hbm>> -> memref<8x2048xf32, #tpu.memory_space<hbm>>
    %dma_start3A_39 = arith.constant 0 : i32
    %dma_start3A_40 = tpu.memref_slice %arg2[%add3A_36, %dma_start3A_39] : memref<2048x2048xf32, #tpu.memory_space<hbm>> -> memref<8x2048xf32, #tpu.memory_space<hbm>>
    tpu.enqueue_dma source(%dma_start3A_40 : memref<8x2048xf32, #tpu.memory_space<hbm>>) target(%arg5 : memref<8x2048xf32, #tpu.memory_space<vmem>>) target_semaphore(%arg8 : memref<!tpu.dma_semaphore, #tpu.memory_space<semaphore_mem>>)
    %dma_wait3A_41 = arith.constant 0 : i32
    %dma_wait3A_42 = tpu.memref_slice %arg2[%add3A_22, %dma_wait3A_41] : memref<2048x2048xf32, #tpu.memory_space<hbm>> -> memref<8x2048xf32, #tpu.memory_space<hbm>>
    %dma_wait3A_43 = arith.constant 0 : i32
    %dma_wait3A_44 = tpu.memref_slice %arg2[%add3A_22, %dma_wait3A_43] : memref<2048x2048xf32, #tpu.memory_space<hbm>> -> memref<8x2048xf32, #tpu.memory_space<hbm>>
    tpu.wait_dma2 semaphore(%arg9 : memref<!tpu.dma_semaphore, #tpu.memory_space<semaphore_mem>>) src(%dma_wait3A_44 : memref<8x2048xf32, #tpu.memory_space<hbm>>) dst(%arg6 : memref<8x2048xf32, #tpu.memory_space<vmem>>)
    %scan3A_45 = arith.constant 0 : i32
    %scan3A_46 = arith.constant 128 : i32
    %scan3A_47 = arith.addi %scan3A_45, %scan3A_46 : i32
    %scan3A_48 = arith.constant 1 : i32
    %scan3A_49:8 = scf.for %scan3A_305 = %scan3A_45 to %scan3A_47 step %scan3A_48 iter_args(%scan3A_306 = %scan3A_33#0, %scan3A_307 = %scan3A_33#1, %scan3A_308 = %scan3A_33#2, %scan3A_309 = %scan3A_33#3, %scan3A_310 = %scan3A_33#4, %scan3A_311 = %scan3A_33#5, %scan3A_312 = %scan3A_33#6, %scan3A_313 = %scan3A_33#7) -> (vector<16xf32>, vector<16xf32>, vector<16xf32>, vector<16xf32>, vector<16xf32>, vector<16xf32>, vector<16xf32>, vector<16xf32>)  : i32 {
      %mul3A_314 = arith.constant 16 : i32
      %mul3A_315 = arith.muli %scan3A_305, %mul3A_314 : i32
      %get3A = arith.constant 0 : i32
      %get3A_316 = arith.index_cast %get3A : i32 to index
      %get3A_317 = arith.index_cast %mul3A_315 : i32 to index
      %get3A_318 = tpu.vector_load %arg6[%get3A_316, %get3A_317] {strides = array<i32>} : memref<8x2048xf32, #tpu.memory_space<vmem>>, vector<1x16xf32>,
      %get3A_319 = vector.shape_cast %get3A_318 : vector<1x16xf32> to vector<16xf32>
      %mul3A_320 = arith.mulf %get3A_319, %get3A_319 : vector<16xf32>
      %add3A_321 = arith.addf %scan3A_306, %mul3A_320 : vector<16xf32>
      %mul3A_322 = arith.constant 16 : i32
      %mul3A_323 = arith.muli %scan3A_305, %mul3A_322 : i32
      %get3A_324 = arith.constant 1 : i32
      %get3A_325 = arith.index_cast %get3A_324 : i32 to index
      %get3A_326 = arith.index_cast %mul3A_323 : i32 to index
      %get3A_327 = tpu.vector_load %arg6[%get3A_325, %get3A_326] {strides = array<i32>} : memref<8x2048xf32, #tpu.memory_space<vmem>>, vector<1x16xf32>,
      %get3A_328 = vector.shape_cast %get3A_327 : vector<1x16xf32> to vector<16xf32>
      %mul3A_329 = arith.mulf %get3A_328, %get3A_328 : vector<16xf32>
      %add3A_330 = arith.addf %scan3A_307, %mul3A_329 : vector<16xf32>
      %mul3A_331 = arith.constant 16 : i32
      %mul3A_332 = arith.muli %scan3A_305, %mul3A_331 : i32
      %get3A_333 = arith.constant 2 : i32
      %get3A_334 = arith.index_cast %get3A_333 : i32 to index
      %get3A_335 = arith.index_cast %mul3A_332 : i32 to index
      %get3A_336 = tpu.vector_load %arg6[%get3A_334, %get3A_335] {strides = array<i32>} : memref<8x2048xf32, #tpu.memory_space<vmem>>, vector<1x16xf32>,
      %get3A_337 = vector.shape_cast %get3A_336 : vector<1x16xf32> to vector<16xf32>
      %mul3A_338 = arith.mulf %get3A_337, %get3A_337 : vector<16xf32>
      %add3A_339 = arith.addf %scan3A_308, %mul3A_338 : vector<16xf32>
      %mul3A_340 = arith.constant 16 : i32
      %mul3A_341 = arith.muli %scan3A_305, %mul3A_340 : i32
      %get3A_342 = arith.constant 3 : i32
      %get3A_343 = arith.index_cast %get3A_342 : i32 to index
      %get3A_344 = arith.index_cast %mul3A_341 : i32 to index
      %get3A_345 = tpu.vector_load %arg6[%get3A_343, %get3A_344] {strides = array<i32>} : memref<8x2048xf32, #tpu.memory_space<vmem>>, vector<1x16xf32>,
      %get3A_346 = vector.shape_cast %get3A_345 : vector<1x16xf32> to vector<16xf32>
      %mul3A_347 = arith.mulf %get3A_346, %get3A_346 : vector<16xf32>
      %add3A_348 = arith.addf %scan3A_309, %mul3A_347 : vector<16xf32>
      %mul3A_349 = arith.constant 16 : i32
      %mul3A_350 = arith.muli %scan3A_305, %mul3A_349 : i32
      %get3A_351 = arith.constant 4 : i32
      %get3A_352 = arith.index_cast %get3A_351 : i32 to index
      %get3A_353 = arith.index_cast %mul3A_350 : i32 to index
      %get3A_354 = tpu.vector_load %arg6[%get3A_352, %get3A_353] {strides = array<i32>} : memref<8x2048xf32, #tpu.memory_space<vmem>>, vector<1x16xf32>,
      %get3A_355 = vector.shape_cast %get3A_354 : vector<1x16xf32> to vector<16xf32>
      %mul3A_356 = arith.mulf %get3A_355, %get3A_355 : vector<16xf32>
      %add3A_357 = arith.addf %scan3A_310, %mul3A_356 : vector<16xf32>
      %mul3A_358 = arith.constant 16 : i32
      %mul3A_359 = arith.muli %scan3A_305, %mul3A_358 : i32
      %get3A_360 = arith.constant 5 : i32
      %get3A_361 = arith.index_cast %get3A_360 : i32 to index
      %get3A_362 = arith.index_cast %mul3A_359 : i32 to index
      %get3A_363 = tpu.vector_load %arg6[%get3A_361, %get3A_362] {strides = array<i32>} : memref<8x2048xf32, #tpu.memory_space<vmem>>, vector<1x16xf32>,
      %get3A_364 = vector.shape_cast %get3A_363 : vector<1x16xf32> to vector<16xf32>
      %mul3A_365 = arith.mulf %get3A_364, %get3A_364 : vector<16xf32>
      %add3A_366 = arith.addf %scan3A_311, %mul3A_365 : vector<16xf32>
      %mul3A_367 = arith.constant 16 : i32
      %mul3A_368 = arith.muli %scan3A_305, %mul3A_367 : i32
      %get3A_369 = arith.constant 6 : i32
      %get3A_370 = arith.index_cast %get3A_369 : i32 to index
      %get3A_371 = arith.index_cast %mul3A_368 : i32 to index
      %get3A_372 = tpu.vector_load %arg6[%get3A_370, %get3A_371] {strides = array<i32>} : memref<8x2048xf32, #tpu.memory_space<vmem>>, vector<1x16xf32>,
      %get3A_373 = vector.shape_cast %get3A_372 : vector<1x16xf32> to vector<16xf32>
      %mul3A_374 = arith.mulf %get3A_373, %get3A_373 : vector<16xf32>
      %add3A_375 = arith.addf %scan3A_312, %mul3A_374 : vector<16xf32>
      %mul3A_376 = arith.constant 16 : i32
      %mul3A_377 = arith.muli %scan3A_305, %mul3A_376 : i32
      %get3A_378 = arith.constant 7 : i32
      %get3A_379 = arith.index_cast %get3A_378 : i32 to index
      %get3A_380 = arith.index_cast %mul3A_377 : i32 to index
      %get3A_381 = tpu.vector_load %arg6[%get3A_379, %get3A_380] {strides = array<i32>} : memref<8x2048xf32, #tpu.memory_space<vmem>>, vector<1x16xf32>,
      %get3A_382 = vector.shape_cast %get3A_381 : vector<1x16xf32> to vector<16xf32>
      %mul3A_383 = arith.mulf %get3A_382, %get3A_382 : vector<16xf32>
      %add3A_384 = arith.addf %scan3A_313, %mul3A_383 : vector<16xf32>
      scf.yield %add3A_321, %add3A_330, %add3A_339, %add3A_348, %add3A_357, %add3A_366, %add3A_375, %add3A_384 : vector<16xf32>, vector<16xf32>, vector<16xf32>, vector<16xf32>, vector<16xf32>, vector<16xf32>, vector<16xf32>, vector<16xf32>
    }
    %scan3A_50 = arith.constant 128 : i32
    %add3A_51 = arith.constant 24 : i32
    %add3A_52 = arith.addi %mul3A_2, %add3A_51 : i32
    %dma_start3A_53 = arith.constant 0 : i32
    %dma_start3A_54 = tpu.memref_slice %arg2[%add3A_52, %dma_start3A_53] : memref<2048x2048xf32, #tpu.memory_space<hbm>> -> memref<8x2048xf32, #tpu.memory_space<hbm>>
    %dma_start3A_55 = arith.constant 0 : i32
    %dma_start3A_56 = tpu.memref_slice %arg2[%add3A_52, %dma_start3A_55] : memref<2048x2048xf32, #tpu.memory_space<hbm>> -> memref<8x2048xf32, #tpu.memory_space<hbm>>
    tpu.enqueue_dma source(%dma_start3A_56 : memref<8x2048xf32, #tpu.memory_space<hbm>>) target(%arg6 : memref<8x2048xf32, #tpu.memory_space<vmem>>) target_semaphore(%arg9 : memref<!tpu.dma_semaphore, #tpu.memory_space<semaphore_mem>>)
    %dma_wait3A_57 = arith.constant 0 : i32
    %dma_wait3A_58 = tpu.memref_slice %arg2[%add3A_36, %dma_wait3A_57] : memref<2048x2048xf32, #tpu.memory_space<hbm>> -> memref<8x2048xf32, #tpu.memory_space<hbm>>
    %dma_wait3A_59 = arith.constant 0 : i32
    %dma_wait3A_60 = tpu.memref_slice %arg2[%add3A_36, %dma_wait3A_59] : memref<2048x2048xf32, #tpu.memory_space<hbm>> -> memref<8x2048xf32, #tpu.memory_space<hbm>>
    tpu.wait_dma2 semaphore(%arg8 : memref<!tpu.dma_semaphore, #tpu.memory_space<semaphore_mem>>) src(%dma_wait3A_60 : memref<8x2048xf32, #tpu.memory_space<hbm>>) dst(%arg5 : memref<8x2048xf32, #tpu.memory_space<vmem>>)
    %scan3A_61 = arith.constant 0 : i32
    %scan3A_62 = arith.constant 128 : i32
    %scan3A_63 = arith.addi %scan3A_61, %scan3A_62 : i32
    %scan3A_64 = arith.constant 1 : i32
    %scan3A_65:8 = scf.for %scan3A_305 = %scan3A_61 to %scan3A_63 step %scan3A_64 iter_args(%scan3A_306 = %scan3A_49#0, %scan3A_307 = %scan3A_49#1, %scan3A_308 = %scan3A_49#2, %scan3A_309 = %scan3A_49#3, %scan3A_310 = %scan3A_49#4, %scan3A_311 = %scan3A_49#5, %scan3A_312 = %scan3A_49#6, %scan3A_313 = %scan3A_49#7) -> (vector<16xf32>, vector<16xf32>, vector<16xf32>, vector<16xf32>, vector<16xf32>, vector<16xf32>, vector<16xf32>, vector<16xf32>)  : i32 {
      %mul3A_314 = arith.constant 16 : i32
      %mul3A_315 = arith.muli %scan3A_305, %mul3A_314 : i32
      %get3A = arith.constant 0 : i32
      %get3A_316 = arith.index_cast %get3A : i32 to index
      %get3A_317 = arith.index_cast %mul3A_315 : i32 to index
      %get3A_318 = tpu.vector_load %arg5[%get3A_316, %get3A_317] {strides = array<i32>} : memref<8x2048xf32, #tpu.memory_space<vmem>>, vector<1x16xf32>,
      %get3A_319 = vector.shape_cast %get3A_318 : vector<1x16xf32> to vector<16xf32>
      %mul3A_320 = arith.mulf %get3A_319, %get3A_319 : vector<16xf32>
      %add3A_321 = arith.addf %scan3A_306, %mul3A_320 : vector<16xf32>
      %mul3A_322 = arith.constant 16 : i32
      %mul3A_323 = arith.muli %scan3A_305, %mul3A_322 : i32
      %get3A_324 = arith.constant 1 : i32
      %get3A_325 = arith.index_cast %get3A_324 : i32 to index
      %get3A_326 = arith.index_cast %mul3A_323 : i32 to index
      %get3A_327 = tpu.vector_load %arg5[%get3A_325, %get3A_326] {strides = array<i32>} : memref<8x2048xf32, #tpu.memory_space<vmem>>, vector<1x16xf32>,
      %get3A_328 = vector.shape_cast %get3A_327 : vector<1x16xf32> to vector<16xf32>
      %mul3A_329 = arith.mulf %get3A_328, %get3A_328 : vector<16xf32>
      %add3A_330 = arith.addf %scan3A_307, %mul3A_329 : vector<16xf32>
      %mul3A_331 = arith.constant 16 : i32
      %mul3A_332 = arith.muli %scan3A_305, %mul3A_331 : i32
      %get3A_333 = arith.constant 2 : i32
      %get3A_334 = arith.index_cast %get3A_333 : i32 to index
      %get3A_335 = arith.index_cast %mul3A_332 : i32 to index
      %get3A_336 = tpu.vector_load %arg5[%get3A_334, %get3A_335] {strides = array<i32>} : memref<8x2048xf32, #tpu.memory_space<vmem>>, vector<1x16xf32>,
      %get3A_337 = vector.shape_cast %get3A_336 : vector<1x16xf32> to vector<16xf32>
      %mul3A_338 = arith.mulf %get3A_337, %get3A_337 : vector<16xf32>
      %add3A_339 = arith.addf %scan3A_308, %mul3A_338 : vector<16xf32>
      %mul3A_340 = arith.constant 16 : i32
      %mul3A_341 = arith.muli %scan3A_305, %mul3A_340 : i32
      %get3A_342 = arith.constant 3 : i32
      %get3A_343 = arith.index_cast %get3A_342 : i32 to index
      %get3A_344 = arith.index_cast %mul3A_341 : i32 to index
      %get3A_345 = tpu.vector_load %arg5[%get3A_343, %get3A_344] {strides = array<i32>} : memref<8x2048xf32, #tpu.memory_space<vmem>>, vector<1x16xf32>,
      %get3A_346 = vector.shape_cast %get3A_345 : vector<1x16xf32> to vector<16xf32>
      %mul3A_347 = arith.mulf %get3A_346, %get3A_346 : vector<16xf32>
      %add3A_348 = arith.addf %scan3A_309, %mul3A_347 : vector<16xf32>
      %mul3A_349 = arith.constant 16 : i32
      %mul3A_350 = arith.muli %scan3A_305, %mul3A_349 : i32
      %get3A_351 = arith.constant 4 : i32
      %get3A_352 = arith.index_cast %get3A_351 : i32 to index
      %get3A_353 = arith.index_cast %mul3A_350 : i32 to index
      %get3A_354 = tpu.vector_load %arg5[%get3A_352, %get3A_353] {strides = array<i32>} : memref<8x2048xf32, #tpu.memory_space<vmem>>, vector<1x16xf32>,
      %get3A_355 = vector.shape_cast %get3A_354 : vector<1x16xf32> to vector<16xf32>
      %mul3A_356 = arith.mulf %get3A_355, %get3A_355 : vector<16xf32>
      %add3A_357 = arith.addf %scan3A_310, %mul3A_356 : vector<16xf32>
      %mul3A_358 = arith.constant 16 : i32
      %mul3A_359 = arith.muli %scan3A_305, %mul3A_358 : i32
      %get3A_360 = arith.constant 5 : i32
      %get3A_361 = arith.index_cast %get3A_360 : i32 to index
      %get3A_362 = arith.index_cast %mul3A_359 : i32 to index
      %get3A_363 = tpu.vector_load %arg5[%get3A_361, %get3A_362] {strides = array<i32>} : memref<8x2048xf32, #tpu.memory_space<vmem>>, vector<1x16xf32>,
      %get3A_364 = vector.shape_cast %get3A_363 : vector<1x16xf32> to vector<16xf32>
      %mul3A_365 = arith.mulf %get3A_364, %get3A_364 : vector<16xf32>
      %add3A_366 = arith.addf %scan3A_311, %mul3A_365 : vector<16xf32>
      %mul3A_367 = arith.constant 16 : i32
      %mul3A_368 = arith.muli %scan3A_305, %mul3A_367 : i32
      %get3A_369 = arith.constant 6 : i32
      %get3A_370 = arith.index_cast %get3A_369 : i32 to index
      %get3A_371 = arith.index_cast %mul3A_368 : i32 to index
      %get3A_372 = tpu.vector_load %arg5[%get3A_370, %get3A_371] {strides = array<i32>} : memref<8x2048xf32, #tpu.memory_space<vmem>>, vector<1x16xf32>,
      %get3A_373 = vector.shape_cast %get3A_372 : vector<1x16xf32> to vector<16xf32>
      %mul3A_374 = arith.mulf %get3A_373, %get3A_373 : vector<16xf32>
      %add3A_375 = arith.addf %scan3A_312, %mul3A_374 : vector<16xf32>
      %mul3A_376 = arith.constant 16 : i32
      %mul3A_377 = arith.muli %scan3A_305, %mul3A_376 : i32
      %get3A_378 = arith.constant 7 : i32
      %get3A_379 = arith.index_cast %get3A_378 : i32 to index
      %get3A_380 = arith.index_cast %mul3A_377 : i32 to index
      %get3A_381 = tpu.vector_load %arg5[%get3A_379, %get3A_380] {strides = array<i32>} : memref<8x2048xf32, #tpu.memory_space<vmem>>, vector<1x16xf32>,
      %get3A_382 = vector.shape_cast %get3A_381 : vector<1x16xf32> to vector<16xf32>
      %mul3A_383 = arith.mulf %get3A_382, %get3A_382 : vector<16xf32>
      %add3A_384 = arith.addf %scan3A_313, %mul3A_383 : vector<16xf32>
      scf.yield %add3A_321, %add3A_330, %add3A_339, %add3A_348, %add3A_357, %add3A_366, %add3A_375, %add3A_384 : vector<16xf32>, vector<16xf32>, vector<16xf32>, vector<16xf32>, vector<16xf32>, vector<16xf32>, vector<16xf32>, vector<16xf32>
    }
    %scan3A_66 = arith.constant 128 : i32
    %add3A_67 = arith.constant 32 : i32
    %add3A_68 = arith.addi %mul3A_2, %add3A_67 : i32
    %dma_start3A_69 = arith.constant 0 : i32
    %dma_start3A_70 = tpu.memref_slice %arg2[%add3A_68, %dma_start3A_69] : memref<2048x2048xf32, #tpu.memory_space<hbm>> -> memref<8x2048xf32, #tpu.memory_space<hbm>>
    %dma_start3A_71 = arith.constant 0 : i32
    %dma_start3A_72 = tpu.memref_slice %arg2[%add3A_68, %dma_start3A_71] : memref<2048x2048xf32, #tpu.memory_space<hbm>> -> memref<8x2048xf32, #tpu.memory_space<hbm>>
    tpu.enqueue_dma source(%dma_start3A_72 : memref<8x2048xf32, #tpu.memory_space<hbm>>) target(%arg5 : memref<8x2048xf32, #tpu.memory_space<vmem>>) target_semaphore(%arg8 : memref<!tpu.dma_semaphore, #tpu.memory_space<semaphore_mem>>)
    %dma_wait3A_73 = arith.constant 0 : i32
    %dma_wait3A_74 = tpu.memref_slice %arg2[%add3A_52, %dma_wait3A_73] : memref<2048x2048xf32, #tpu.memory_space<hbm>> -> memref<8x2048xf32, #tpu.memory_space<hbm>>
    %dma_wait3A_75 = arith.constant 0 : i32
    %dma_wait3A_76 = tpu.memref_slice %arg2[%add3A_52, %dma_wait3A_75] : memref<2048x2048xf32, #tpu.memory_space<hbm>> -> memref<8x2048xf32, #tpu.memory_space<hbm>>
    tpu.wait_dma2 semaphore(%arg9 : memref<!tpu.dma_semaphore, #tpu.memory_space<semaphore_mem>>) src(%dma_wait3A_76 : memref<8x2048xf32, #tpu.memory_space<hbm>>) dst(%arg6 : memref<8x2048xf32, #tpu.memory_space<vmem>>)
    %scan3A_77 = arith.constant 0 : i32
    %scan3A_78 = arith.constant 128 : i32
    %scan3A_79 = arith.addi %scan3A_77, %scan3A_78 : i32
    %scan3A_80 = arith.constant 1 : i32
    %scan3A_81:8 = scf.for %scan3A_305 = %scan3A_77 to %scan3A_79 step %scan3A_80 iter_args(%scan3A_306 = %scan3A_65#0, %scan3A_307 = %scan3A_65#1, %scan3A_308 = %scan3A_65#2, %scan3A_309 = %scan3A_65#3, %scan3A_310 = %scan3A_65#4, %scan3A_311 = %scan3A_65#5, %scan3A_312 = %scan3A_65#6, %scan3A_313 = %scan3A_65#7) -> (vector<16xf32>, vector<16xf32>, vector<16xf32>, vector<16xf32>, vector<16xf32>, vector<16xf32>, vector<16xf32>, vector<16xf32>)  : i32 {
      %mul3A_314 = arith.constant 16 : i32
      %mul3A_315 = arith.muli %scan3A_305, %mul3A_314 : i32
      %get3A = arith.constant 0 : i32
      %get3A_316 = arith.index_cast %get3A : i32 to index
      %get3A_317 = arith.index_cast %mul3A_315 : i32 to index
      %get3A_318 = tpu.vector_load %arg6[%get3A_316, %get3A_317] {strides = array<i32>} : memref<8x2048xf32, #tpu.memory_space<vmem>>, vector<1x16xf32>,
      %get3A_319 = vector.shape_cast %get3A_318 : vector<1x16xf32> to vector<16xf32>
      %mul3A_320 = arith.mulf %get3A_319, %get3A_319 : vector<16xf32>
      %add3A_321 = arith.addf %scan3A_306, %mul3A_320 : vector<16xf32>
      %mul3A_322 = arith.constant 16 : i32
      %mul3A_323 = arith.muli %scan3A_305, %mul3A_322 : i32
      %get3A_324 = arith.constant 1 : i32
      %get3A_325 = arith.index_cast %get3A_324 : i32 to index
      %get3A_326 = arith.index_cast %mul3A_323 : i32 to index
      %get3A_327 = tpu.vector_load %arg6[%get3A_325, %get3A_326] {strides = array<i32>} : memref<8x2048xf32, #tpu.memory_space<vmem>>, vector<1x16xf32>,
      %get3A_328 = vector.shape_cast %get3A_327 : vector<1x16xf32> to vector<16xf32>
      %mul3A_329 = arith.mulf %get3A_328, %get3A_328 : vector<16xf32>
      %add3A_330 = arith.addf %scan3A_307, %mul3A_329 : vector<16xf32>
      %mul3A_331 = arith.constant 16 : i32
      %mul3A_332 = arith.muli %scan3A_305, %mul3A_331 : i32
      %get3A_333 = arith.constant 2 : i32
      %get3A_334 = arith.index_cast %get3A_333 : i32 to index
      %get3A_335 = arith.index_cast %mul3A_332 : i32 to index
      %get3A_336 = tpu.vector_load %arg6[%get3A_334, %get3A_335] {strides = array<i32>} : memref<8x2048xf32, #tpu.memory_space<vmem>>, vector<1x16xf32>,
      %get3A_337 = vector.shape_cast %get3A_336 : vector<1x16xf32> to vector<16xf32>
      %mul3A_338 = arith.mulf %get3A_337, %get3A_337 : vector<16xf32>
      %add3A_339 = arith.addf %scan3A_308, %mul3A_338 : vector<16xf32>
      %mul3A_340 = arith.constant 16 : i32
      %mul3A_341 = arith.muli %scan3A_305, %mul3A_340 : i32
      %get3A_342 = arith.constant 3 : i32
      %get3A_343 = arith.index_cast %get3A_342 : i32 to index
      %get3A_344 = arith.index_cast %mul3A_341 : i32 to index
      %get3A_345 = tpu.vector_load %arg6[%get3A_343, %get3A_344] {strides = array<i32>} : memref<8x2048xf32, #tpu.memory_space<vmem>>, vector<1x16xf32>,
      %get3A_346 = vector.shape_cast %get3A_345 : vector<1x16xf32> to vector<16xf32>
      %mul3A_347 = arith.mulf %get3A_346, %get3A_346 : vector<16xf32>
      %add3A_348 = arith.addf %scan3A_309, %mul3A_347 : vector<16xf32>
      %mul3A_349 = arith.constant 16 : i32
      %mul3A_350 = arith.muli %scan3A_305, %mul3A_349 : i32
      %get3A_351 = arith.constant 4 : i32
      %get3A_352 = arith.index_cast %get3A_351 : i32 to index
      %get3A_353 = arith.index_cast %mul3A_350 : i32 to index
      %get3A_354 = tpu.vector_load %arg6[%get3A_352, %get3A_353] {strides = array<i32>} : memref<8x2048xf32, #tpu.memory_space<vmem>>, vector<1x16xf32>,
      %get3A_355 = vector.shape_cast %get3A_354 : vector<1x16xf32> to vector<16xf32>
      %mul3A_356 = arith.mulf %get3A_355, %get3A_355 : vector<16xf32>
      %add3A_357 = arith.addf %scan3A_310, %mul3A_356 : vector<16xf32>
      %mul3A_358 = arith.constant 16 : i32
      %mul3A_359 = arith.muli %scan3A_305, %mul3A_358 : i32
      %get3A_360 = arith.constant 5 : i32
      %get3A_361 = arith.index_cast %get3A_360 : i32 to index
      %get3A_362 = arith.index_cast %mul3A_359 : i32 to index
      %get3A_363 = tpu.vector_load %arg6[%get3A_361, %get3A_362] {strides = array<i32>} : memref<8x2048xf32, #tpu.memory_space<vmem>>, vector<1x16xf32>,
      %get3A_364 = vector.shape_cast %get3A_363 : vector<1x16xf32> to vector<16xf32>
      %mul3A_365 = arith.mulf %get3A_364, %get3A_364 : vector<16xf32>
      %add3A_366 = arith.addf %scan3A_311, %mul3A_365 : vector<16xf32>
      %mul3A_367 = arith.constant 16 : i32
      %mul3A_368 = arith.muli %scan3A_305, %mul3A_367 : i32
      %get3A_369 = arith.constant 6 : i32
      %get3A_370 = arith.index_cast %get3A_369 : i32 to index
      %get3A_371 = arith.index_cast %mul3A_368 : i32 to index
      %get3A_372 = tpu.vector_load %arg6[%get3A_370, %get3A_371] {strides = array<i32>} : memref<8x2048xf32, #tpu.memory_space<vmem>>, vector<1x16xf32>,
      %get3A_373 = vector.shape_cast %get3A_372 : vector<1x16xf32> to vector<16xf32>
      %mul3A_374 = arith.mulf %get3A_373, %get3A_373 : vector<16xf32>
      %add3A_375 = arith.addf %scan3A_312, %mul3A_374 : vector<16xf32>
      %mul3A_376 = arith.constant 16 : i32
      %mul3A_377 = arith.muli %scan3A_305, %mul3A_376 : i32
      %get3A_378 = arith.constant 7 : i32
      %get3A_379 = arith.index_cast %get3A_378 : i32 to index
      %get3A_380 = arith.index_cast %mul3A_377 : i32 to index
      %get3A_381 = tpu.vector_load %arg6[%get3A_379, %get3A_380] {strides = array<i32>} : memref<8x2048xf32, #tpu.memory_space<vmem>>, vector<1x16xf32>,
      %get3A_382 = vector.shape_cast %get3A_381 : vector<1x16xf32> to vector<16xf32>
      %mul3A_383 = arith.mulf %get3A_382, %get3A_382 : vector<16xf32>
      %add3A_384 = arith.addf %scan3A_313, %mul3A_383 : vector<16xf32>
      scf.yield %add3A_321, %add3A_330, %add3A_339, %add3A_348, %add3A_357, %add3A_366, %add3A_375, %add3A_384 : vector<16xf32>, vector<16xf32>, vector<16xf32>, vector<16xf32>, vector<16xf32>, vector<16xf32>, vector<16xf32>, vector<16xf32>
    }
    %scan3A_82 = arith.constant 128 : i32
    %add3A_83 = arith.constant 40 : i32
    %add3A_84 = arith.addi %mul3A_2, %add3A_83 : i32
    %dma_start3A_85 = arith.constant 0 : i32
    %dma_start3A_86 = tpu.memref_slice %arg2[%add3A_84, %dma_start3A_85] : memref<2048x2048xf32, #tpu.memory_space<hbm>> -> memref<8x2048xf32, #tpu.memory_space<hbm>>
    %dma_start3A_87 = arith.constant 0 : i32
    %dma_start3A_88 = tpu.memref_slice %arg2[%add3A_84, %dma_start3A_87] : memref<2048x2048xf32, #tpu.memory_space<hbm>> -> memref<8x2048xf32, #tpu.memory_space<hbm>>
    tpu.enqueue_dma source(%dma_start3A_88 : memref<8x2048xf32, #tpu.memory_space<hbm>>) target(%arg6 : memref<8x2048xf32, #tpu.memory_space<vmem>>) target_semaphore(%arg9 : memref<!tpu.dma_semaphore, #tpu.memory_space<semaphore_mem>>)
    %dma_wait3A_89 = arith.constant 0 : i32
    %dma_wait3A_90 = tpu.memref_slice %arg2[%add3A_68, %dma_wait3A_89] : memref<2048x2048xf32, #tpu.memory_space<hbm>> -> memref<8x2048xf32, #tpu.memory_space<hbm>>
    %dma_wait3A_91 = arith.constant 0 : i32
    %dma_wait3A_92 = tpu.memref_slice %arg2[%add3A_68, %dma_wait3A_91] : memref<2048x2048xf32, #tpu.memory_space<hbm>> -> memref<8x2048xf32, #tpu.memory_space<hbm>>
    tpu.wait_dma2 semaphore(%arg8 : memref<!tpu.dma_semaphore, #tpu.memory_space<semaphore_mem>>) src(%dma_wait3A_92 : memref<8x2048xf32, #tpu.memory_space<hbm>>) dst(%arg5 : memref<8x2048xf32, #tpu.memory_space<vmem>>)
    %scan3A_93 = arith.constant 0 : i32
    %scan3A_94 = arith.constant 128 : i32
    %scan3A_95 = arith.addi %scan3A_93, %scan3A_94 : i32
    %scan3A_96 = arith.constant 1 : i32
    %scan3A_97:8 = scf.for %scan3A_305 = %scan3A_93 to %scan3A_95 step %scan3A_96 iter_args(%scan3A_306 = %scan3A_81#0, %scan3A_307 = %scan3A_81#1, %scan3A_308 = %scan3A_81#2, %scan3A_309 = %scan3A_81#3, %scan3A_310 = %scan3A_81#4, %scan3A_311 = %scan3A_81#5, %scan3A_312 = %scan3A_81#6, %scan3A_313 = %scan3A_81#7) -> (vector<16xf32>, vector<16xf32>, vector<16xf32>, vector<16xf32>, vector<16xf32>, vector<16xf32>, vector<16xf32>, vector<16xf32>)  : i32 {
      %mul3A_314 = arith.constant 16 : i32
      %mul3A_315 = arith.muli %scan3A_305, %mul3A_314 : i32
      %get3A = arith.constant 0 : i32
      %get3A_316 = arith.index_cast %get3A : i32 to index
      %get3A_317 = arith.index_cast %mul3A_315 : i32 to index
      %get3A_318 = tpu.vector_load %arg5[%get3A_316, %get3A_317] {strides = array<i32>} : memref<8x2048xf32, #tpu.memory_space<vmem>>, vector<1x16xf32>,
      %get3A_319 = vector.shape_cast %get3A_318 : vector<1x16xf32> to vector<16xf32>
      %mul3A_320 = arith.mulf %get3A_319, %get3A_319 : vector<16xf32>
      %add3A_321 = arith.addf %scan3A_306, %mul3A_320 : vector<16xf32>
      %mul3A_322 = arith.constant 16 : i32
      %mul3A_323 = arith.muli %scan3A_305, %mul3A_322 : i32
      %get3A_324 = arith.constant 1 : i32
      %get3A_325 = arith.index_cast %get3A_324 : i32 to index
      %get3A_326 = arith.index_cast %mul3A_323 : i32 to index
      %get3A_327 = tpu.vector_load %arg5[%get3A_325, %get3A_326] {strides = array<i32>} : memref<8x2048xf32, #tpu.memory_space<vmem>>, vector<1x16xf32>,
      %get3A_328 = vector.shape_cast %get3A_327 : vector<1x16xf32> to vector<16xf32>
      %mul3A_329 = arith.mulf %get3A_328, %get3A_328 : vector<16xf32>
      %add3A_330 = arith.addf %scan3A_307, %mul3A_329 : vector<16xf32>
      %mul3A_331 = arith.constant 16 : i32
      %mul3A_332 = arith.muli %scan3A_305, %mul3A_331 : i32
      %get3A_333 = arith.constant 2 : i32
      %get3A_334 = arith.index_cast %get3A_333 : i32 to index
      %get3A_335 = arith.index_cast %mul3A_332 : i32 to index
      %get3A_336 = tpu.vector_load %arg5[%get3A_334, %get3A_335] {strides = array<i32>} : memref<8x2048xf32, #tpu.memory_space<vmem>>, vector<1x16xf32>,
      %get3A_337 = vector.shape_cast %get3A_336 : vector<1x16xf32> to vector<16xf32>
      %mul3A_338 = arith.mulf %get3A_337, %get3A_337 : vector<16xf32>
      %add3A_339 = arith.addf %scan3A_308, %mul3A_338 : vector<16xf32>
      %mul3A_340 = arith.constant 16 : i32
      %mul3A_341 = arith.muli %scan3A_305, %mul3A_340 : i32
      %get3A_342 = arith.constant 3 : i32
      %get3A_343 = arith.index_cast %get3A_342 : i32 to index
      %get3A_344 = arith.index_cast %mul3A_341 : i32 to index
      %get3A_345 = tpu.vector_load %arg5[%get3A_343, %get3A_344] {strides = array<i32>} : memref<8x2048xf32, #tpu.memory_space<vmem>>, vector<1x16xf32>,
      %get3A_346 = vector.shape_cast %get3A_345 : vector<1x16xf32> to vector<16xf32>
      %mul3A_347 = arith.mulf %get3A_346, %get3A_346 : vector<16xf32>
      %add3A_348 = arith.addf %scan3A_309, %mul3A_347 : vector<16xf32>
      %mul3A_349 = arith.constant 16 : i32
      %mul3A_350 = arith.muli %scan3A_305, %mul3A_349 : i32
      %get3A_351 = arith.constant 4 : i32
      %get3A_352 = arith.index_cast %get3A_351 : i32 to index
      %get3A_353 = arith.index_cast %mul3A_350 : i32 to index
      %get3A_354 = tpu.vector_load %arg5[%get3A_352, %get3A_353] {strides = array<i32>} : memref<8x2048xf32, #tpu.memory_space<vmem>>, vector<1x16xf32>,
      %get3A_355 = vector.shape_cast %get3A_354 : vector<1x16xf32> to vector<16xf32>
      %mul3A_356 = arith.mulf %get3A_355, %get3A_355 : vector<16xf32>
      %add3A_357 = arith.addf %scan3A_310, %mul3A_356 : vector<16xf32>
      %mul3A_358 = arith.constant 16 : i32
      %mul3A_359 = arith.muli %scan3A_305, %mul3A_358 : i32
      %get3A_360 = arith.constant 5 : i32
      %get3A_361 = arith.index_cast %get3A_360 : i32 to index
      %get3A_362 = arith.index_cast %mul3A_359 : i32 to index
      %get3A_363 = tpu.vector_load %arg5[%get3A_361, %get3A_362] {strides = array<i32>} : memref<8x2048xf32, #tpu.memory_space<vmem>>, vector<1x16xf32>,
      %get3A_364 = vector.shape_cast %get3A_363 : vector<1x16xf32> to vector<16xf32>
      %mul3A_365 = arith.mulf %get3A_364, %get3A_364 : vector<16xf32>
      %add3A_366 = arith.addf %scan3A_311, %mul3A_365 : vector<16xf32>
      %mul3A_367 = arith.constant 16 : i32
      %mul3A_368 = arith.muli %scan3A_305, %mul3A_367 : i32
      %get3A_369 = arith.constant 6 : i32
      %get3A_370 = arith.index_cast %get3A_369 : i32 to index
      %get3A_371 = arith.index_cast %mul3A_368 : i32 to index
      %get3A_372 = tpu.vector_load %arg5[%get3A_370, %get3A_371] {strides = array<i32>} : memref<8x2048xf32, #tpu.memory_space<vmem>>, vector<1x16xf32>,
      %get3A_373 = vector.shape_cast %get3A_372 : vector<1x16xf32> to vector<16xf32>
      %mul3A_374 = arith.mulf %get3A_373, %get3A_373 : vector<16xf32>
      %add3A_375 = arith.addf %scan3A_312, %mul3A_374 : vector<16xf32>
      %mul3A_376 = arith.constant 16 : i32
      %mul3A_377 = arith.muli %scan3A_305, %mul3A_376 : i32
      %get3A_378 = arith.constant 7 : i32
      %get3A_379 = arith.index_cast %get3A_378 : i32 to index
      %get3A_380 = arith.index_cast %mul3A_377 : i32 to index
      %get3A_381 = tpu.vector_load %arg5[%get3A_379, %get3A_380] {strides = array<i32>} : memref<8x2048xf32, #tpu.memory_space<vmem>>, vector<1x16xf32>,
      %get3A_382 = vector.shape_cast %get3A_381 : vector<1x16xf32> to vector<16xf32>
      %mul3A_383 = arith.mulf %get3A_382, %get3A_382 : vector<16xf32>
      %add3A_384 = arith.addf %scan3A_313, %mul3A_383 : vector<16xf32>
      scf.yield %add3A_321, %add3A_330, %add3A_339, %add3A_348, %add3A_357, %add3A_366, %add3A_375, %add3A_384 : vector<16xf32>, vector<16xf32>, vector<16xf32>, vector<16xf32>, vector<16xf32>, vector<16xf32>, vector<16xf32>, vector<16xf32>
    }
    %scan3A_98 = arith.constant 128 : i32
    %add3A_99 = arith.constant 48 : i32
    %add3A_100 = arith.addi %mul3A_2, %add3A_99 : i32
    %dma_start3A_101 = arith.constant 0 : i32
    %dma_start3A_102 = tpu.memref_slice %arg2[%add3A_100, %dma_start3A_101] : memref<2048x2048xf32, #tpu.memory_space<hbm>> -> memref<8x2048xf32, #tpu.memory_space<hbm>>
    %dma_start3A_103 = arith.constant 0 : i32
    %dma_start3A_104 = tpu.memref_slice %arg2[%add3A_100, %dma_start3A_103] : memref<2048x2048xf32, #tpu.memory_space<hbm>> -> memref<8x2048xf32, #tpu.memory_space<hbm>>
    tpu.enqueue_dma source(%dma_start3A_104 : memref<8x2048xf32, #tpu.memory_space<hbm>>) target(%arg5 : memref<8x2048xf32, #tpu.memory_space<vmem>>) target_semaphore(%arg8 : memref<!tpu.dma_semaphore, #tpu.memory_space<semaphore_mem>>)
    %dma_wait3A_105 = arith.constant 0 : i32
    %dma_wait3A_106 = tpu.memref_slice %arg2[%add3A_84, %dma_wait3A_105] : memref<2048x2048xf32, #tpu.memory_space<hbm>> -> memref<8x2048xf32, #tpu.memory_space<hbm>>
    %dma_wait3A_107 = arith.constant 0 : i32
    %dma_wait3A_108 = tpu.memref_slice %arg2[%add3A_84, %dma_wait3A_107] : memref<2048x2048xf32, #tpu.memory_space<hbm>> -> memref<8x2048xf32, #tpu.memory_space<hbm>>
    tpu.wait_dma2 semaphore(%arg9 : memref<!tpu.dma_semaphore, #tpu.memory_space<semaphore_mem>>) src(%dma_wait3A_108 : memref<8x2048xf32, #tpu.memory_space<hbm>>) dst(%arg6 : memref<8x2048xf32, #tpu.memory_space<vmem>>)
    %scan3A_109 = arith.constant 0 : i32
    %scan3A_110 = arith.constant 128 : i32
    %scan3A_111 = arith.addi %scan3A_109, %scan3A_110 : i32
    %scan3A_112 = arith.constant 1 : i32
    %scan3A_113:8 = scf.for %scan3A_305 = %scan3A_109 to %scan3A_111 step %scan3A_112 iter_args(%scan3A_306 = %scan3A_97#0, %scan3A_307 = %scan3A_97#1, %scan3A_308 = %scan3A_97#2, %scan3A_309 = %scan3A_97#3, %scan3A_310 = %scan3A_97#4, %scan3A_311 = %scan3A_97#5, %scan3A_312 = %scan3A_97#6, %scan3A_313 = %scan3A_97#7) -> (vector<16xf32>, vector<16xf32>, vector<16xf32>, vector<16xf32>, vector<16xf32>, vector<16xf32>, vector<16xf32>, vector<16xf32>)  : i32 {
      %mul3A_314 = arith.constant 16 : i32
      %mul3A_315 = arith.muli %scan3A_305, %mul3A_314 : i32
      %get3A = arith.constant 0 : i32
      %get3A_316 = arith.index_cast %get3A : i32 to index
      %get3A_317 = arith.index_cast %mul3A_315 : i32 to index
      %get3A_318 = tpu.vector_load %arg6[%get3A_316, %get3A_317] {strides = array<i32>} : memref<8x2048xf32, #tpu.memory_space<vmem>>, vector<1x16xf32>,
      %get3A_319 = vector.shape_cast %get3A_318 : vector<1x16xf32> to vector<16xf32>
      %mul3A_320 = arith.mulf %get3A_319, %get3A_319 : vector<16xf32>
      %add3A_321 = arith.addf %scan3A_306, %mul3A_320 : vector<16xf32>
      %mul3A_322 = arith.constant 16 : i32
      %mul3A_323 = arith.muli %scan3A_305, %mul3A_322 : i32
      %get3A_324 = arith.constant 1 : i32
      %get3A_325 = arith.index_cast %get3A_324 : i32 to index
      %get3A_326 = arith.index_cast %mul3A_323 : i32 to index
      %get3A_327 = tpu.vector_load %arg6[%get3A_325, %get3A_326] {strides = array<i32>} : memref<8x2048xf32, #tpu.memory_space<vmem>>, vector<1x16xf32>,
      %get3A_328 = vector.shape_cast %get3A_327 : vector<1x16xf32> to vector<16xf32>
      %mul3A_329 = arith.mulf %get3A_328, %get3A_328 : vector<16xf32>
      %add3A_330 = arith.addf %scan3A_307, %mul3A_329 : vector<16xf32>
      %mul3A_331 = arith.constant 16 : i32
      %mul3A_332 = arith.muli %scan3A_305, %mul3A_331 : i32
      %get3A_333 = arith.constant 2 : i32
      %get3A_334 = arith.index_cast %get3A_333 : i32 to index
      %get3A_335 = arith.index_cast %mul3A_332 : i32 to index
      %get3A_336 = tpu.vector_load %arg6[%get3A_334, %get3A_335] {strides = array<i32>} : memref<8x2048xf32, #tpu.memory_space<vmem>>, vector<1x16xf32>,
      %get3A_337 = vector.shape_cast %get3A_336 : vector<1x16xf32> to vector<16xf32>
      %mul3A_338 = arith.mulf %get3A_337, %get3A_337 : vector<16xf32>
      %add3A_339 = arith.addf %scan3A_308, %mul3A_338 : vector<16xf32>
      %mul3A_340 = arith.constant 16 : i32
      %mul3A_341 = arith.muli %scan3A_305, %mul3A_340 : i32
      %get3A_342 = arith.constant 3 : i32
      %get3A_343 = arith.index_cast %get3A_342 : i32 to index
      %get3A_344 = arith.index_cast %mul3A_341 : i32 to index
      %get3A_345 = tpu.vector_load %arg6[%get3A_343, %get3A_344] {strides = array<i32>} : memref<8x2048xf32, #tpu.memory_space<vmem>>, vector<1x16xf32>,
      %get3A_346 = vector.shape_cast %get3A_345 : vector<1x16xf32> to vector<16xf32>
      %mul3A_347 = arith.mulf %get3A_346, %get3A_346 : vector<16xf32>
      %add3A_348 = arith.addf %scan3A_309, %mul3A_347 : vector<16xf32>
      %mul3A_349 = arith.constant 16 : i32
      %mul3A_350 = arith.muli %scan3A_305, %mul3A_349 : i32
      %get3A_351 = arith.constant 4 : i32
      %get3A_352 = arith.index_cast %get3A_351 : i32 to index
      %get3A_353 = arith.index_cast %mul3A_350 : i32 to index
      %get3A_354 = tpu.vector_load %arg6[%get3A_352, %get3A_353] {strides = array<i32>} : memref<8x2048xf32, #tpu.memory_space<vmem>>, vector<1x16xf32>,
      %get3A_355 = vector.shape_cast %get3A_354 : vector<1x16xf32> to vector<16xf32>
      %mul3A_356 = arith.mulf %get3A_355, %get3A_355 : vector<16xf32>
      %add3A_357 = arith.addf %scan3A_310, %mul3A_356 : vector<16xf32>
      %mul3A_358 = arith.constant 16 : i32
      %mul3A_359 = arith.muli %scan3A_305, %mul3A_358 : i32
      %get3A_360 = arith.constant 5 : i32
      %get3A_361 = arith.index_cast %get3A_360 : i32 to index
      %get3A_362 = arith.index_cast %mul3A_359 : i32 to index
      %get3A_363 = tpu.vector_load %arg6[%get3A_361, %get3A_362] {strides = array<i32>} : memref<8x2048xf32, #tpu.memory_space<vmem>>, vector<1x16xf32>,
      %get3A_364 = vector.shape_cast %get3A_363 : vector<1x16xf32> to vector<16xf32>
      %mul3A_365 = arith.mulf %get3A_364, %get3A_364 : vector<16xf32>
      %add3A_366 = arith.addf %scan3A_311, %mul3A_365 : vector<16xf32>
      %mul3A_367 = arith.constant 16 : i32
      %mul3A_368 = arith.muli %scan3A_305, %mul3A_367 : i32
      %get3A_369 = arith.constant 6 : i32
      %get3A_370 = arith.index_cast %get3A_369 : i32 to index
      %get3A_371 = arith.index_cast %mul3A_368 : i32 to index
      %get3A_372 = tpu.vector_load %arg6[%get3A_370, %get3A_371] {strides = array<i32>} : memref<8x2048xf32, #tpu.memory_space<vmem>>, vector<1x16xf32>,
      %get3A_373 = vector.shape_cast %get3A_372 : vector<1x16xf32> to vector<16xf32>
      %mul3A_374 = arith.mulf %get3A_373, %get3A_373 : vector<16xf32>
      %add3A_375 = arith.addf %scan3A_312, %mul3A_374 : vector<16xf32>
      %mul3A_376 = arith.constant 16 : i32
      %mul3A_377 = arith.muli %scan3A_305, %mul3A_376 : i32
      %get3A_378 = arith.constant 7 : i32
      %get3A_379 = arith.index_cast %get3A_378 : i32 to index
      %get3A_380 = arith.index_cast %mul3A_377 : i32 to index
      %get3A_381 = tpu.vector_load %arg6[%get3A_379, %get3A_380] {strides = array<i32>} : memref<8x2048xf32, #tpu.memory_space<vmem>>, vector<1x16xf32>,
      %get3A_382 = vector.shape_cast %get3A_381 : vector<1x16xf32> to vector<16xf32>
      %mul3A_383 = arith.mulf %get3A_382, %get3A_382 : vector<16xf32>
      %add3A_384 = arith.addf %scan3A_313, %mul3A_383 : vector<16xf32>
      scf.yield %add3A_321, %add3A_330, %add3A_339, %add3A_348, %add3A_357, %add3A_366, %add3A_375, %add3A_384 : vector<16xf32>, vector<16xf32>, vector<16xf32>, vector<16xf32>, vector<16xf32>, vector<16xf32>, vector<16xf32>, vector<16xf32>
    }
    %scan3A_114 = arith.constant 128 : i32
    %add3A_115 = arith.constant 56 : i32
    %add3A_116 = arith.addi %mul3A_2, %add3A_115 : i32
    %dma_start3A_117 = arith.constant 0 : i32
    %dma_start3A_118 = tpu.memref_slice %arg2[%add3A_116, %dma_start3A_117] : memref<2048x2048xf32, #tpu.memory_space<hbm>> -> memref<8x2048xf32, #tpu.memory_space<hbm>>
    %dma_start3A_119 = arith.constant 0 : i32
    %dma_start3A_120 = tpu.memref_slice %arg2[%add3A_116, %dma_start3A_119] : memref<2048x2048xf32, #tpu.memory_space<hbm>> -> memref<8x2048xf32, #tpu.memory_space<hbm>>
    tpu.enqueue_dma source(%dma_start3A_120 : memref<8x2048xf32, #tpu.memory_space<hbm>>) target(%arg6 : memref<8x2048xf32, #tpu.memory_space<vmem>>) target_semaphore(%arg9 : memref<!tpu.dma_semaphore, #tpu.memory_space<semaphore_mem>>)
    %dma_wait3A_121 = arith.constant 0 : i32
    %dma_wait3A_122 = tpu.memref_slice %arg2[%add3A_100, %dma_wait3A_121] : memref<2048x2048xf32, #tpu.memory_space<hbm>> -> memref<8x2048xf32, #tpu.memory_space<hbm>>
    %dma_wait3A_123 = arith.constant 0 : i32
    %dma_wait3A_124 = tpu.memref_slice %arg2[%add3A_100, %dma_wait3A_123] : memref<2048x2048xf32, #tpu.memory_space<hbm>> -> memref<8x2048xf32, #tpu.memory_space<hbm>>
    tpu.wait_dma2 semaphore(%arg8 : memref<!tpu.dma_semaphore, #tpu.memory_space<semaphore_mem>>) src(%dma_wait3A_124 : memref<8x2048xf32, #tpu.memory_space<hbm>>) dst(%arg5 : memref<8x2048xf32, #tpu.memory_space<vmem>>)
    %scan3A_125 = arith.constant 0 : i32
    %scan3A_126 = arith.constant 128 : i32
    %scan3A_127 = arith.addi %scan3A_125, %scan3A_126 : i32
    %scan3A_128 = arith.constant 1 : i32
    %scan3A_129:8 = scf.for %scan3A_305 = %scan3A_125 to %scan3A_127 step %scan3A_128 iter_args(%scan3A_306 = %scan3A_113#0, %scan3A_307 = %scan3A_113#1, %scan3A_308 = %scan3A_113#2, %scan3A_309 = %scan3A_113#3, %scan3A_310 = %scan3A_113#4, %scan3A_311 = %scan3A_113#5, %scan3A_312 = %scan3A_113#6, %scan3A_313 = %scan3A_113#7) -> (vector<16xf32>, vector<16xf32>, vector<16xf32>, vector<16xf32>, vector<16xf32>, vector<16xf32>, vector<16xf32>, vector<16xf32>)  : i32 {
      %mul3A_314 = arith.constant 16 : i32
      %mul3A_315 = arith.muli %scan3A_305, %mul3A_314 : i32
      %get3A = arith.constant 0 : i32
      %get3A_316 = arith.index_cast %get3A : i32 to index
      %get3A_317 = arith.index_cast %mul3A_315 : i32 to index
      %get3A_318 = tpu.vector_load %arg5[%get3A_316, %get3A_317] {strides = array<i32>} : memref<8x2048xf32, #tpu.memory_space<vmem>>, vector<1x16xf32>,
      %get3A_319 = vector.shape_cast %get3A_318 : vector<1x16xf32> to vector<16xf32>
      %mul3A_320 = arith.mulf %get3A_319, %get3A_319 : vector<16xf32>
      %add3A_321 = arith.addf %scan3A_306, %mul3A_320 : vector<16xf32>
      %mul3A_322 = arith.constant 16 : i32
      %mul3A_323 = arith.muli %scan3A_305, %mul3A_322 : i32
      %get3A_324 = arith.constant 1 : i32
      %get3A_325 = arith.index_cast %get3A_324 : i32 to index
      %get3A_326 = arith.index_cast %mul3A_323 : i32 to index
      %get3A_327 = tpu.vector_load %arg5[%get3A_325, %get3A_326] {strides = array<i32>} : memref<8x2048xf32, #tpu.memory_space<vmem>>, vector<1x16xf32>,
      %get3A_328 = vector.shape_cast %get3A_327 : vector<1x16xf32> to vector<16xf32>
      %mul3A_329 = arith.mulf %get3A_328, %get3A_328 : vector<16xf32>
      %add3A_330 = arith.addf %scan3A_307, %mul3A_329 : vector<16xf32>
      %mul3A_331 = arith.constant 16 : i32
      %mul3A_332 = arith.muli %scan3A_305, %mul3A_331 : i32
      %get3A_333 = arith.constant 2 : i32
      %get3A_334 = arith.index_cast %get3A_333 : i32 to index
      %get3A_335 = arith.index_cast %mul3A_332 : i32 to index
      %get3A_336 = tpu.vector_load %arg5[%get3A_334, %get3A_335] {strides = array<i32>} : memref<8x2048xf32, #tpu.memory_space<vmem>>, vector<1x16xf32>,
      %get3A_337 = vector.shape_cast %get3A_336 : vector<1x16xf32> to vector<16xf32>
      %mul3A_338 = arith.mulf %get3A_337, %get3A_337 : vector<16xf32>
      %add3A_339 = arith.addf %scan3A_308, %mul3A_338 : vector<16xf32>
      %mul3A_340 = arith.constant 16 : i32
      %mul3A_341 = arith.muli %scan3A_305, %mul3A_340 : i32
      %get3A_342 = arith.constant 3 : i32
      %get3A_343 = arith.index_cast %get3A_342 : i32 to index
      %get3A_344 = arith.index_cast %mul3A_341 : i32 to index
      %get3A_345 = tpu.vector_load %arg5[%get3A_343, %get3A_344] {strides = array<i32>} : memref<8x2048xf32, #tpu.memory_space<vmem>>, vector<1x16xf32>,
      %get3A_346 = vector.shape_cast %get3A_345 : vector<1x16xf32> to vector<16xf32>
      %mul3A_347 = arith.mulf %get3A_346, %get3A_346 : vector<16xf32>
      %add3A_348 = arith.addf %scan3A_309, %mul3A_347 : vector<16xf32>
      %mul3A_349 = arith.constant 16 : i32
      %mul3A_350 = arith.muli %scan3A_305, %mul3A_349 : i32
      %get3A_351 = arith.constant 4 : i32
      %get3A_352 = arith.index_cast %get3A_351 : i32 to index
      %get3A_353 = arith.index_cast %mul3A_350 : i32 to index
      %get3A_354 = tpu.vector_load %arg5[%get3A_352, %get3A_353] {strides = array<i32>} : memref<8x2048xf32, #tpu.memory_space<vmem>>, vector<1x16xf32>,
      %get3A_355 = vector.shape_cast %get3A_354 : vector<1x16xf32> to vector<16xf32>
      %mul3A_356 = arith.mulf %get3A_355, %get3A_355 : vector<16xf32>
      %add3A_357 = arith.addf %scan3A_310, %mul3A_356 : vector<16xf32>
      %mul3A_358 = arith.constant 16 : i32
      %mul3A_359 = arith.muli %scan3A_305, %mul3A_358 : i32
      %get3A_360 = arith.constant 5 : i32
      %get3A_361 = arith.index_cast %get3A_360 : i32 to index
      %get3A_362 = arith.index_cast %mul3A_359 : i32 to index
      %get3A_363 = tpu.vector_load %arg5[%get3A_361, %get3A_362] {strides = array<i32>} : memref<8x2048xf32, #tpu.memory_space<vmem>>, vector<1x16xf32>,
      %get3A_364 = vector.shape_cast %get3A_363 : vector<1x16xf32> to vector<16xf32>
      %mul3A_365 = arith.mulf %get3A_364, %get3A_364 : vector<16xf32>
      %add3A_366 = arith.addf %scan3A_311, %mul3A_365 : vector<16xf32>
      %mul3A_367 = arith.constant 16 : i32
      %mul3A_368 = arith.muli %scan3A_305, %mul3A_367 : i32
      %get3A_369 = arith.constant 6 : i32
      %get3A_370 = arith.index_cast %get3A_369 : i32 to index
      %get3A_371 = arith.index_cast %mul3A_368 : i32 to index
      %get3A_372 = tpu.vector_load %arg5[%get3A_370, %get3A_371] {strides = array<i32>} : memref<8x2048xf32, #tpu.memory_space<vmem>>, vector<1x16xf32>,
      %get3A_373 = vector.shape_cast %get3A_372 : vector<1x16xf32> to vector<16xf32>
      %mul3A_374 = arith.mulf %get3A_373, %get3A_373 : vector<16xf32>
      %add3A_375 = arith.addf %scan3A_312, %mul3A_374 : vector<16xf32>
      %mul3A_376 = arith.constant 16 : i32
      %mul3A_377 = arith.muli %scan3A_305, %mul3A_376 : i32
      %get3A_378 = arith.constant 7 : i32
      %get3A_379 = arith.index_cast %get3A_378 : i32 to index
      %get3A_380 = arith.index_cast %mul3A_377 : i32 to index
      %get3A_381 = tpu.vector_load %arg5[%get3A_379, %get3A_380] {strides = array<i32>} : memref<8x2048xf32, #tpu.memory_space<vmem>>, vector<1x16xf32>,
      %get3A_382 = vector.shape_cast %get3A_381 : vector<1x16xf32> to vector<16xf32>
      %mul3A_383 = arith.mulf %get3A_382, %get3A_382 : vector<16xf32>
      %add3A_384 = arith.addf %scan3A_313, %mul3A_383 : vector<16xf32>
      scf.yield %add3A_321, %add3A_330, %add3A_339, %add3A_348, %add3A_357, %add3A_366, %add3A_375, %add3A_384 : vector<16xf32>, vector<16xf32>, vector<16xf32>, vector<16xf32>, vector<16xf32>, vector<16xf32>, vector<16xf32>, vector<16xf32>
    }
    %scan3A_130 = arith.constant 128 : i32
    %dma_wait3A_131 = arith.constant 0 : i32
    %dma_wait3A_132 = tpu.memref_slice %arg2[%add3A_116, %dma_wait3A_131] : memref<2048x2048xf32, #tpu.memory_space<hbm>> -> memref<8x2048xf32, #tpu.memory_space<hbm>>
    %dma_wait3A_133 = arith.constant 0 : i32
    %dma_wait3A_134 = tpu.memref_slice %arg2[%add3A_116, %dma_wait3A_133] : memref<2048x2048xf32, #tpu.memory_space<hbm>> -> memref<8x2048xf32, #tpu.memory_space<hbm>>
    tpu.wait_dma2 semaphore(%arg9 : memref<!tpu.dma_semaphore, #tpu.memory_space<semaphore_mem>>) src(%dma_wait3A_134 : memref<8x2048xf32, #tpu.memory_space<hbm>>) dst(%arg6 : memref<8x2048xf32, #tpu.memory_space<vmem>>)
    %scan3A_135 = arith.constant 0 : i32
    %scan3A_136 = arith.constant 128 : i32
    %scan3A_137 = arith.addi %scan3A_135, %scan3A_136 : i32
    %scan3A_138 = arith.constant 1 : i32
    %scan3A_139:8 = scf.for %scan3A_305 = %scan3A_135 to %scan3A_137 step %scan3A_138 iter_args(%scan3A_306 = %scan3A_129#0, %scan3A_307 = %scan3A_129#1, %scan3A_308 = %scan3A_129#2, %scan3A_309 = %scan3A_129#3, %scan3A_310 = %scan3A_129#4, %scan3A_311 = %scan3A_129#5, %scan3A_312 = %scan3A_129#6, %scan3A_313 = %scan3A_129#7) -> (vector<16xf32>, vector<16xf32>, vector<16xf32>, vector<16xf32>, vector<16xf32>, vector<16xf32>, vector<16xf32>, vector<16xf32>)  : i32 {
      %mul3A_314 = arith.constant 16 : i32
      %mul3A_315 = arith.muli %scan3A_305, %mul3A_314 : i32
      %get3A = arith.constant 0 : i32
      %get3A_316 = arith.index_cast %get3A : i32 to index
      %get3A_317 = arith.index_cast %mul3A_315 : i32 to index
      %get3A_318 = tpu.vector_load %arg6[%get3A_316, %get3A_317] {strides = array<i32>} : memref<8x2048xf32, #tpu.memory_space<vmem>>, vector<1x16xf32>,
      %get3A_319 = vector.shape_cast %get3A_318 : vector<1x16xf32> to vector<16xf32>
      %mul3A_320 = arith.mulf %get3A_319, %get3A_319 : vector<16xf32>
      %add3A_321 = arith.addf %scan3A_306, %mul3A_320 : vector<16xf32>
      %mul3A_322 = arith.constant 16 : i32
      %mul3A_323 = arith.muli %scan3A_305, %mul3A_322 : i32
      %get3A_324 = arith.constant 1 : i32
      %get3A_325 = arith.index_cast %get3A_324 : i32 to index
      %get3A_326 = arith.index_cast %mul3A_323 : i32 to index
      %get3A_327 = tpu.vector_load %arg6[%get3A_325, %get3A_326] {strides = array<i32>} : memref<8x2048xf32, #tpu.memory_space<vmem>>, vector<1x16xf32>,
      %get3A_328 = vector.shape_cast %get3A_327 : vector<1x16xf32> to vector<16xf32>
      %mul3A_329 = arith.mulf %get3A_328, %get3A_328 : vector<16xf32>
      %add3A_330 = arith.addf %scan3A_307, %mul3A_329 : vector<16xf32>
      %mul3A_331 = arith.constant 16 : i32
      %mul3A_332 = arith.muli %scan3A_305, %mul3A_331 : i32
      %get3A_333 = arith.constant 2 : i32
      %get3A_334 = arith.index_cast %get3A_333 : i32 to index
      %get3A_335 = arith.index_cast %mul3A_332 : i32 to index
      %get3A_336 = tpu.vector_load %arg6[%get3A_334, %get3A_335] {strides = array<i32>} : memref<8x2048xf32, #tpu.memory_space<vmem>>, vector<1x16xf32>,
      %get3A_337 = vector.shape_cast %get3A_336 : vector<1x16xf32> to vector<16xf32>
      %mul3A_338 = arith.mulf %get3A_337, %get3A_337 : vector<16xf32>
      %add3A_339 = arith.addf %scan3A_308, %mul3A_338 : vector<16xf32>
      %mul3A_340 = arith.constant 16 : i32
      %mul3A_341 = arith.muli %scan3A_305, %mul3A_340 : i32
      %get3A_342 = arith.constant 3 : i32
      %get3A_343 = arith.index_cast %get3A_342 : i32 to index
      %get3A_344 = arith.index_cast %mul3A_341 : i32 to index
      %get3A_345 = tpu.vector_load %arg6[%get3A_343, %get3A_344] {strides = array<i32>} : memref<8x2048xf32, #tpu.memory_space<vmem>>, vector<1x16xf32>,
      %get3A_346 = vector.shape_cast %get3A_345 : vector<1x16xf32> to vector<16xf32>
      %mul3A_347 = arith.mulf %get3A_346, %get3A_346 : vector<16xf32>
      %add3A_348 = arith.addf %scan3A_309, %mul3A_347 : vector<16xf32>
      %mul3A_349 = arith.constant 16 : i32
      %mul3A_350 = arith.muli %scan3A_305, %mul3A_349 : i32
      %get3A_351 = arith.constant 4 : i32
      %get3A_352 = arith.index_cast %get3A_351 : i32 to index
      %get3A_353 = arith.index_cast %mul3A_350 : i32 to index
      %get3A_354 = tpu.vector_load %arg6[%get3A_352, %get3A_353] {strides = array<i32>} : memref<8x2048xf32, #tpu.memory_space<vmem>>, vector<1x16xf32>,
      %get3A_355 = vector.shape_cast %get3A_354 : vector<1x16xf32> to vector<16xf32>
      %mul3A_356 = arith.mulf %get3A_355, %get3A_355 : vector<16xf32>
      %add3A_357 = arith.addf %scan3A_310, %mul3A_356 : vector<16xf32>
      %mul3A_358 = arith.constant 16 : i32
      %mul3A_359 = arith.muli %scan3A_305, %mul3A_358 : i32
      %get3A_360 = arith.constant 5 : i32
      %get3A_361 = arith.index_cast %get3A_360 : i32 to index
      %get3A_362 = arith.index_cast %mul3A_359 : i32 to index
      %get3A_363 = tpu.vector_load %arg6[%get3A_361, %get3A_362] {strides = array<i32>} : memref<8x2048xf32, #tpu.memory_space<vmem>>, vector<1x16xf32>,
      %get3A_364 = vector.shape_cast %get3A_363 : vector<1x16xf32> to vector<16xf32>
      %mul3A_365 = arith.mulf %get3A_364, %get3A_364 : vector<16xf32>
      %add3A_366 = arith.addf %scan3A_311, %mul3A_365 : vector<16xf32>
      %mul3A_367 = arith.constant 16 : i32
      %mul3A_368 = arith.muli %scan3A_305, %mul3A_367 : i32
      %get3A_369 = arith.constant 6 : i32
      %get3A_370 = arith.index_cast %get3A_369 : i32 to index
      %get3A_371 = arith.index_cast %mul3A_368 : i32 to index
      %get3A_372 = tpu.vector_load %arg6[%get3A_370, %get3A_371] {strides = array<i32>} : memref<8x2048xf32, #tpu.memory_space<vmem>>, vector<1x16xf32>,
      %get3A_373 = vector.shape_cast %get3A_372 : vector<1x16xf32> to vector<16xf32>
      %mul3A_374 = arith.mulf %get3A_373, %get3A_373 : vector<16xf32>
      %add3A_375 = arith.addf %scan3A_312, %mul3A_374 : vector<16xf32>
      %mul3A_376 = arith.constant 16 : i32
      %mul3A_377 = arith.muli %scan3A_305, %mul3A_376 : i32
      %get3A_378 = arith.constant 7 : i32
      %get3A_379 = arith.index_cast %get3A_378 : i32 to index
      %get3A_380 = arith.index_cast %mul3A_377 : i32 to index
      %get3A_381 = tpu.vector_load %arg6[%get3A_379, %get3A_380] {strides = array<i32>} : memref<8x2048xf32, #tpu.memory_space<vmem>>, vector<1x16xf32>,
      %get3A_382 = vector.shape_cast %get3A_381 : vector<1x16xf32> to vector<16xf32>
      %mul3A_383 = arith.mulf %get3A_382, %get3A_382 : vector<16xf32>
      %add3A_384 = arith.addf %scan3A_313, %mul3A_383 : vector<16xf32>
      scf.yield %add3A_321, %add3A_330, %add3A_339, %add3A_348, %add3A_357, %add3A_366, %add3A_375, %add3A_384 : vector<16xf32>, vector<16xf32>, vector<16xf32>, vector<16xf32>, vector<16xf32>, vector<16xf32>, vector<16xf32>, vector<16xf32>
    }
    %scan3A_140 = arith.constant 128 : i32
    %add3A_141 = arith.addf %scan3A_139#0, %scan3A_139#1 : vector<16xf32>
    %add3A_142 = arith.addf %add3A_141, %scan3A_139#2 : vector<16xf32>
    %add3A_143 = arith.addf %add3A_142, %scan3A_139#3 : vector<16xf32>
    %add3A_144 = arith.addf %add3A_143, %scan3A_139#4 : vector<16xf32>
    %add3A_145 = arith.addf %add3A_144, %scan3A_139#5 : vector<16xf32>
    %add3A_146 = arith.addf %add3A_145, %scan3A_139#6 : vector<16xf32>
    %add3A_147 = arith.addf %add3A_146, %scan3A_139#7 : vector<16xf32>
    %swap3A = arith.constant 0 : index
    %swap3A_148 = tpu.vector_load %arg7[%swap3A] {strides = array<i32>} : memref<16xf32, #tpu.memory_space<vmem>>, vector<16xf32>,
    %swap3A_149 = vector.shape_cast %swap3A_148 : vector<16xf32> to vector<16xf32>
    %swap3A_150 = vector.shape_cast %add3A_147 : vector<16xf32> to vector<16xf32>
    tpu.vector_store %arg7[%swap3A], %swap3A_150 {strides = array<i32>} : memref<16xf32, #tpu.memory_space<vmem>>, vector<16xf32>,
    %run_scoped3A = arith.constant 0 : i32
    "tpu.region"() ({
      %run_scoped3A_305 = tpu.sem_alloc : memref<!tpu.dma_semaphore, #tpu.memory_space<semaphore_mem>>
      %dma_start3A_306 = arith.constant 0 : i32
      %dma_start3A_307 = tpu.memref_slice %arg4[%run_scoped3A, %add3A, %dma_start3A_306] : memref<2x32x16xf32, #tpu.memory_space<hbm>> -> memref<1x1x16xf32, #tpu.memory_space<hbm>>
      %dma_start3A_308 = tpu.memref_squeeze %dma_start3A_307 : memref<1x1x16xf32, #tpu.memory_space<hbm>> -> memref<16xf32, #tpu.memory_space<hbm>>
      %dma_start3A_309 = arith.constant 0 : i32
      %dma_start3A_310 = tpu.memref_slice %arg4[%run_scoped3A, %add3A, %dma_start3A_309] : memref<2x32x16xf32, #tpu.memory_space<hbm>> -> memref<1x1x16xf32, #tpu.memory_space<hbm>>
      %dma_start3A_311 = tpu.memref_squeeze %dma_start3A_310 : memref<1x1x16xf32, #tpu.memory_space<hbm>> -> memref<16xf32, #tpu.memory_space<hbm>>
      tpu.enqueue_dma source(%arg7 : memref<16xf32, #tpu.memory_space<vmem>>) target(%dma_start3A_311 : memref<16xf32, #tpu.memory_space<hbm>>) target_semaphore(%run_scoped3A_305 : memref<!tpu.dma_semaphore, #tpu.memory_space<semaphore_mem>>)
      %dma_wait3A_312 = arith.constant 0 : i32
      %dma_wait3A_313 = tpu.memref_slice %arg4[%run_scoped3A, %add3A, %dma_wait3A_312] : memref<2x32x16xf32, #tpu.memory_space<hbm>> -> memref<1x1x16xf32, #tpu.memory_space<hbm>>
      %dma_wait3A_314 = tpu.memref_squeeze %dma_wait3A_313 : memref<1x1x16xf32, #tpu.memory_space<hbm>> -> memref<16xf32, #tpu.memory_space<hbm>>
      %dma_wait3A_315 = arith.constant 0 : i32
      %dma_wait3A_316 = tpu.memref_slice %arg4[%run_scoped3A, %add3A, %dma_wait3A_315] : memref<2x32x16xf32, #tpu.memory_space<hbm>> -> memref<1x1x16xf32, #tpu.memory_space<hbm>>
      %dma_wait3A_317 = tpu.memref_squeeze %dma_wait3A_316 : memref<1x1x16xf32, #tpu.memory_space<hbm>> -> memref<16xf32, #tpu.memory_space<hbm>>
      tpu.wait_dma2 semaphore(%run_scoped3A_305 : memref<!tpu.dma_semaphore, #tpu.memory_space<semaphore_mem>>) src(%arg7 : memref<16xf32, #tpu.memory_space<vmem>>) dst(%dma_wait3A_317 : memref<16xf32, #tpu.memory_space<hbm>>)
      tpu.yield
    }) : () -> ()
    %broadcast_in_dim3A_151 = arith.constant 0.000000e+00 : f32
    %broadcast_in_dim3A_152 = vector.broadcast %broadcast_in_dim3A_151 : f32 to vector<16xf32>
    %broadcast_in_dim3A_153 = arith.constant 0.000000e+00 : f32
    %broadcast_in_dim3A_154 = vector.broadcast %broadcast_in_dim3A_153 : f32 to vector<16xf32>
    %broadcast_in_dim3A_155 = arith.constant 0.000000e+00 : f32
    %broadcast_in_dim3A_156 = vector.broadcast %broadcast_in_dim3A_155 : f32 to vector<16xf32>
    %broadcast_in_dim3A_157 = arith.constant 0.000000e+00 : f32
    %broadcast_in_dim3A_158 = vector.broadcast %broadcast_in_dim3A_157 : f32 to vector<16xf32>
    %broadcast_in_dim3A_159 = arith.constant 0.000000e+00 : f32
    %broadcast_in_dim3A_160 = vector.broadcast %broadcast_in_dim3A_159 : f32 to vector<16xf32>
    %broadcast_in_dim3A_161 = arith.constant 0.000000e+00 : f32
    %broadcast_in_dim3A_162 = vector.broadcast %broadcast_in_dim3A_161 : f32 to vector<16xf32>
    %broadcast_in_dim3A_163 = arith.constant 0.000000e+00 : f32
    %broadcast_in_dim3A_164 = vector.broadcast %broadcast_in_dim3A_163 : f32 to vector<16xf32>
    %broadcast_in_dim3A_165 = arith.constant 0.000000e+00 : f32
    %broadcast_in_dim3A_166 = vector.broadcast %broadcast_in_dim3A_165 : f32 to vector<16xf32>
    %dma_start3A_167 = arith.constant 0 : i32
    %dma_start3A_168 = tpu.memref_slice %arg3[%mul3A_2, %dma_start3A_167] : memref<2048x2048xf32, #tpu.memory_space<hbm>> -> memref<8x2048xf32, #tpu.memory_space<hbm>>
    %dma_start3A_169 = arith.constant 0 : i32
    %dma_start3A_170 = tpu.memref_slice %arg3[%mul3A_2, %dma_start3A_169] : memref<2048x2048xf32, #tpu.memory_space<hbm>> -> memref<8x2048xf32, #tpu.memory_space<hbm>>
    tpu.enqueue_dma source(%dma_start3A_170 : memref<8x2048xf32, #tpu.memory_space<hbm>>) target(%arg5 : memref<8x2048xf32, #tpu.memory_space<vmem>>) target_semaphore(%arg8 : memref<!tpu.dma_semaphore, #tpu.memory_space<semaphore_mem>>)
    %add3A_171 = arith.constant 8 : i32
    %add3A_172 = arith.addi %mul3A_2, %add3A_171 : i32
    %dma_start3A_173 = arith.constant 0 : i32
    %dma_start3A_174 = tpu.memref_slice %arg3[%add3A_172, %dma_start3A_173] : memref<2048x2048xf32, #tpu.memory_space<hbm>> -> memref<8x2048xf32, #tpu.memory_space<hbm>>
    %dma_start3A_175 = arith.constant 0 : i32
    %dma_start3A_176 = tpu.memref_slice %arg3[%add3A_172, %dma_start3A_175] : memref<2048x2048xf32, #tpu.memory_space<hbm>> -> memref<8x2048xf32, #tpu.memory_space<hbm>>
    tpu.enqueue_dma source(%dma_start3A_176 : memref<8x2048xf32, #tpu.memory_space<hbm>>) target(%arg6 : memref<8x2048xf32, #tpu.memory_space<vmem>>) target_semaphore(%arg9 : memref<!tpu.dma_semaphore, #tpu.memory_space<semaphore_mem>>)
    %dma_wait3A_177 = arith.constant 0 : i32
    %dma_wait3A_178 = tpu.memref_slice %arg3[%mul3A_2, %dma_wait3A_177] : memref<2048x2048xf32, #tpu.memory_space<hbm>> -> memref<8x2048xf32, #tpu.memory_space<hbm>>
    %dma_wait3A_179 = arith.constant 0 : i32
    %dma_wait3A_180 = tpu.memref_slice %arg3[%mul3A_2, %dma_wait3A_179] : memref<2048x2048xf32, #tpu.memory_space<hbm>> -> memref<8x2048xf32, #tpu.memory_space<hbm>>
    tpu.wait_dma2 semaphore(%arg8 : memref<!tpu.dma_semaphore, #tpu.memory_space<semaphore_mem>>) src(%dma_wait3A_180 : memref<8x2048xf32, #tpu.memory_space<hbm>>) dst(%arg5 : memref<8x2048xf32, #tpu.memory_space<vmem>>)
    %scan3A_181 = arith.constant 0 : i32
    %scan3A_182 = arith.constant 128 : i32
    %scan3A_183 = arith.addi %scan3A_181, %scan3A_182 : i32
    %scan3A_184 = arith.constant 1 : i32
    %scan3A_185:8 = scf.for %scan3A_305 = %scan3A_181 to %scan3A_183 step %scan3A_184 iter_args(%scan3A_306 = %broadcast_in_dim3A_152, %scan3A_307 = %broadcast_in_dim3A_154, %scan3A_308 = %broadcast_in_dim3A_156, %scan3A_309 = %broadcast_in_dim3A_158, %scan3A_310 = %broadcast_in_dim3A_160, %scan3A_311 = %broadcast_in_dim3A_162, %scan3A_312 = %broadcast_in_dim3A_164, %scan3A_313 = %broadcast_in_dim3A_166) -> (vector<16xf32>, vector<16xf32>, vector<16xf32>, vector<16xf32>, vector<16xf32>, vector<16xf32>, vector<16xf32>, vector<16xf32>)  : i32 {
      %mul3A_314 = arith.constant 16 : i32
      %mul3A_315 = arith.muli %scan3A_305, %mul3A_314 : i32
      %get3A = arith.constant 0 : i32
      %get3A_316 = arith.index_cast %get3A : i32 to index
      %get3A_317 = arith.index_cast %mul3A_315 : i32 to index
      %get3A_318 = tpu.vector_load %arg5[%get3A_316, %get3A_317] {strides = array<i32>} : memref<8x2048xf32, #tpu.memory_space<vmem>>, vector<1x16xf32>,
      %get3A_319 = vector.shape_cast %get3A_318 : vector<1x16xf32> to vector<16xf32>
      %mul3A_320 = arith.mulf %get3A_319, %get3A_319 : vector<16xf32>
      %add3A_321 = arith.addf %scan3A_306, %mul3A_320 : vector<16xf32>
      %mul3A_322 = arith.constant 16 : i32
      %mul3A_323 = arith.muli %scan3A_305, %mul3A_322 : i32
      %get3A_324 = arith.constant 1 : i32
      %get3A_325 = arith.index_cast %get3A_324 : i32 to index
      %get3A_326 = arith.index_cast %mul3A_323 : i32 to index
      %get3A_327 = tpu.vector_load %arg5[%get3A_325, %get3A_326] {strides = array<i32>} : memref<8x2048xf32, #tpu.memory_space<vmem>>, vector<1x16xf32>,
      %get3A_328 = vector.shape_cast %get3A_327 : vector<1x16xf32> to vector<16xf32>
      %mul3A_329 = arith.mulf %get3A_328, %get3A_328 : vector<16xf32>
      %add3A_330 = arith.addf %scan3A_307, %mul3A_329 : vector<16xf32>
      %mul3A_331 = arith.constant 16 : i32
      %mul3A_332 = arith.muli %scan3A_305, %mul3A_331 : i32
      %get3A_333 = arith.constant 2 : i32
      %get3A_334 = arith.index_cast %get3A_333 : i32 to index
      %get3A_335 = arith.index_cast %mul3A_332 : i32 to index
      %get3A_336 = tpu.vector_load %arg5[%get3A_334, %get3A_335] {strides = array<i32>} : memref<8x2048xf32, #tpu.memory_space<vmem>>, vector<1x16xf32>,
      %get3A_337 = vector.shape_cast %get3A_336 : vector<1x16xf32> to vector<16xf32>
      %mul3A_338 = arith.mulf %get3A_337, %get3A_337 : vector<16xf32>
      %add3A_339 = arith.addf %scan3A_308, %mul3A_338 : vector<16xf32>
      %mul3A_340 = arith.constant 16 : i32
      %mul3A_341 = arith.muli %scan3A_305, %mul3A_340 : i32
      %get3A_342 = arith.constant 3 : i32
      %get3A_343 = arith.index_cast %get3A_342 : i32 to index
      %get3A_344 = arith.index_cast %mul3A_341 : i32 to index
      %get3A_345 = tpu.vector_load %arg5[%get3A_343, %get3A_344] {strides = array<i32>} : memref<8x2048xf32, #tpu.memory_space<vmem>>, vector<1x16xf32>,
      %get3A_346 = vector.shape_cast %get3A_345 : vector<1x16xf32> to vector<16xf32>
      %mul3A_347 = arith.mulf %get3A_346, %get3A_346 : vector<16xf32>
      %add3A_348 = arith.addf %scan3A_309, %mul3A_347 : vector<16xf32>
      %mul3A_349 = arith.constant 16 : i32
      %mul3A_350 = arith.muli %scan3A_305, %mul3A_349 : i32
      %get3A_351 = arith.constant 4 : i32
      %get3A_352 = arith.index_cast %get3A_351 : i32 to index
      %get3A_353 = arith.index_cast %mul3A_350 : i32 to index
      %get3A_354 = tpu.vector_load %arg5[%get3A_352, %get3A_353] {strides = array<i32>} : memref<8x2048xf32, #tpu.memory_space<vmem>>, vector<1x16xf32>,
      %get3A_355 = vector.shape_cast %get3A_354 : vector<1x16xf32> to vector<16xf32>
      %mul3A_356 = arith.mulf %get3A_355, %get3A_355 : vector<16xf32>
      %add3A_357 = arith.addf %scan3A_310, %mul3A_356 : vector<16xf32>
      %mul3A_358 = arith.constant 16 : i32
      %mul3A_359 = arith.muli %scan3A_305, %mul3A_358 : i32
      %get3A_360 = arith.constant 5 : i32
      %get3A_361 = arith.index_cast %get3A_360 : i32 to index
      %get3A_362 = arith.index_cast %mul3A_359 : i32 to index
      %get3A_363 = tpu.vector_load %arg5[%get3A_361, %get3A_362] {strides = array<i32>} : memref<8x2048xf32, #tpu.memory_space<vmem>>, vector<1x16xf32>,
      %get3A_364 = vector.shape_cast %get3A_363 : vector<1x16xf32> to vector<16xf32>
      %mul3A_365 = arith.mulf %get3A_364, %get3A_364 : vector<16xf32>
      %add3A_366 = arith.addf %scan3A_311, %mul3A_365 : vector<16xf32>
      %mul3A_367 = arith.constant 16 : i32
      %mul3A_368 = arith.muli %scan3A_305, %mul3A_367 : i32
      %get3A_369 = arith.constant 6 : i32
      %get3A_370 = arith.index_cast %get3A_369 : i32 to index
      %get3A_371 = arith.index_cast %mul3A_368 : i32 to index
      %get3A_372 = tpu.vector_load %arg5[%get3A_370, %get3A_371] {strides = array<i32>} : memref<8x2048xf32, #tpu.memory_space<vmem>>, vector<1x16xf32>,
      %get3A_373 = vector.shape_cast %get3A_372 : vector<1x16xf32> to vector<16xf32>
      %mul3A_374 = arith.mulf %get3A_373, %get3A_373 : vector<16xf32>
      %add3A_375 = arith.addf %scan3A_312, %mul3A_374 : vector<16xf32>
      %mul3A_376 = arith.constant 16 : i32
      %mul3A_377 = arith.muli %scan3A_305, %mul3A_376 : i32
      %get3A_378 = arith.constant 7 : i32
      %get3A_379 = arith.index_cast %get3A_378 : i32 to index
      %get3A_380 = arith.index_cast %mul3A_377 : i32 to index
      %get3A_381 = tpu.vector_load %arg5[%get3A_379, %get3A_380] {strides = array<i32>} : memref<8x2048xf32, #tpu.memory_space<vmem>>, vector<1x16xf32>,
      %get3A_382 = vector.shape_cast %get3A_381 : vector<1x16xf32> to vector<16xf32>
      %mul3A_383 = arith.mulf %get3A_382, %get3A_382 : vector<16xf32>
      %add3A_384 = arith.addf %scan3A_313, %mul3A_383 : vector<16xf32>
      scf.yield %add3A_321, %add3A_330, %add3A_339, %add3A_348, %add3A_357, %add3A_366, %add3A_375, %add3A_384 : vector<16xf32>, vector<16xf32>, vector<16xf32>, vector<16xf32>, vector<16xf32>, vector<16xf32>, vector<16xf32>, vector<16xf32>
    }
    %scan3A_186 = arith.constant 128 : i32
    %add3A_187 = arith.constant 16 : i32
    %add3A_188 = arith.addi %mul3A_2, %add3A_187 : i32
    %dma_start3A_189 = arith.constant 0 : i32
    %dma_start3A_190 = tpu.memref_slice %arg3[%add3A_188, %dma_start3A_189] : memref<2048x2048xf32, #tpu.memory_space<hbm>> -> memref<8x2048xf32, #tpu.memory_space<hbm>>
    %dma_start3A_191 = arith.constant 0 : i32
    %dma_start3A_192 = tpu.memref_slice %arg3[%add3A_188, %dma_start3A_191] : memref<2048x2048xf32, #tpu.memory_space<hbm>> -> memref<8x2048xf32, #tpu.memory_space<hbm>>
    tpu.enqueue_dma source(%dma_start3A_192 : memref<8x2048xf32, #tpu.memory_space<hbm>>) target(%arg5 : memref<8x2048xf32, #tpu.memory_space<vmem>>) target_semaphore(%arg8 : memref<!tpu.dma_semaphore, #tpu.memory_space<semaphore_mem>>)
    %dma_wait3A_193 = arith.constant 0 : i32
    %dma_wait3A_194 = tpu.memref_slice %arg3[%add3A_172, %dma_wait3A_193] : memref<2048x2048xf32, #tpu.memory_space<hbm>> -> memref<8x2048xf32, #tpu.memory_space<hbm>>
    %dma_wait3A_195 = arith.constant 0 : i32
    %dma_wait3A_196 = tpu.memref_slice %arg3[%add3A_172, %dma_wait3A_195] : memref<2048x2048xf32, #tpu.memory_space<hbm>> -> memref<8x2048xf32, #tpu.memory_space<hbm>>
    tpu.wait_dma2 semaphore(%arg9 : memref<!tpu.dma_semaphore, #tpu.memory_space<semaphore_mem>>) src(%dma_wait3A_196 : memref<8x2048xf32, #tpu.memory_space<hbm>>) dst(%arg6 : memref<8x2048xf32, #tpu.memory_space<vmem>>)
    %scan3A_197 = arith.constant 0 : i32
    %scan3A_198 = arith.constant 128 : i32
    %scan3A_199 = arith.addi %scan3A_197, %scan3A_198 : i32
    %scan3A_200 = arith.constant 1 : i32
    %scan3A_201:8 = scf.for %scan3A_305 = %scan3A_197 to %scan3A_199 step %scan3A_200 iter_args(%scan3A_306 = %scan3A_185#0, %scan3A_307 = %scan3A_185#1, %scan3A_308 = %scan3A_185#2, %scan3A_309 = %scan3A_185#3, %scan3A_310 = %scan3A_185#4, %scan3A_311 = %scan3A_185#5, %scan3A_312 = %scan3A_185#6, %scan3A_313 = %scan3A_185#7) -> (vector<16xf32>, vector<16xf32>, vector<16xf32>, vector<16xf32>, vector<16xf32>, vector<16xf32>, vector<16xf32>, vector<16xf32>)  : i32 {
      %mul3A_314 = arith.constant 16 : i32
      %mul3A_315 = arith.muli %scan3A_305, %mul3A_314 : i32
      %get3A = arith.constant 0 : i32
      %get3A_316 = arith.index_cast %get3A : i32 to index
      %get3A_317 = arith.index_cast %mul3A_315 : i32 to index
      %get3A_318 = tpu.vector_load %arg6[%get3A_316, %get3A_317] {strides = array<i32>} : memref<8x2048xf32, #tpu.memory_space<vmem>>, vector<1x16xf32>,
      %get3A_319 = vector.shape_cast %get3A_318 : vector<1x16xf32> to vector<16xf32>
      %mul3A_320 = arith.mulf %get3A_319, %get3A_319 : vector<16xf32>
      %add3A_321 = arith.addf %scan3A_306, %mul3A_320 : vector<16xf32>
      %mul3A_322 = arith.constant 16 : i32
      %mul3A_323 = arith.muli %scan3A_305, %mul3A_322 : i32
      %get3A_324 = arith.constant 1 : i32
      %get3A_325 = arith.index_cast %get3A_324 : i32 to index
      %get3A_326 = arith.index_cast %mul3A_323 : i32 to index
      %get3A_327 = tpu.vector_load %arg6[%get3A_325, %get3A_326] {strides = array<i32>} : memref<8x2048xf32, #tpu.memory_space<vmem>>, vector<1x16xf32>,
      %get3A_328 = vector.shape_cast %get3A_327 : vector<1x16xf32> to vector<16xf32>
      %mul3A_329 = arith.mulf %get3A_328, %get3A_328 : vector<16xf32>
      %add3A_330 = arith.addf %scan3A_307, %mul3A_329 : vector<16xf32>
      %mul3A_331 = arith.constant 16 : i32
      %mul3A_332 = arith.muli %scan3A_305, %mul3A_331 : i32
      %get3A_333 = arith.constant 2 : i32
      %get3A_334 = arith.index_cast %get3A_333 : i32 to index
      %get3A_335 = arith.index_cast %mul3A_332 : i32 to index
      %get3A_336 = tpu.vector_load %arg6[%get3A_334, %get3A_335] {strides = array<i32>} : memref<8x2048xf32, #tpu.memory_space<vmem>>, vector<1x16xf32>,
      %get3A_337 = vector.shape_cast %get3A_336 : vector<1x16xf32> to vector<16xf32>
      %mul3A_338 = arith.mulf %get3A_337, %get3A_337 : vector<16xf32>
      %add3A_339 = arith.addf %scan3A_308, %mul3A_338 : vector<16xf32>
      %mul3A_340 = arith.constant 16 : i32
      %mul3A_341 = arith.muli %scan3A_305, %mul3A_340 : i32
      %get3A_342 = arith.constant 3 : i32
      %get3A_343 = arith.index_cast %get3A_342 : i32 to index
      %get3A_344 = arith.index_cast %mul3A_341 : i32 to index
      %get3A_345 = tpu.vector_load %arg6[%get3A_343, %get3A_344] {strides = array<i32>} : memref<8x2048xf32, #tpu.memory_space<vmem>>, vector<1x16xf32>,
      %get3A_346 = vector.shape_cast %get3A_345 : vector<1x16xf32> to vector<16xf32>
      %mul3A_347 = arith.mulf %get3A_346, %get3A_346 : vector<16xf32>
      %add3A_348 = arith.addf %scan3A_309, %mul3A_347 : vector<16xf32>
      %mul3A_349 = arith.constant 16 : i32
      %mul3A_350 = arith.muli %scan3A_305, %mul3A_349 : i32
      %get3A_351 = arith.constant 4 : i32
      %get3A_352 = arith.index_cast %get3A_351 : i32 to index
      %get3A_353 = arith.index_cast %mul3A_350 : i32 to index
      %get3A_354 = tpu.vector_load %arg6[%get3A_352, %get3A_353] {strides = array<i32>} : memref<8x2048xf32, #tpu.memory_space<vmem>>, vector<1x16xf32>,
      %get3A_355 = vector.shape_cast %get3A_354 : vector<1x16xf32> to vector<16xf32>
      %mul3A_356 = arith.mulf %get3A_355, %get3A_355 : vector<16xf32>
      %add3A_357 = arith.addf %scan3A_310, %mul3A_356 : vector<16xf32>
      %mul3A_358 = arith.constant 16 : i32
      %mul3A_359 = arith.muli %scan3A_305, %mul3A_358 : i32
      %get3A_360 = arith.constant 5 : i32
      %get3A_361 = arith.index_cast %get3A_360 : i32 to index
      %get3A_362 = arith.index_cast %mul3A_359 : i32 to index
      %get3A_363 = tpu.vector_load %arg6[%get3A_361, %get3A_362] {strides = array<i32>} : memref<8x2048xf32, #tpu.memory_space<vmem>>, vector<1x16xf32>,
      %get3A_364 = vector.shape_cast %get3A_363 : vector<1x16xf32> to vector<16xf32>
      %mul3A_365 = arith.mulf %get3A_364, %get3A_364 : vector<16xf32>
      %add3A_366 = arith.addf %scan3A_311, %mul3A_365 : vector<16xf32>
      %mul3A_367 = arith.constant 16 : i32
      %mul3A_368 = arith.muli %scan3A_305, %mul3A_367 : i32
      %get3A_369 = arith.constant 6 : i32
      %get3A_370 = arith.index_cast %get3A_369 : i32 to index
      %get3A_371 = arith.index_cast %mul3A_368 : i32 to index
      %get3A_372 = tpu.vector_load %arg6[%get3A_370, %get3A_371] {strides = array<i32>} : memref<8x2048xf32, #tpu.memory_space<vmem>>, vector<1x16xf32>,
      %get3A_373 = vector.shape_cast %get3A_372 : vector<1x16xf32> to vector<16xf32>
      %mul3A_374 = arith.mulf %get3A_373, %get3A_373 : vector<16xf32>
      %add3A_375 = arith.addf %scan3A_312, %mul3A_374 : vector<16xf32>
      %mul3A_376 = arith.constant 16 : i32
      %mul3A_377 = arith.muli %scan3A_305, %mul3A_376 : i32
      %get3A_378 = arith.constant 7 : i32
      %get3A_379 = arith.index_cast %get3A_378 : i32 to index
      %get3A_380 = arith.index_cast %mul3A_377 : i32 to index
      %get3A_381 = tpu.vector_load %arg6[%get3A_379, %get3A_380] {strides = array<i32>} : memref<8x2048xf32, #tpu.memory_space<vmem>>, vector<1x16xf32>,
      %get3A_382 = vector.shape_cast %get3A_381 : vector<1x16xf32> to vector<16xf32>
      %mul3A_383 = arith.mulf %get3A_382, %get3A_382 : vector<16xf32>
      %add3A_384 = arith.addf %scan3A_313, %mul3A_383 : vector<16xf32>
      scf.yield %add3A_321, %add3A_330, %add3A_339, %add3A_348, %add3A_357, %add3A_366, %add3A_375, %add3A_384 : vector<16xf32>, vector<16xf32>, vector<16xf32>, vector<16xf32>, vector<16xf32>, vector<16xf32>, vector<16xf32>, vector<16xf32>
    }
    %scan3A_202 = arith.constant 128 : i32
    %add3A_203 = arith.constant 24 : i32
    %add3A_204 = arith.addi %mul3A_2, %add3A_203 : i32
    %dma_start3A_205 = arith.constant 0 : i32
    %dma_start3A_206 = tpu.memref_slice %arg3[%add3A_204, %dma_start3A_205] : memref<2048x2048xf32, #tpu.memory_space<hbm>> -> memref<8x2048xf32, #tpu.memory_space<hbm>>
    %dma_start3A_207 = arith.constant 0 : i32
    %dma_start3A_208 = tpu.memref_slice %arg3[%add3A_204, %dma_start3A_207] : memref<2048x2048xf32, #tpu.memory_space<hbm>> -> memref<8x2048xf32, #tpu.memory_space<hbm>>
    tpu.enqueue_dma source(%dma_start3A_208 : memref<8x2048xf32, #tpu.memory_space<hbm>>) target(%arg6 : memref<8x2048xf32, #tpu.memory_space<vmem>>) target_semaphore(%arg9 : memref<!tpu.dma_semaphore, #tpu.memory_space<semaphore_mem>>)
    %dma_wait3A_209 = arith.constant 0 : i32
    %dma_wait3A_210 = tpu.memref_slice %arg3[%add3A_188, %dma_wait3A_209] : memref<2048x2048xf32, #tpu.memory_space<hbm>> -> memref<8x2048xf32, #tpu.memory_space<hbm>>
    %dma_wait3A_211 = arith.constant 0 : i32
    %dma_wait3A_212 = tpu.memref_slice %arg3[%add3A_188, %dma_wait3A_211] : memref<2048x2048xf32, #tpu.memory_space<hbm>> -> memref<8x2048xf32, #tpu.memory_space<hbm>>
    tpu.wait_dma2 semaphore(%arg8 : memref<!tpu.dma_semaphore, #tpu.memory_space<semaphore_mem>>) src(%dma_wait3A_212 : memref<8x2048xf32, #tpu.memory_space<hbm>>) dst(%arg5 : memref<8x2048xf32, #tpu.memory_space<vmem>>)
    %scan3A_213 = arith.constant 0 : i32
    %scan3A_214 = arith.constant 128 : i32
    %scan3A_215 = arith.addi %scan3A_213, %scan3A_214 : i32
    %scan3A_216 = arith.constant 1 : i32
    %scan3A_217:8 = scf.for %scan3A_305 = %scan3A_213 to %scan3A_215 step %scan3A_216 iter_args(%scan3A_306 = %scan3A_201#0, %scan3A_307 = %scan3A_201#1, %scan3A_308 = %scan3A_201#2, %scan3A_309 = %scan3A_201#3, %scan3A_310 = %scan3A_201#4, %scan3A_311 = %scan3A_201#5, %scan3A_312 = %scan3A_201#6, %scan3A_313 = %scan3A_201#7) -> (vector<16xf32>, vector<16xf32>, vector<16xf32>, vector<16xf32>, vector<16xf32>, vector<16xf32>, vector<16xf32>, vector<16xf32>)  : i32 {
      %mul3A_314 = arith.constant 16 : i32
      %mul3A_315 = arith.muli %scan3A_305, %mul3A_314 : i32
      %get3A = arith.constant 0 : i32
      %get3A_316 = arith.index_cast %get3A : i32 to index
      %get3A_317 = arith.index_cast %mul3A_315 : i32 to index
      %get3A_318 = tpu.vector_load %arg5[%get3A_316, %get3A_317] {strides = array<i32>} : memref<8x2048xf32, #tpu.memory_space<vmem>>, vector<1x16xf32>,
      %get3A_319 = vector.shape_cast %get3A_318 : vector<1x16xf32> to vector<16xf32>
      %mul3A_320 = arith.mulf %get3A_319, %get3A_319 : vector<16xf32>
      %add3A_321 = arith.addf %scan3A_306, %mul3A_320 : vector<16xf32>
      %mul3A_322 = arith.constant 16 : i32
      %mul3A_323 = arith.muli %scan3A_305, %mul3A_322 : i32
      %get3A_324 = arith.constant 1 : i32
      %get3A_325 = arith.index_cast %get3A_324 : i32 to index
      %get3A_326 = arith.index_cast %mul3A_323 : i32 to index
      %get3A_327 = tpu.vector_load %arg5[%get3A_325, %get3A_326] {strides = array<i32>} : memref<8x2048xf32, #tpu.memory_space<vmem>>, vector<1x16xf32>,
      %get3A_328 = vector.shape_cast %get3A_327 : vector<1x16xf32> to vector<16xf32>
      %mul3A_329 = arith.mulf %get3A_328, %get3A_328 : vector<16xf32>
      %add3A_330 = arith.addf %scan3A_307, %mul3A_329 : vector<16xf32>
      %mul3A_331 = arith.constant 16 : i32
      %mul3A_332 = arith.muli %scan3A_305, %mul3A_331 : i32
      %get3A_333 = arith.constant 2 : i32
      %get3A_334 = arith.index_cast %get3A_333 : i32 to index
      %get3A_335 = arith.index_cast %mul3A_332 : i32 to index
      %get3A_336 = tpu.vector_load %arg5[%get3A_334, %get3A_335] {strides = array<i32>} : memref<8x2048xf32, #tpu.memory_space<vmem>>, vector<1x16xf32>,
      %get3A_337 = vector.shape_cast %get3A_336 : vector<1x16xf32> to vector<16xf32>
      %mul3A_338 = arith.mulf %get3A_337, %get3A_337 : vector<16xf32>
      %add3A_339 = arith.addf %scan3A_308, %mul3A_338 : vector<16xf32>
      %mul3A_340 = arith.constant 16 : i32
      %mul3A_341 = arith.muli %scan3A_305, %mul3A_340 : i32
      %get3A_342 = arith.constant 3 : i32
      %get3A_343 = arith.index_cast %get3A_342 : i32 to index
      %get3A_344 = arith.index_cast %mul3A_341 : i32 to index
      %get3A_345 = tpu.vector_load %arg5[%get3A_343, %get3A_344] {strides = array<i32>} : memref<8x2048xf32, #tpu.memory_space<vmem>>, vector<1x16xf32>,
      %get3A_346 = vector.shape_cast %get3A_345 : vector<1x16xf32> to vector<16xf32>
      %mul3A_347 = arith.mulf %get3A_346, %get3A_346 : vector<16xf32>
      %add3A_348 = arith.addf %scan3A_309, %mul3A_347 : vector<16xf32>
      %mul3A_349 = arith.constant 16 : i32
      %mul3A_350 = arith.muli %scan3A_305, %mul3A_349 : i32
      %get3A_351 = arith.constant 4 : i32
      %get3A_352 = arith.index_cast %get3A_351 : i32 to index
      %get3A_353 = arith.index_cast %mul3A_350 : i32 to index
      %get3A_354 = tpu.vector_load %arg5[%get3A_352, %get3A_353] {strides = array<i32>} : memref<8x2048xf32, #tpu.memory_space<vmem>>, vector<1x16xf32>,
      %get3A_355 = vector.shape_cast %get3A_354 : vector<1x16xf32> to vector<16xf32>
      %mul3A_356 = arith.mulf %get3A_355, %get3A_355 : vector<16xf32>
      %add3A_357 = arith.addf %scan3A_310, %mul3A_356 : vector<16xf32>
      %mul3A_358 = arith.constant 16 : i32
      %mul3A_359 = arith.muli %scan3A_305, %mul3A_358 : i32
      %get3A_360 = arith.constant 5 : i32
      %get3A_361 = arith.index_cast %get3A_360 : i32 to index
      %get3A_362 = arith.index_cast %mul3A_359 : i32 to index
      %get3A_363 = tpu.vector_load %arg5[%get3A_361, %get3A_362] {strides = array<i32>} : memref<8x2048xf32, #tpu.memory_space<vmem>>, vector<1x16xf32>,
      %get3A_364 = vector.shape_cast %get3A_363 : vector<1x16xf32> to vector<16xf32>
      %mul3A_365 = arith.mulf %get3A_364, %get3A_364 : vector<16xf32>
      %add3A_366 = arith.addf %scan3A_311, %mul3A_365 : vector<16xf32>
      %mul3A_367 = arith.constant 16 : i32
      %mul3A_368 = arith.muli %scan3A_305, %mul3A_367 : i32
      %get3A_369 = arith.constant 6 : i32
      %get3A_370 = arith.index_cast %get3A_369 : i32 to index
      %get3A_371 = arith.index_cast %mul3A_368 : i32 to index
      %get3A_372 = tpu.vector_load %arg5[%get3A_370, %get3A_371] {strides = array<i32>} : memref<8x2048xf32, #tpu.memory_space<vmem>>, vector<1x16xf32>,
      %get3A_373 = vector.shape_cast %get3A_372 : vector<1x16xf32> to vector<16xf32>
      %mul3A_374 = arith.mulf %get3A_373, %get3A_373 : vector<16xf32>
      %add3A_375 = arith.addf %scan3A_312, %mul3A_374 : vector<16xf32>
      %mul3A_376 = arith.constant 16 : i32
      %mul3A_377 = arith.muli %scan3A_305, %mul3A_376 : i32
      %get3A_378 = arith.constant 7 : i32
      %get3A_379 = arith.index_cast %get3A_378 : i32 to index
      %get3A_380 = arith.index_cast %mul3A_377 : i32 to index
      %get3A_381 = tpu.vector_load %arg5[%get3A_379, %get3A_380] {strides = array<i32>} : memref<8x2048xf32, #tpu.memory_space<vmem>>, vector<1x16xf32>,
      %get3A_382 = vector.shape_cast %get3A_381 : vector<1x16xf32> to vector<16xf32>
      %mul3A_383 = arith.mulf %get3A_382, %get3A_382 : vector<16xf32>
      %add3A_384 = arith.addf %scan3A_313, %mul3A_383 : vector<16xf32>
      scf.yield %add3A_321, %add3A_330, %add3A_339, %add3A_348, %add3A_357, %add3A_366, %add3A_375, %add3A_384 : vector<16xf32>, vector<16xf32>, vector<16xf32>, vector<16xf32>, vector<16xf32>, vector<16xf32>, vector<16xf32>, vector<16xf32>
    }
    %scan3A_218 = arith.constant 128 : i32
    %add3A_219 = arith.constant 32 : i32
    %add3A_220 = arith.addi %mul3A_2, %add3A_219 : i32
    %dma_start3A_221 = arith.constant 0 : i32
    %dma_start3A_222 = tpu.memref_slice %arg3[%add3A_220, %dma_start3A_221] : memref<2048x2048xf32, #tpu.memory_space<hbm>> -> memref<8x2048xf32, #tpu.memory_space<hbm>>
    %dma_start3A_223 = arith.constant 0 : i32
    %dma_start3A_224 = tpu.memref_slice %arg3[%add3A_220, %dma_start3A_223] : memref<2048x2048xf32, #tpu.memory_space<hbm>> -> memref<8x2048xf32, #tpu.memory_space<hbm>>
    tpu.enqueue_dma source(%dma_start3A_224 : memref<8x2048xf32, #tpu.memory_space<hbm>>) target(%arg5 : memref<8x2048xf32, #tpu.memory_space<vmem>>) target_semaphore(%arg8 : memref<!tpu.dma_semaphore, #tpu.memory_space<semaphore_mem>>)
    %dma_wait3A_225 = arith.constant 0 : i32
    %dma_wait3A_226 = tpu.memref_slice %arg3[%add3A_204, %dma_wait3A_225] : memref<2048x2048xf32, #tpu.memory_space<hbm>> -> memref<8x2048xf32, #tpu.memory_space<hbm>>
    %dma_wait3A_227 = arith.constant 0 : i32
    %dma_wait3A_228 = tpu.memref_slice %arg3[%add3A_204, %dma_wait3A_227] : memref<2048x2048xf32, #tpu.memory_space<hbm>> -> memref<8x2048xf32, #tpu.memory_space<hbm>>
    tpu.wait_dma2 semaphore(%arg9 : memref<!tpu.dma_semaphore, #tpu.memory_space<semaphore_mem>>) src(%dma_wait3A_228 : memref<8x2048xf32, #tpu.memory_space<hbm>>) dst(%arg6 : memref<8x2048xf32, #tpu.memory_space<vmem>>)
    %scan3A_229 = arith.constant 0 : i32
    %scan3A_230 = arith.constant 128 : i32
    %scan3A_231 = arith.addi %scan3A_229, %scan3A_230 : i32
    %scan3A_232 = arith.constant 1 : i32
    %scan3A_233:8 = scf.for %scan3A_305 = %scan3A_229 to %scan3A_231 step %scan3A_232 iter_args(%scan3A_306 = %scan3A_217#0, %scan3A_307 = %scan3A_217#1, %scan3A_308 = %scan3A_217#2, %scan3A_309 = %scan3A_217#3, %scan3A_310 = %scan3A_217#4, %scan3A_311 = %scan3A_217#5, %scan3A_312 = %scan3A_217#6, %scan3A_313 = %scan3A_217#7) -> (vector<16xf32>, vector<16xf32>, vector<16xf32>, vector<16xf32>, vector<16xf32>, vector<16xf32>, vector<16xf32>, vector<16xf32>)  : i32 {
      %mul3A_314 = arith.constant 16 : i32
      %mul3A_315 = arith.muli %scan3A_305, %mul3A_314 : i32
      %get3A = arith.constant 0 : i32
      %get3A_316 = arith.index_cast %get3A : i32 to index
      %get3A_317 = arith.index_cast %mul3A_315 : i32 to index
      %get3A_318 = tpu.vector_load %arg6[%get3A_316, %get3A_317] {strides = array<i32>} : memref<8x2048xf32, #tpu.memory_space<vmem>>, vector<1x16xf32>,
      %get3A_319 = vector.shape_cast %get3A_318 : vector<1x16xf32> to vector<16xf32>
      %mul3A_320 = arith.mulf %get3A_319, %get3A_319 : vector<16xf32>
      %add3A_321 = arith.addf %scan3A_306, %mul3A_320 : vector<16xf32>
      %mul3A_322 = arith.constant 16 : i32
      %mul3A_323 = arith.muli %scan3A_305, %mul3A_322 : i32
      %get3A_324 = arith.constant 1 : i32
      %get3A_325 = arith.index_cast %get3A_324 : i32 to index
      %get3A_326 = arith.index_cast %mul3A_323 : i32 to index
      %get3A_327 = tpu.vector_load %arg6[%get3A_325, %get3A_326] {strides = array<i32>} : memref<8x2048xf32, #tpu.memory_space<vmem>>, vector<1x16xf32>,
      %get3A_328 = vector.shape_cast %get3A_327 : vector<1x16xf32> to vector<16xf32>
      %mul3A_329 = arith.mulf %get3A_328, %get3A_328 : vector<16xf32>
      %add3A_330 = arith.addf %scan3A_307, %mul3A_329 : vector<16xf32>
      %mul3A_331 = arith.constant 16 : i32
      %mul3A_332 = arith.muli %scan3A_305, %mul3A_331 : i32
      %get3A_333 = arith.constant 2 : i32
      %get3A_334 = arith.index_cast %get3A_333 : i32 to index
      %get3A_335 = arith.index_cast %mul3A_332 : i32 to index
      %get3A_336 = tpu.vector_load %arg6[%get3A_334, %get3A_335] {strides = array<i32>} : memref<8x2048xf32, #tpu.memory_space<vmem>>, vector<1x16xf32>,
      %get3A_337 = vector.shape_cast %get3A_336 : vector<1x16xf32> to vector<16xf32>
      %mul3A_338 = arith.mulf %get3A_337, %get3A_337 : vector<16xf32>
      %add3A_339 = arith.addf %scan3A_308, %mul3A_338 : vector<16xf32>
      %mul3A_340 = arith.constant 16 : i32
      %mul3A_341 = arith.muli %scan3A_305, %mul3A_340 : i32
      %get3A_342 = arith.constant 3 : i32
      %get3A_343 = arith.index_cast %get3A_342 : i32 to index
      %get3A_344 = arith.index_cast %mul3A_341 : i32 to index
      %get3A_345 = tpu.vector_load %arg6[%get3A_343, %get3A_344] {strides = array<i32>} : memref<8x2048xf32, #tpu.memory_space<vmem>>, vector<1x16xf32>,
      %get3A_346 = vector.shape_cast %get3A_345 : vector<1x16xf32> to vector<16xf32>
      %mul3A_347 = arith.mulf %get3A_346, %get3A_346 : vector<16xf32>
      %add3A_348 = arith.addf %scan3A_309, %mul3A_347 : vector<16xf32>
      %mul3A_349 = arith.constant 16 : i32
      %mul3A_350 = arith.muli %scan3A_305, %mul3A_349 : i32
      %get3A_351 = arith.constant 4 : i32
      %get3A_352 = arith.index_cast %get3A_351 : i32 to index
      %get3A_353 = arith.index_cast %mul3A_350 : i32 to index
      %get3A_354 = tpu.vector_load %arg6[%get3A_352, %get3A_353] {strides = array<i32>} : memref<8x2048xf32, #tpu.memory_space<vmem>>, vector<1x16xf32>,
      %get3A_355 = vector.shape_cast %get3A_354 : vector<1x16xf32> to vector<16xf32>
      %mul3A_356 = arith.mulf %get3A_355, %get3A_355 : vector<16xf32>
      %add3A_357 = arith.addf %scan3A_310, %mul3A_356 : vector<16xf32>
      %mul3A_358 = arith.constant 16 : i32
      %mul3A_359 = arith.muli %scan3A_305, %mul3A_358 : i32
      %get3A_360 = arith.constant 5 : i32
      %get3A_361 = arith.index_cast %get3A_360 : i32 to index
      %get3A_362 = arith.index_cast %mul3A_359 : i32 to index
      %get3A_363 = tpu.vector_load %arg6[%get3A_361, %get3A_362] {strides = array<i32>} : memref<8x2048xf32, #tpu.memory_space<vmem>>, vector<1x16xf32>,
      %get3A_364 = vector.shape_cast %get3A_363 : vector<1x16xf32> to vector<16xf32>
      %mul3A_365 = arith.mulf %get3A_364, %get3A_364 : vector<16xf32>
      %add3A_366 = arith.addf %scan3A_311, %mul3A_365 : vector<16xf32>
      %mul3A_367 = arith.constant 16 : i32
      %mul3A_368 = arith.muli %scan3A_305, %mul3A_367 : i32
      %get3A_369 = arith.constant 6 : i32
      %get3A_370 = arith.index_cast %get3A_369 : i32 to index
      %get3A_371 = arith.index_cast %mul3A_368 : i32 to index
      %get3A_372 = tpu.vector_load %arg6[%get3A_370, %get3A_371] {strides = array<i32>} : memref<8x2048xf32, #tpu.memory_space<vmem>>, vector<1x16xf32>,
      %get3A_373 = vector.shape_cast %get3A_372 : vector<1x16xf32> to vector<16xf32>
      %mul3A_374 = arith.mulf %get3A_373, %get3A_373 : vector<16xf32>
      %add3A_375 = arith.addf %scan3A_312, %mul3A_374 : vector<16xf32>
      %mul3A_376 = arith.constant 16 : i32
      %mul3A_377 = arith.muli %scan3A_305, %mul3A_376 : i32
      %get3A_378 = arith.constant 7 : i32
      %get3A_379 = arith.index_cast %get3A_378 : i32 to index
      %get3A_380 = arith.index_cast %mul3A_377 : i32 to index
      %get3A_381 = tpu.vector_load %arg6[%get3A_379, %get3A_380] {strides = array<i32>} : memref<8x2048xf32, #tpu.memory_space<vmem>>, vector<1x16xf32>,
      %get3A_382 = vector.shape_cast %get3A_381 : vector<1x16xf32> to vector<16xf32>
      %mul3A_383 = arith.mulf %get3A_382, %get3A_382 : vector<16xf32>
      %add3A_384 = arith.addf %scan3A_313, %mul3A_383 : vector<16xf32>
      scf.yield %add3A_321, %add3A_330, %add3A_339, %add3A_348, %add3A_357, %add3A_366, %add3A_375, %add3A_384 : vector<16xf32>, vector<16xf32>, vector<16xf32>, vector<16xf32>, vector<16xf32>, vector<16xf32>, vector<16xf32>, vector<16xf32>
    }
    %scan3A_234 = arith.constant 128 : i32
    %add3A_235 = arith.constant 40 : i32
    %add3A_236 = arith.addi %mul3A_2, %add3A_235 : i32
    %dma_start3A_237 = arith.constant 0 : i32
    %dma_start3A_238 = tpu.memref_slice %arg3[%add3A_236, %dma_start3A_237] : memref<2048x2048xf32, #tpu.memory_space<hbm>> -> memref<8x2048xf32, #tpu.memory_space<hbm>>
    %dma_start3A_239 = arith.constant 0 : i32
    %dma_start3A_240 = tpu.memref_slice %arg3[%add3A_236, %dma_start3A_239] : memref<2048x2048xf32, #tpu.memory_space<hbm>> -> memref<8x2048xf32, #tpu.memory_space<hbm>>
    tpu.enqueue_dma source(%dma_start3A_240 : memref<8x2048xf32, #tpu.memory_space<hbm>>) target(%arg6 : memref<8x2048xf32, #tpu.memory_space<vmem>>) target_semaphore(%arg9 : memref<!tpu.dma_semaphore, #tpu.memory_space<semaphore_mem>>)
    %dma_wait3A_241 = arith.constant 0 : i32
    %dma_wait3A_242 = tpu.memref_slice %arg3[%add3A_220, %dma_wait3A_241] : memref<2048x2048xf32, #tpu.memory_space<hbm>> -> memref<8x2048xf32, #tpu.memory_space<hbm>>
    %dma_wait3A_243 = arith.constant 0 : i32
    %dma_wait3A_244 = tpu.memref_slice %arg3[%add3A_220, %dma_wait3A_243] : memref<2048x2048xf32, #tpu.memory_space<hbm>> -> memref<8x2048xf32, #tpu.memory_space<hbm>>
    tpu.wait_dma2 semaphore(%arg8 : memref<!tpu.dma_semaphore, #tpu.memory_space<semaphore_mem>>) src(%dma_wait3A_244 : memref<8x2048xf32, #tpu.memory_space<hbm>>) dst(%arg5 : memref<8x2048xf32, #tpu.memory_space<vmem>>)
    %scan3A_245 = arith.constant 0 : i32
    %scan3A_246 = arith.constant 128 : i32
    %scan3A_247 = arith.addi %scan3A_245, %scan3A_246 : i32
    %scan3A_248 = arith.constant 1 : i32
    %scan3A_249:8 = scf.for %scan3A_305 = %scan3A_245 to %scan3A_247 step %scan3A_248 iter_args(%scan3A_306 = %scan3A_233#0, %scan3A_307 = %scan3A_233#1, %scan3A_308 = %scan3A_233#2, %scan3A_309 = %scan3A_233#3, %scan3A_310 = %scan3A_233#4, %scan3A_311 = %scan3A_233#5, %scan3A_312 = %scan3A_233#6, %scan3A_313 = %scan3A_233#7) -> (vector<16xf32>, vector<16xf32>, vector<16xf32>, vector<16xf32>, vector<16xf32>, vector<16xf32>, vector<16xf32>, vector<16xf32>)  : i32 {
      %mul3A_314 = arith.constant 16 : i32
      %mul3A_315 = arith.muli %scan3A_305, %mul3A_314 : i32
      %get3A = arith.constant 0 : i32
      %get3A_316 = arith.index_cast %get3A : i32 to index
      %get3A_317 = arith.index_cast %mul3A_315 : i32 to index
      %get3A_318 = tpu.vector_load %arg5[%get3A_316, %get3A_317] {strides = array<i32>} : memref<8x2048xf32, #tpu.memory_space<vmem>>, vector<1x16xf32>,
      %get3A_319 = vector.shape_cast %get3A_318 : vector<1x16xf32> to vector<16xf32>
      %mul3A_320 = arith.mulf %get3A_319, %get3A_319 : vector<16xf32>
      %add3A_321 = arith.addf %scan3A_306, %mul3A_320 : vector<16xf32>
      %mul3A_322 = arith.constant 16 : i32
      %mul3A_323 = arith.muli %scan3A_305, %mul3A_322 : i32
      %get3A_324 = arith.constant 1 : i32
      %get3A_325 = arith.index_cast %get3A_324 : i32 to index
      %get3A_326 = arith.index_cast %mul3A_323 : i32 to index
      %get3A_327 = tpu.vector_load %arg5[%get3A_325, %get3A_326] {strides = array<i32>} : memref<8x2048xf32, #tpu.memory_space<vmem>>, vector<1x16xf32>,
      %get3A_328 = vector.shape_cast %get3A_327 : vector<1x16xf32> to vector<16xf32>
      %mul3A_329 = arith.mulf %get3A_328, %get3A_328 : vector<16xf32>
      %add3A_330 = arith.addf %scan3A_307, %mul3A_329 : vector<16xf32>
      %mul3A_331 = arith.constant 16 : i32
      %mul3A_332 = arith.muli %scan3A_305, %mul3A_331 : i32
      %get3A_333 = arith.constant 2 : i32
      %get3A_334 = arith.index_cast %get3A_333 : i32 to index
      %get3A_335 = arith.index_cast %mul3A_332 : i32 to index
      %get3A_336 = tpu.vector_load %arg5[%get3A_334, %get3A_335] {strides = array<i32>} : memref<8x2048xf32, #tpu.memory_space<vmem>>, vector<1x16xf32>,
      %get3A_337 = vector.shape_cast %get3A_336 : vector<1x16xf32> to vector<16xf32>
      %mul3A_338 = arith.mulf %get3A_337, %get3A_337 : vector<16xf32>
      %add3A_339 = arith.addf %scan3A_308, %mul3A_338 : vector<16xf32>
      %mul3A_340 = arith.constant 16 : i32
      %mul3A_341 = arith.muli %scan3A_305, %mul3A_340 : i32
      %get3A_342 = arith.constant 3 : i32
      %get3A_343 = arith.index_cast %get3A_342 : i32 to index
      %get3A_344 = arith.index_cast %mul3A_341 : i32 to index
      %get3A_345 = tpu.vector_load %arg5[%get3A_343, %get3A_344] {strides = array<i32>} : memref<8x2048xf32, #tpu.memory_space<vmem>>, vector<1x16xf32>,
      %get3A_346 = vector.shape_cast %get3A_345 : vector<1x16xf32> to vector<16xf32>
      %mul3A_347 = arith.mulf %get3A_346, %get3A_346 : vector<16xf32>
      %add3A_348 = arith.addf %scan3A_309, %mul3A_347 : vector<16xf32>
      %mul3A_349 = arith.constant 16 : i32
      %mul3A_350 = arith.muli %scan3A_305, %mul3A_349 : i32
      %get3A_351 = arith.constant 4 : i32
      %get3A_352 = arith.index_cast %get3A_351 : i32 to index
      %get3A_353 = arith.index_cast %mul3A_350 : i32 to index
      %get3A_354 = tpu.vector_load %arg5[%get3A_352, %get3A_353] {strides = array<i32>} : memref<8x2048xf32, #tpu.memory_space<vmem>>, vector<1x16xf32>,
      %get3A_355 = vector.shape_cast %get3A_354 : vector<1x16xf32> to vector<16xf32>
      %mul3A_356 = arith.mulf %get3A_355, %get3A_355 : vector<16xf32>
      %add3A_357 = arith.addf %scan3A_310, %mul3A_356 : vector<16xf32>
      %mul3A_358 = arith.constant 16 : i32
      %mul3A_359 = arith.muli %scan3A_305, %mul3A_358 : i32
      %get3A_360 = arith.constant 5 : i32
      %get3A_361 = arith.index_cast %get3A_360 : i32 to index
      %get3A_362 = arith.index_cast %mul3A_359 : i32 to index
      %get3A_363 = tpu.vector_load %arg5[%get3A_361, %get3A_362] {strides = array<i32>} : memref<8x2048xf32, #tpu.memory_space<vmem>>, vector<1x16xf32>,
      %get3A_364 = vector.shape_cast %get3A_363 : vector<1x16xf32> to vector<16xf32>
      %mul3A_365 = arith.mulf %get3A_364, %get3A_364 : vector<16xf32>
      %add3A_366 = arith.addf %scan3A_311, %mul3A_365 : vector<16xf32>
      %mul3A_367 = arith.constant 16 : i32
      %mul3A_368 = arith.muli %scan3A_305, %mul3A_367 : i32
      %get3A_369 = arith.constant 6 : i32
      %get3A_370 = arith.index_cast %get3A_369 : i32 to index
      %get3A_371 = arith.index_cast %mul3A_368 : i32 to index
      %get3A_372 = tpu.vector_load %arg5[%get3A_370, %get3A_371] {strides = array<i32>} : memref<8x2048xf32, #tpu.memory_space<vmem>>, vector<1x16xf32>,
      %get3A_373 = vector.shape_cast %get3A_372 : vector<1x16xf32> to vector<16xf32>
      %mul3A_374 = arith.mulf %get3A_373, %get3A_373 : vector<16xf32>
      %add3A_375 = arith.addf %scan3A_312, %mul3A_374 : vector<16xf32>
      %mul3A_376 = arith.constant 16 : i32
      %mul3A_377 = arith.muli %scan3A_305, %mul3A_376 : i32
      %get3A_378 = arith.constant 7 : i32
      %get3A_379 = arith.index_cast %get3A_378 : i32 to index
      %get3A_380 = arith.index_cast %mul3A_377 : i32 to index
      %get3A_381 = tpu.vector_load %arg5[%get3A_379, %get3A_380] {strides = array<i32>} : memref<8x2048xf32, #tpu.memory_space<vmem>>, vector<1x16xf32>,
      %get3A_382 = vector.shape_cast %get3A_381 : vector<1x16xf32> to vector<16xf32>
      %mul3A_383 = arith.mulf %get3A_382, %get3A_382 : vector<16xf32>
      %add3A_384 = arith.addf %scan3A_313, %mul3A_383 : vector<16xf32>
      scf.yield %add3A_321, %add3A_330, %add3A_339, %add3A_348, %add3A_357, %add3A_366, %add3A_375, %add3A_384 : vector<16xf32>, vector<16xf32>, vector<16xf32>, vector<16xf32>, vector<16xf32>, vector<16xf32>, vector<16xf32>, vector<16xf32>
    }
    %scan3A_250 = arith.constant 128 : i32
    %add3A_251 = arith.constant 48 : i32
    %add3A_252 = arith.addi %mul3A_2, %add3A_251 : i32
    %dma_start3A_253 = arith.constant 0 : i32
    %dma_start3A_254 = tpu.memref_slice %arg3[%add3A_252, %dma_start3A_253] : memref<2048x2048xf32, #tpu.memory_space<hbm>> -> memref<8x2048xf32, #tpu.memory_space<hbm>>
    %dma_start3A_255 = arith.constant 0 : i32
    %dma_start3A_256 = tpu.memref_slice %arg3[%add3A_252, %dma_start3A_255] : memref<2048x2048xf32, #tpu.memory_space<hbm>> -> memref<8x2048xf32, #tpu.memory_space<hbm>>
    tpu.enqueue_dma source(%dma_start3A_256 : memref<8x2048xf32, #tpu.memory_space<hbm>>) target(%arg5 : memref<8x2048xf32, #tpu.memory_space<vmem>>) target_semaphore(%arg8 : memref<!tpu.dma_semaphore, #tpu.memory_space<semaphore_mem>>)
    %dma_wait3A_257 = arith.constant 0 : i32
    %dma_wait3A_258 = tpu.memref_slice %arg3[%add3A_236, %dma_wait3A_257] : memref<2048x2048xf32, #tpu.memory_space<hbm>> -> memref<8x2048xf32, #tpu.memory_space<hbm>>
    %dma_wait3A_259 = arith.constant 0 : i32
    %dma_wait3A_260 = tpu.memref_slice %arg3[%add3A_236, %dma_wait3A_259] : memref<2048x2048xf32, #tpu.memory_space<hbm>> -> memref<8x2048xf32, #tpu.memory_space<hbm>>
    tpu.wait_dma2 semaphore(%arg9 : memref<!tpu.dma_semaphore, #tpu.memory_space<semaphore_mem>>) src(%dma_wait3A_260 : memref<8x2048xf32, #tpu.memory_space<hbm>>) dst(%arg6 : memref<8x2048xf32, #tpu.memory_space<vmem>>)
    %scan3A_261 = arith.constant 0 : i32
    %scan3A_262 = arith.constant 128 : i32
    %scan3A_263 = arith.addi %scan3A_261, %scan3A_262 : i32
    %scan3A_264 = arith.constant 1 : i32
    %scan3A_265:8 = scf.for %scan3A_305 = %scan3A_261 to %scan3A_263 step %scan3A_264 iter_args(%scan3A_306 = %scan3A_249#0, %scan3A_307 = %scan3A_249#1, %scan3A_308 = %scan3A_249#2, %scan3A_309 = %scan3A_249#3, %scan3A_310 = %scan3A_249#4, %scan3A_311 = %scan3A_249#5, %scan3A_312 = %scan3A_249#6, %scan3A_313 = %scan3A_249#7) -> (vector<16xf32>, vector<16xf32>, vector<16xf32>, vector<16xf32>, vector<16xf32>, vector<16xf32>, vector<16xf32>, vector<16xf32>)  : i32 {
      %mul3A_314 = arith.constant 16 : i32
      %mul3A_315 = arith.muli %scan3A_305, %mul3A_314 : i32
      %get3A = arith.constant 0 : i32
      %get3A_316 = arith.index_cast %get3A : i32 to index
      %get3A_317 = arith.index_cast %mul3A_315 : i32 to index
      %get3A_318 = tpu.vector_load %arg6[%get3A_316, %get3A_317] {strides = array<i32>} : memref<8x2048xf32, #tpu.memory_space<vmem>>, vector<1x16xf32>,
      %get3A_319 = vector.shape_cast %get3A_318 : vector<1x16xf32> to vector<16xf32>
      %mul3A_320 = arith.mulf %get3A_319, %get3A_319 : vector<16xf32>
      %add3A_321 = arith.addf %scan3A_306, %mul3A_320 : vector<16xf32>
      %mul3A_322 = arith.constant 16 : i32
      %mul3A_323 = arith.muli %scan3A_305, %mul3A_322 : i32
      %get3A_324 = arith.constant 1 : i32
      %get3A_325 = arith.index_cast %get3A_324 : i32 to index
      %get3A_326 = arith.index_cast %mul3A_323 : i32 to index
      %get3A_327 = tpu.vector_load %arg6[%get3A_325, %get3A_326] {strides = array<i32>} : memref<8x2048xf32, #tpu.memory_space<vmem>>, vector<1x16xf32>,
      %get3A_328 = vector.shape_cast %get3A_327 : vector<1x16xf32> to vector<16xf32>
      %mul3A_329 = arith.mulf %get3A_328, %get3A_328 : vector<16xf32>
      %add3A_330 = arith.addf %scan3A_307, %mul3A_329 : vector<16xf32>
      %mul3A_331 = arith.constant 16 : i32
      %mul3A_332 = arith.muli %scan3A_305, %mul3A_331 : i32
      %get3A_333 = arith.constant 2 : i32
      %get3A_334 = arith.index_cast %get3A_333 : i32 to index
      %get3A_335 = arith.index_cast %mul3A_332 : i32 to index
      %get3A_336 = tpu.vector_load %arg6[%get3A_334, %get3A_335] {strides = array<i32>} : memref<8x2048xf32, #tpu.memory_space<vmem>>, vector<1x16xf32>,
      %get3A_337 = vector.shape_cast %get3A_336 : vector<1x16xf32> to vector<16xf32>
      %mul3A_338 = arith.mulf %get3A_337, %get3A_337 : vector<16xf32>
      %add3A_339 = arith.addf %scan3A_308, %mul3A_338 : vector<16xf32>
      %mul3A_340 = arith.constant 16 : i32
      %mul3A_341 = arith.muli %scan3A_305, %mul3A_340 : i32
      %get3A_342 = arith.constant 3 : i32
      %get3A_343 = arith.index_cast %get3A_342 : i32 to index
      %get3A_344 = arith.index_cast %mul3A_341 : i32 to index
      %get3A_345 = tpu.vector_load %arg6[%get3A_343, %get3A_344] {strides = array<i32>} : memref<8x2048xf32, #tpu.memory_space<vmem>>, vector<1x16xf32>,
      %get3A_346 = vector.shape_cast %get3A_345 : vector<1x16xf32> to vector<16xf32>
      %mul3A_347 = arith.mulf %get3A_346, %get3A_346 : vector<16xf32>
      %add3A_348 = arith.addf %scan3A_309, %mul3A_347 : vector<16xf32>
      %mul3A_349 = arith.constant 16 : i32
      %mul3A_350 = arith.muli %scan3A_305, %mul3A_349 : i32
      %get3A_351 = arith.constant 4 : i32
      %get3A_352 = arith.index_cast %get3A_351 : i32 to index
      %get3A_353 = arith.index_cast %mul3A_350 : i32 to index
      %get3A_354 = tpu.vector_load %arg6[%get3A_352, %get3A_353] {strides = array<i32>} : memref<8x2048xf32, #tpu.memory_space<vmem>>, vector<1x16xf32>,
      %get3A_355 = vector.shape_cast %get3A_354 : vector<1x16xf32> to vector<16xf32>
      %mul3A_356 = arith.mulf %get3A_355, %get3A_355 : vector<16xf32>
      %add3A_357 = arith.addf %scan3A_310, %mul3A_356 : vector<16xf32>
      %mul3A_358 = arith.constant 16 : i32
      %mul3A_359 = arith.muli %scan3A_305, %mul3A_358 : i32
      %get3A_360 = arith.constant 5 : i32
      %get3A_361 = arith.index_cast %get3A_360 : i32 to index
      %get3A_362 = arith.index_cast %mul3A_359 : i32 to index
      %get3A_363 = tpu.vector_load %arg6[%get3A_361, %get3A_362] {strides = array<i32>} : memref<8x2048xf32, #tpu.memory_space<vmem>>, vector<1x16xf32>,
      %get3A_364 = vector.shape_cast %get3A_363 : vector<1x16xf32> to vector<16xf32>
      %mul3A_365 = arith.mulf %get3A_364, %get3A_364 : vector<16xf32>
      %add3A_366 = arith.addf %scan3A_311, %mul3A_365 : vector<16xf32>
      %mul3A_367 = arith.constant 16 : i32
      %mul3A_368 = arith.muli %scan3A_305, %mul3A_367 : i32
      %get3A_369 = arith.constant 6 : i32
      %get3A_370 = arith.index_cast %get3A_369 : i32 to index
      %get3A_371 = arith.index_cast %mul3A_368 : i32 to index
      %get3A_372 = tpu.vector_load %arg6[%get3A_370, %get3A_371] {strides = array<i32>} : memref<8x2048xf32, #tpu.memory_space<vmem>>, vector<1x16xf32>,
      %get3A_373 = vector.shape_cast %get3A_372 : vector<1x16xf32> to vector<16xf32>
      %mul3A_374 = arith.mulf %get3A_373, %get3A_373 : vector<16xf32>
      %add3A_375 = arith.addf %scan3A_312, %mul3A_374 : vector<16xf32>
      %mul3A_376 = arith.constant 16 : i32
      %mul3A_377 = arith.muli %scan3A_305, %mul3A_376 : i32
      %get3A_378 = arith.constant 7 : i32
      %get3A_379 = arith.index_cast %get3A_378 : i32 to index
      %get3A_380 = arith.index_cast %mul3A_377 : i32 to index
      %get3A_381 = tpu.vector_load %arg6[%get3A_379, %get3A_380] {strides = array<i32>} : memref<8x2048xf32, #tpu.memory_space<vmem>>, vector<1x16xf32>,
      %get3A_382 = vector.shape_cast %get3A_381 : vector<1x16xf32> to vector<16xf32>
      %mul3A_383 = arith.mulf %get3A_382, %get3A_382 : vector<16xf32>
      %add3A_384 = arith.addf %scan3A_313, %mul3A_383 : vector<16xf32>
      scf.yield %add3A_321, %add3A_330, %add3A_339, %add3A_348, %add3A_357, %add3A_366, %add3A_375, %add3A_384 : vector<16xf32>, vector<16xf32>, vector<16xf32>, vector<16xf32>, vector<16xf32>, vector<16xf32>, vector<16xf32>, vector<16xf32>
    }
    %scan3A_266 = arith.constant 128 : i32
    %add3A_267 = arith.constant 56 : i32
    %add3A_268 = arith.addi %mul3A_2, %add3A_267 : i32
    %dma_start3A_269 = arith.constant 0 : i32
    %dma_start3A_270 = tpu.memref_slice %arg3[%add3A_268, %dma_start3A_269] : memref<2048x2048xf32, #tpu.memory_space<hbm>> -> memref<8x2048xf32, #tpu.memory_space<hbm>>
    %dma_start3A_271 = arith.constant 0 : i32
    %dma_start3A_272 = tpu.memref_slice %arg3[%add3A_268, %dma_start3A_271] : memref<2048x2048xf32, #tpu.memory_space<hbm>> -> memref<8x2048xf32, #tpu.memory_space<hbm>>
    tpu.enqueue_dma source(%dma_start3A_272 : memref<8x2048xf32, #tpu.memory_space<hbm>>) target(%arg6 : memref<8x2048xf32, #tpu.memory_space<vmem>>) target_semaphore(%arg9 : memref<!tpu.dma_semaphore, #tpu.memory_space<semaphore_mem>>)
    %dma_wait3A_273 = arith.constant 0 : i32
    %dma_wait3A_274 = tpu.memref_slice %arg3[%add3A_252, %dma_wait3A_273] : memref<2048x2048xf32, #tpu.memory_space<hbm>> -> memref<8x2048xf32, #tpu.memory_space<hbm>>
    %dma_wait3A_275 = arith.constant 0 : i32
    %dma_wait3A_276 = tpu.memref_slice %arg3[%add3A_252, %dma_wait3A_275] : memref<2048x2048xf32, #tpu.memory_space<hbm>> -> memref<8x2048xf32, #tpu.memory_space<hbm>>
    tpu.wait_dma2 semaphore(%arg8 : memref<!tpu.dma_semaphore, #tpu.memory_space<semaphore_mem>>) src(%dma_wait3A_276 : memref<8x2048xf32, #tpu.memory_space<hbm>>) dst(%arg5 : memref<8x2048xf32, #tpu.memory_space<vmem>>)
    %scan3A_277 = arith.constant 0 : i32
    %scan3A_278 = arith.constant 128 : i32
    %scan3A_279 = arith.addi %scan3A_277, %scan3A_278 : i32
    %scan3A_280 = arith.constant 1 : i32
    %scan3A_281:8 = scf.for %scan3A_305 = %scan3A_277 to %scan3A_279 step %scan3A_280 iter_args(%scan3A_306 = %scan3A_265#0, %scan3A_307 = %scan3A_265#1, %scan3A_308 = %scan3A_265#2, %scan3A_309 = %scan3A_265#3, %scan3A_310 = %scan3A_265#4, %scan3A_311 = %scan3A_265#5, %scan3A_312 = %scan3A_265#6, %scan3A_313 = %scan3A_265#7) -> (vector<16xf32>, vector<16xf32>, vector<16xf32>, vector<16xf32>, vector<16xf32>, vector<16xf32>, vector<16xf32>, vector<16xf32>)  : i32 {
      %mul3A_314 = arith.constant 16 : i32
      %mul3A_315 = arith.muli %scan3A_305, %mul3A_314 : i32
      %get3A = arith.constant 0 : i32
      %get3A_316 = arith.index_cast %get3A : i32 to index
      %get3A_317 = arith.index_cast %mul3A_315 : i32 to index
      %get3A_318 = tpu.vector_load %arg5[%get3A_316, %get3A_317] {strides = array<i32>} : memref<8x2048xf32, #tpu.memory_space<vmem>>, vector<1x16xf32>,
      %get3A_319 = vector.shape_cast %get3A_318 : vector<1x16xf32> to vector<16xf32>
      %mul3A_320 = arith.mulf %get3A_319, %get3A_319 : vector<16xf32>
      %add3A_321 = arith.addf %scan3A_306, %mul3A_320 : vector<16xf32>
      %mul3A_322 = arith.constant 16 : i32
      %mul3A_323 = arith.muli %scan3A_305, %mul3A_322 : i32
      %get3A_324 = arith.constant 1 : i32
      %get3A_325 = arith.index_cast %get3A_324 : i32 to index
      %get3A_326 = arith.index_cast %mul3A_323 : i32 to index
      %get3A_327 = tpu.vector_load %arg5[%get3A_325, %get3A_326] {strides = array<i32>} : memref<8x2048xf32, #tpu.memory_space<vmem>>, vector<1x16xf32>,
      %get3A_328 = vector.shape_cast %get3A_327 : vector<1x16xf32> to vector<16xf32>
      %mul3A_329 = arith.mulf %get3A_328, %get3A_328 : vector<16xf32>
      %add3A_330 = arith.addf %scan3A_307, %mul3A_329 : vector<16xf32>
      %mul3A_331 = arith.constant 16 : i32
      %mul3A_332 = arith.muli %scan3A_305, %mul3A_331 : i32
      %get3A_333 = arith.constant 2 : i32
      %get3A_334 = arith.index_cast %get3A_333 : i32 to index
      %get3A_335 = arith.index_cast %mul3A_332 : i32 to index
      %get3A_336 = tpu.vector_load %arg5[%get3A_334, %get3A_335] {strides = array<i32>} : memref<8x2048xf32, #tpu.memory_space<vmem>>, vector<1x16xf32>,
      %get3A_337 = vector.shape_cast %get3A_336 : vector<1x16xf32> to vector<16xf32>
      %mul3A_338 = arith.mulf %get3A_337, %get3A_337 : vector<16xf32>
      %add3A_339 = arith.addf %scan3A_308, %mul3A_338 : vector<16xf32>
      %mul3A_340 = arith.constant 16 : i32
      %mul3A_341 = arith.muli %scan3A_305, %mul3A_340 : i32
      %get3A_342 = arith.constant 3 : i32
      %get3A_343 = arith.index_cast %get3A_342 : i32 to index
      %get3A_344 = arith.index_cast %mul3A_341 : i32 to index
      %get3A_345 = tpu.vector_load %arg5[%get3A_343, %get3A_344] {strides = array<i32>} : memref<8x2048xf32, #tpu.memory_space<vmem>>, vector<1x16xf32>,
      %get3A_346 = vector.shape_cast %get3A_345 : vector<1x16xf32> to vector<16xf32>
      %mul3A_347 = arith.mulf %get3A_346, %get3A_346 : vector<16xf32>
      %add3A_348 = arith.addf %scan3A_309, %mul3A_347 : vector<16xf32>
      %mul3A_349 = arith.constant 16 : i32
      %mul3A_350 = arith.muli %scan3A_305, %mul3A_349 : i32
      %get3A_351 = arith.constant 4 : i32
      %get3A_352 = arith.index_cast %get3A_351 : i32 to index
      %get3A_353 = arith.index_cast %mul3A_350 : i32 to index
      %get3A_354 = tpu.vector_load %arg5[%get3A_352, %get3A_353] {strides = array<i32>} : memref<8x2048xf32, #tpu.memory_space<vmem>>, vector<1x16xf32>,
      %get3A_355 = vector.shape_cast %get3A_354 : vector<1x16xf32> to vector<16xf32>
      %mul3A_356 = arith.mulf %get3A_355, %get3A_355 : vector<16xf32>
      %add3A_357 = arith.addf %scan3A_310, %mul3A_356 : vector<16xf32>
      %mul3A_358 = arith.constant 16 : i32
      %mul3A_359 = arith.muli %scan3A_305, %mul3A_358 : i32
      %get3A_360 = arith.constant 5 : i32
      %get3A_361 = arith.index_cast %get3A_360 : i32 to index
      %get3A_362 = arith.index_cast %mul3A_359 : i32 to index
      %get3A_363 = tpu.vector_load %arg5[%get3A_361, %get3A_362] {strides = array<i32>} : memref<8x2048xf32, #tpu.memory_space<vmem>>, vector<1x16xf32>,
      %get3A_364 = vector.shape_cast %get3A_363 : vector<1x16xf32> to vector<16xf32>
      %mul3A_365 = arith.mulf %get3A_364, %get3A_364 : vector<16xf32>
      %add3A_366 = arith.addf %scan3A_311, %mul3A_365 : vector<16xf32>
      %mul3A_367 = arith.constant 16 : i32
      %mul3A_368 = arith.muli %scan3A_305, %mul3A_367 : i32
      %get3A_369 = arith.constant 6 : i32
      %get3A_370 = arith.index_cast %get3A_369 : i32 to index
      %get3A_371 = arith.index_cast %mul3A_368 : i32 to index
      %get3A_372 = tpu.vector_load %arg5[%get3A_370, %get3A_371] {strides = array<i32>} : memref<8x2048xf32, #tpu.memory_space<vmem>>, vector<1x16xf32>,
      %get3A_373 = vector.shape_cast %get3A_372 : vector<1x16xf32> to vector<16xf32>
      %mul3A_374 = arith.mulf %get3A_373, %get3A_373 : vector<16xf32>
      %add3A_375 = arith.addf %scan3A_312, %mul3A_374 : vector<16xf32>
      %mul3A_376 = arith.constant 16 : i32
      %mul3A_377 = arith.muli %scan3A_305, %mul3A_376 : i32
      %get3A_378 = arith.constant 7 : i32
      %get3A_379 = arith.index_cast %get3A_378 : i32 to index
      %get3A_380 = arith.index_cast %mul3A_377 : i32 to index
      %get3A_381 = tpu.vector_load %arg5[%get3A_379, %get3A_380] {strides = array<i32>} : memref<8x2048xf32, #tpu.memory_space<vmem>>, vector<1x16xf32>,
      %get3A_382 = vector.shape_cast %get3A_381 : vector<1x16xf32> to vector<16xf32>
      %mul3A_383 = arith.mulf %get3A_382, %get3A_382 : vector<16xf32>
      %add3A_384 = arith.addf %scan3A_313, %mul3A_383 : vector<16xf32>
      scf.yield %add3A_321, %add3A_330, %add3A_339, %add3A_348, %add3A_357, %add3A_366, %add3A_375, %add3A_384 : vector<16xf32>, vector<16xf32>, vector<16xf32>, vector<16xf32>, vector<16xf32>, vector<16xf32>, vector<16xf32>, vector<16xf32>
    }
    %scan3A_282 = arith.constant 128 : i32
    %dma_wait3A_283 = arith.constant 0 : i32
    %dma_wait3A_284 = tpu.memref_slice %arg3[%add3A_268, %dma_wait3A_283] : memref<2048x2048xf32, #tpu.memory_space<hbm>> -> memref<8x2048xf32, #tpu.memory_space<hbm>>
    %dma_wait3A_285 = arith.constant 0 : i32
    %dma_wait3A_286 = tpu.memref_slice %arg3[%add3A_268, %dma_wait3A_285] : memref<2048x2048xf32, #tpu.memory_space<hbm>> -> memref<8x2048xf32, #tpu.memory_space<hbm>>
    tpu.wait_dma2 semaphore(%arg9 : memref<!tpu.dma_semaphore, #tpu.memory_space<semaphore_mem>>) src(%dma_wait3A_286 : memref<8x2048xf32, #tpu.memory_space<hbm>>) dst(%arg6 : memref<8x2048xf32, #tpu.memory_space<vmem>>)
    %scan3A_287 = arith.constant 0 : i32
    %scan3A_288 = arith.constant 128 : i32
    %scan3A_289 = arith.addi %scan3A_287, %scan3A_288 : i32
    %scan3A_290 = arith.constant 1 : i32
    %scan3A_291:8 = scf.for %scan3A_305 = %scan3A_287 to %scan3A_289 step %scan3A_290 iter_args(%scan3A_306 = %scan3A_281#0, %scan3A_307 = %scan3A_281#1, %scan3A_308 = %scan3A_281#2, %scan3A_309 = %scan3A_281#3, %scan3A_310 = %scan3A_281#4, %scan3A_311 = %scan3A_281#5, %scan3A_312 = %scan3A_281#6, %scan3A_313 = %scan3A_281#7) -> (vector<16xf32>, vector<16xf32>, vector<16xf32>, vector<16xf32>, vector<16xf32>, vector<16xf32>, vector<16xf32>, vector<16xf32>)  : i32 {
      %mul3A_314 = arith.constant 16 : i32
      %mul3A_315 = arith.muli %scan3A_305, %mul3A_314 : i32
      %get3A = arith.constant 0 : i32
      %get3A_316 = arith.index_cast %get3A : i32 to index
      %get3A_317 = arith.index_cast %mul3A_315 : i32 to index
      %get3A_318 = tpu.vector_load %arg6[%get3A_316, %get3A_317] {strides = array<i32>} : memref<8x2048xf32, #tpu.memory_space<vmem>>, vector<1x16xf32>,
      %get3A_319 = vector.shape_cast %get3A_318 : vector<1x16xf32> to vector<16xf32>
      %mul3A_320 = arith.mulf %get3A_319, %get3A_319 : vector<16xf32>
      %add3A_321 = arith.addf %scan3A_306, %mul3A_320 : vector<16xf32>
      %mul3A_322 = arith.constant 16 : i32
      %mul3A_323 = arith.muli %scan3A_305, %mul3A_322 : i32
      %get3A_324 = arith.constant 1 : i32
      %get3A_325 = arith.index_cast %get3A_324 : i32 to index
      %get3A_326 = arith.index_cast %mul3A_323 : i32 to index
      %get3A_327 = tpu.vector_load %arg6[%get3A_325, %get3A_326] {strides = array<i32>} : memref<8x2048xf32, #tpu.memory_space<vmem>>, vector<1x16xf32>,
      %get3A_328 = vector.shape_cast %get3A_327 : vector<1x16xf32> to vector<16xf32>
      %mul3A_329 = arith.mulf %get3A_328, %get3A_328 : vector<16xf32>
      %add3A_330 = arith.addf %scan3A_307, %mul3A_329 : vector<16xf32>
      %mul3A_331 = arith.constant 16 : i32
      %mul3A_332 = arith.muli %scan3A_305, %mul3A_331 : i32
      %get3A_333 = arith.constant 2 : i32
      %get3A_334 = arith.index_cast %get3A_333 : i32 to index
      %get3A_335 = arith.index_cast %mul3A_332 : i32 to index
      %get3A_336 = tpu.vector_load %arg6[%get3A_334, %get3A_335] {strides = array<i32>} : memref<8x2048xf32, #tpu.memory_space<vmem>>, vector<1x16xf32>,
      %get3A_337 = vector.shape_cast %get3A_336 : vector<1x16xf32> to vector<16xf32>
      %mul3A_338 = arith.mulf %get3A_337, %get3A_337 : vector<16xf32>
      %add3A_339 = arith.addf %scan3A_308, %mul3A_338 : vector<16xf32>
      %mul3A_340 = arith.constant 16 : i32
      %mul3A_341 = arith.muli %scan3A_305, %mul3A_340 : i32
      %get3A_342 = arith.constant 3 : i32
      %get3A_343 = arith.index_cast %get3A_342 : i32 to index
      %get3A_344 = arith.index_cast %mul3A_341 : i32 to index
      %get3A_345 = tpu.vector_load %arg6[%get3A_343, %get3A_344] {strides = array<i32>} : memref<8x2048xf32, #tpu.memory_space<vmem>>, vector<1x16xf32>,
      %get3A_346 = vector.shape_cast %get3A_345 : vector<1x16xf32> to vector<16xf32>
      %mul3A_347 = arith.mulf %get3A_346, %get3A_346 : vector<16xf32>
      %add3A_348 = arith.addf %scan3A_309, %mul3A_347 : vector<16xf32>
      %mul3A_349 = arith.constant 16 : i32
      %mul3A_350 = arith.muli %scan3A_305, %mul3A_349 : i32
      %get3A_351 = arith.constant 4 : i32
      %get3A_352 = arith.index_cast %get3A_351 : i32 to index
      %get3A_353 = arith.index_cast %mul3A_350 : i32 to index
      %get3A_354 = tpu.vector_load %arg6[%get3A_352, %get3A_353] {strides = array<i32>} : memref<8x2048xf32, #tpu.memory_space<vmem>>, vector<1x16xf32>,
      %get3A_355 = vector.shape_cast %get3A_354 : vector<1x16xf32> to vector<16xf32>
      %mul3A_356 = arith.mulf %get3A_355, %get3A_355 : vector<16xf32>
      %add3A_357 = arith.addf %scan3A_310, %mul3A_356 : vector<16xf32>
      %mul3A_358 = arith.constant 16 : i32
      %mul3A_359 = arith.muli %scan3A_305, %mul3A_358 : i32
      %get3A_360 = arith.constant 5 : i32
      %get3A_361 = arith.index_cast %get3A_360 : i32 to index
      %get3A_362 = arith.index_cast %mul3A_359 : i32 to index
      %get3A_363 = tpu.vector_load %arg6[%get3A_361, %get3A_362] {strides = array<i32>} : memref<8x2048xf32, #tpu.memory_space<vmem>>, vector<1x16xf32>,
      %get3A_364 = vector.shape_cast %get3A_363 : vector<1x16xf32> to vector<16xf32>
      %mul3A_365 = arith.mulf %get3A_364, %get3A_364 : vector<16xf32>
      %add3A_366 = arith.addf %scan3A_311, %mul3A_365 : vector<16xf32>
      %mul3A_367 = arith.constant 16 : i32
      %mul3A_368 = arith.muli %scan3A_305, %mul3A_367 : i32
      %get3A_369 = arith.constant 6 : i32
      %get3A_370 = arith.index_cast %get3A_369 : i32 to index
      %get3A_371 = arith.index_cast %mul3A_368 : i32 to index
      %get3A_372 = tpu.vector_load %arg6[%get3A_370, %get3A_371] {strides = array<i32>} : memref<8x2048xf32, #tpu.memory_space<vmem>>, vector<1x16xf32>,
      %get3A_373 = vector.shape_cast %get3A_372 : vector<1x16xf32> to vector<16xf32>
      %mul3A_374 = arith.mulf %get3A_373, %get3A_373 : vector<16xf32>
      %add3A_375 = arith.addf %scan3A_312, %mul3A_374 : vector<16xf32>
      %mul3A_376 = arith.constant 16 : i32
      %mul3A_377 = arith.muli %scan3A_305, %mul3A_376 : i32
      %get3A_378 = arith.constant 7 : i32
      %get3A_379 = arith.index_cast %get3A_378 : i32 to index
      %get3A_380 = arith.index_cast %mul3A_377 : i32 to index
      %get3A_381 = tpu.vector_load %arg6[%get3A_379, %get3A_380] {strides = array<i32>} : memref<8x2048xf32, #tpu.memory_space<vmem>>, vector<1x16xf32>,
      %get3A_382 = vector.shape_cast %get3A_381 : vector<1x16xf32> to vector<16xf32>
      %mul3A_383 = arith.mulf %get3A_382, %get3A_382 : vector<16xf32>
      %add3A_384 = arith.addf %scan3A_313, %mul3A_383 : vector<16xf32>
      scf.yield %add3A_321, %add3A_330, %add3A_339, %add3A_348, %add3A_357, %add3A_366, %add3A_375, %add3A_384 : vector<16xf32>, vector<16xf32>, vector<16xf32>, vector<16xf32>, vector<16xf32>, vector<16xf32>, vector<16xf32>, vector<16xf32>
    }
    %scan3A_292 = arith.constant 128 : i32
    %add3A_293 = arith.addf %scan3A_291#0, %scan3A_291#1 : vector<16xf32>
    %add3A_294 = arith.addf %add3A_293, %scan3A_291#2 : vector<16xf32>
    %add3A_295 = arith.addf %add3A_294, %scan3A_291#3 : vector<16xf32>
    %add3A_296 = arith.addf %add3A_295, %scan3A_291#4 : vector<16xf32>
    %add3A_297 = arith.addf %add3A_296, %scan3A_291#5 : vector<16xf32>
    %add3A_298 = arith.addf %add3A_297, %scan3A_291#6 : vector<16xf32>
    %add3A_299 = arith.addf %add3A_298, %scan3A_291#7 : vector<16xf32>
    %swap3A_300 = arith.constant 0 : index
    %swap3A_301 = tpu.vector_load %arg7[%swap3A_300] {strides = array<i32>} : memref<16xf32, #tpu.memory_space<vmem>>, vector<16xf32>,
    %swap3A_302 = vector.shape_cast %swap3A_301 : vector<16xf32> to vector<16xf32>
    %swap3A_303 = vector.shape_cast %add3A_299 : vector<16xf32> to vector<16xf32>
    tpu.vector_store %arg7[%swap3A_300], %swap3A_303 {strides = array<i32>} : memref<16xf32, #tpu.memory_space<vmem>>, vector<16xf32>,
    %run_scoped3A_304 = arith.constant 1 : i32
    "tpu.region"() ({
      %run_scoped3A_305 = tpu.sem_alloc : memref<!tpu.dma_semaphore, #tpu.memory_space<semaphore_mem>>
      %dma_start3A_306 = arith.constant 0 : i32
      %dma_start3A_307 = tpu.memref_slice %arg4[%run_scoped3A_304, %add3A, %dma_start3A_306] : memref<2x32x16xf32, #tpu.memory_space<hbm>> -> memref<1x1x16xf32, #tpu.memory_space<hbm>>
      %dma_start3A_308 = tpu.memref_squeeze %dma_start3A_307 : memref<1x1x16xf32, #tpu.memory_space<hbm>> -> memref<16xf32, #tpu.memory_space<hbm>>
      %dma_start3A_309 = arith.constant 0 : i32
      %dma_start3A_310 = tpu.memref_slice %arg4[%run_scoped3A_304, %add3A, %dma_start3A_309] : memref<2x32x16xf32, #tpu.memory_space<hbm>> -> memref<1x1x16xf32, #tpu.memory_space<hbm>>
      %dma_start3A_311 = tpu.memref_squeeze %dma_start3A_310 : memref<1x1x16xf32, #tpu.memory_space<hbm>> -> memref<16xf32, #tpu.memory_space<hbm>>
      tpu.enqueue_dma source(%arg7 : memref<16xf32, #tpu.memory_space<vmem>>) target(%dma_start3A_311 : memref<16xf32, #tpu.memory_space<hbm>>) target_semaphore(%run_scoped3A_305 : memref<!tpu.dma_semaphore, #tpu.memory_space<semaphore_mem>>)
      %dma_wait3A_312 = arith.constant 0 : i32
      %dma_wait3A_313 = tpu.memref_slice %arg4[%run_scoped3A_304, %add3A, %dma_wait3A_312] : memref<2x32x16xf32, #tpu.memory_space<hbm>> -> memref<1x1x16xf32, #tpu.memory_space<hbm>>
      %dma_wait3A_314 = tpu.memref_squeeze %dma_wait3A_313 : memref<1x1x16xf32, #tpu.memory_space<hbm>> -> memref<16xf32, #tpu.memory_space<hbm>>
      %dma_wait3A_315 = arith.constant 0 : i32
      %dma_wait3A_316 = tpu.memref_slice %arg4[%run_scoped3A_304, %add3A, %dma_wait3A_315] : memref<2x32x16xf32, #tpu.memory_space<hbm>> -> memref<1x1x16xf32, #tpu.memory_space<hbm>>
      %dma_wait3A_317 = tpu.memref_squeeze %dma_wait3A_316 : memref<1x1x16xf32, #tpu.memory_space<hbm>> -> memref<16xf32, #tpu.memory_space<hbm>>
      tpu.wait_dma2 semaphore(%run_scoped3A_305 : memref<!tpu.dma_semaphore, #tpu.memory_space<semaphore_mem>>) src(%arg7 : memref<16xf32, #tpu.memory_space<vmem>>) dst(%dma_wait3A_317 : memref<16xf32, #tpu.memory_space<hbm>>)
      tpu.yield
    }) : () -> ()
    return
  }
}

module attributes {stable_mosaic.version = 14 : i64} {
  func.func @_mse_kernel(%arg0: i32, %arg1: memref<512x2048xf32, #tpu.memory_space<vmem>>, %arg2: memref<512x2048xf32, #tpu.memory_space<vmem>>, %arg3: memref<1xf32, #tpu.memory_space<smem>>, %arg4: memref<1xf32, #tpu.memory_space<smem>>) attributes {dimension_semantics = [#tpu.dimension_semantics<arbitrary>], iteration_bounds = array<i64: 32>, scalar_prefetch = 0 : i64, scratch_operands = 1 : i64, tpu.core_type = #tpu.core_type<tc>, window_params = [{transform_indices = @transform_0, window_bounds = array<i64: 512, 2048>}, {transform_indices = @transform_1, window_bounds = array<i64: 512, 2048>}, {transform_indices = @transform_2, window_bounds = array<i64: 1>}]} {
    %eq3A = arith.constant 0 : i32
    %eq3A_0 = arith.cmpi eq, %arg0, %eq3A : i32
    %convert_element_type3A = arith.extui %eq3A_0 : i1 to i32
    %cond3A = arith.constant 0 : i32
    %cond3A_1 = arith.cmpi ne, %convert_element_type3A, %cond3A : i32
    scf.if %cond3A_1 {
      %swap3A_19 = arith.constant 0.000000e+00 : f32
      %swap3A_20 = arith.constant 0 : index
      %swap3A_21 = memref.load %arg4[%swap3A_20] : memref<1xf32, #tpu.memory_space<smem>>
      memref.store %swap3A_19, %arg4[%swap3A_20] : memref<1xf32, #tpu.memory_space<smem>>
    } else {
    }
    %get3A = arith.constant 0 : index
    %get3A_2 = arith.constant 0 : index
    %get3A_3 = vector.load %arg1[%get3A, %get3A_2] : memref<512x2048xf32, #tpu.memory_space<vmem>>, vector<512x2048xf32>
    %get3A_4 = arith.constant 0 : index
    %get3A_5 = arith.constant 0 : index
    %get3A_6 = vector.load %arg2[%get3A_4, %get3A_5] : memref<512x2048xf32, #tpu.memory_space<vmem>>, vector<512x2048xf32>
    %sub3A = arith.subf %get3A_3, %get3A_6 : vector<512x2048xf32>
    %get3A_7 = arith.constant 0 : index
    %get3A_8 = memref.load %arg4[%get3A_7] : memref<1xf32, #tpu.memory_space<smem>>
    %mul3A = arith.mulf %sub3A, %sub3A : vector<512x2048xf32>
    %reduce_sum3A = vector.shape_cast %mul3A : vector<512x2048xf32> to vector<1x512x2048xf32>
    %reduce_sum3A_9 = arith.constant dense<0.000000e+00> : vector<1xf32>
    %reduce_sum3A_10 = vector.multi_reduction <add>, %reduce_sum3A, %reduce_sum3A_9 [1, 2] : vector<1x512x2048xf32> to vector<1xf32>
    %reduce_sum3A_11 = vector.shape_cast %reduce_sum3A_10 : vector<1xf32> to vector<1x1x1xf32>
    %reduce_sum3A_12 = vector.extract %reduce_sum3A_11[0, 0, 0] : f32 from vector<1x1x1xf32>
    %add3A = arith.addf %get3A_8, %reduce_sum3A_12 : f32
    %swap3A = arith.constant 0 : index
    %swap3A_13 = memref.load %arg4[%swap3A] : memref<1xf32, #tpu.memory_space<smem>>
    memref.store %add3A, %arg4[%swap3A] : memref<1xf32, #tpu.memory_space<smem>>
    %eq3A_14 = arith.constant 31 : i32
    %eq3A_15 = arith.cmpi eq, %arg0, %eq3A_14 : i32
    %convert_element_type3A_16 = arith.extui %eq3A_15 : i1 to i32
    %cond3A_17 = arith.constant 0 : i32
    %cond3A_18 = arith.cmpi ne, %convert_element_type3A_16, %cond3A_17 : i32
    scf.if %cond3A_18 {
      %get3A_19 = arith.constant 0 : index
      %get3A_20 = memref.load %arg4[%get3A_19] : memref<1xf32, #tpu.memory_space<smem>>
      %swap3A_21 = arith.constant 0 : index
      %swap3A_22 = memref.load %arg3[%swap3A_21] : memref<1xf32, #tpu.memory_space<smem>>
      memref.store %get3A_20, %arg3[%swap3A_21] : memref<1xf32, #tpu.memory_space<smem>>
    } else {
    }
    return
  }
  func.func @transform_0(%arg0: i32) -> (i32, i32) {
    %c0_i32 = arith.constant 0 : i32
    %c0_i32_0 = arith.constant 0 : i32
    return %arg0, %c0_i32 : i32, i32
  }
  func.func @transform_1(%arg0: i32) -> (i32, i32) {
    %c0_i32 = arith.constant 0 : i32
    %c0_i32_0 = arith.constant 0 : i32
    return %arg0, %c0_i32 : i32, i32
  }
  func.func @transform_2(%arg0: i32) -> i32 {
    %c0_i32 = arith.constant 0 : i32
    %c0_i32_0 = arith.constant 0 : i32
    return %c0_i32 : i32
  }
}

</mosaic_0001>

<sc_bundles>
// kernel: kernel.4.cloned.1.call-start
scs
__scs_entry_jumppad:
0x0: {  	(pc) =	sbr.rel $0x88, $3  }
0x1: {  	(tag) =	ssettag $0x0;
	lr =	simm.s32 $0x1  }
0x2: {  	[smem:$0x3F9D] =	sst lr;
	_ =	strace $0xD0000000  }
0x3: {  	_ = 	snop  }
0x4: {  	_ = 	snop  }
0x5: {  	_ = 	snop  }
0x6: {  	_ = 	snop  }
0x7: {  	_ = 	snop  }
__scs_overlays_trampoline_lowered:
0x8: {  	[smem:$0x3FAC] =	sst s0  }
0x9: {  	[smem:$0x3FAD] =	sst s1  }
0xa: {  	[smem:$0x3FAE] =	sst s2  }
0xb: {  	[smem:$0x3FAF] =	sst s3  }
0xc: {  	[smem:$0x3FB0] =	sst s4  }
0xd: {  	[smem:$0x3FB1] =	sst s5  }
0xe: {  	[smem:$0x3FB2] =	sst s6  }
0xf: {  	[smem:$0x3FB3] =	sst s7  }
0x10: {  	[smem:$0x3FB4] =	sst s8  }
0x11: {  	[smem:$0x3FB5] =	sst s9;
	s0 =	simm.s32 @!p0 $0x0  }
0x12: {  	s1 =	sld [smem:$0x3F9B];
	s0 =	simm.s32 @p0 $0x1  }
0x13: {  	[smem:$0x3FB6] =	sst s0;
	s0 =	simm.s32 @!p1 $0x0  }
0x14: {  	s2 =	sld [smem:$0x3F9A];
	s0 =	simm.s32 @p1 $0x1  }
0x15: {  	[smem:$0x3FB7] =	sst s0;
	s0 =	simm.s32 @!p2 $0x0  }
0x16: {  	s3 =	sld [smem:$0x3FDB];
	s0 =	simm.s32 @p2 $0x1  }
0x17: {  	s4 =	simm.s32 $0x1BF5;
	[smem:$0x3FB9] =	sst s0  }
0x18: {  	s0 =	sld [smem:$0x3F9C];
	_ =	swait.ge [sflag:s4], $0x0  }
0x19: {  	s7 =	sld [smem:$0x3F9D]  }
0x1a: {  	s8 =	sadd.s32 $0xFFFFE003, lr  }
0x1b: {  	s9 =	sadd.s32 $0xFFFFFEF7, lr;
	s5 =	simm.s32 $0xFFFFFFFF;
	p2 =	slt.u32 s8, $0xFFFFF086  }
0x1c: {  	p1 =	slt.u32 s9, $0xF7A;
	s5 =	simm.s32 @!p2 $0x0  }
0x1d: {  	s5 =	simm.s32 @p1 $0x1;
	p0 =	seq.s32 s7, s2  }
0x1e: {  	s7 =	smul.u32 @!p0 $0xF7A, s2;
	p2 =	seq.s32 @!p0 s5, $0x0  }
0x1f: {  	s9 =	smul.u32 $0xF7A, s1;
	s8 =	simm.s32 @!p0 $0x1BF5;
	p2 =	por !p2, p0  }
0x20: {  	[sflag:s8] =	ssyncset.s32 @!p0 $0xFFFFF086;
	s6 =	sadd.s32 @!p0 s3, s7;
	s7 =	simm.s32 @!p0 $0x108  }
0x21: {  	s3 =	sadd.s32 s3, s9;
	s6 =	sadd.s32 @!p0 $0x88, s6;
	s7 =	simm.s32 @p2 $0x1082  }
0x22: {  	[simem:s7], [sflag:s8] =	dma.local @!p0 [hbm:s6], $0xF7A  }
0x23: {  	s9 =	sor.u32 $0xD0000000, s2;
	s6 =	simm.s32 $0x108;
	_ =	swait.ge @!p0 [sflag:s8], $0x0  }
0x24: {  	s3 =	sadd.s32 $0x88, s3;
	s6 =	simm.s32 @!p1 $0x1082;
	[sflag:s4] =	ssyncset.s32 $0xFFFFF086  }
0x25: {  	[simem:s6], [sflag:s4] =	dma.local [hbm:s3], $0xF7A  }
0x26: {  	[smem:$0x3F9D] =	sst s1;
	(tag) =	ssettag s2;
	_ =	strace s9  }
0x27: {  	s1 =	sld [smem:$0x3FAD]  }
0x28: {  	s2 =	sld [smem:$0x3FAE]  }
0x29: {  	s4 =	sld [smem:$0x3FB0]  }
0x2a: {  	p0 =	seq.s32 s5, $0x0;
	s5 =	sld [smem:$0x3FB1]  }
0x2b: {  	s6 =	sld [smem:$0x3FB2]  }
0x2c: {  	s7 =	sld [smem:$0x3FB3]  }
0x2d: {  	s3 =	simm.s32 $0x108;
	s8 =	sld [smem:$0x3FB4]  }
0x2e: {  	s3 =	simm.s32 @!p0 $0x1082;
	s9 =	sld [smem:$0x3FB5]  }
0x2f: {  	lr =	sadd.s32 s0, s3;
	s0 =	sld [smem:$0x3FAC]  }
0x30: {  	s3 =	sld [smem:$0x3FAF]  }
0x31: {  	[smem:$0x3FB8] =	sst s10  }
0x32: {  	s10 =	sld [smem:$0x3FB6];
	_ =	sdelay $0x3  }
0x33: {  	p0 =	seq.s32 s10, $0x1;
	s10 =	sld [smem:$0x3FB8];
	_ =	sdelay $0x3  }
0x34: {  	[smem:$0x3FB8] =	sst s10  }
0x35: {  	s10 =	sld [smem:$0x3FB7];
	_ =	sdelay $0x3  }
0x36: {  	p1 =	seq.s32 s10, $0x1;
	s10 =	sld [smem:$0x3FB8];
	_ =	sdelay $0x3  }
0x37: {  	[smem:$0x3FB8] =	sst s10  }
0x38: {  	s10 =	sld [smem:$0x3FB9]  }
0x39: {  	_ = 	snop;
	(pc) =	sbr.ind lr, $3  }
0x3a: {  	_ = 	snop  }
0x3b: {  	_ = 	snop  }
0x3c: {  	p2 =	seq.s32 s10, $0x1;
	s10 =	sld [smem:$0x3FB8]  }
0x3d: {  	_ =	shalt  }
0x3e: {  	_ =	shalt  }
0x3f: {  	_ =	shalt  }
0x40: {  	_ =	shalt  }
0x41: {  	_ =	shalt  }
0x42: {  	_ =	shalt  }
0x43: {  	_ =	shalt  }
0x44: {  	_ =	shalt  }
0x45: {  	_ =	shalt  }
0x46: {  	_ =	shalt  }
0x47: {  	_ =	shalt  }
0x48: {  	_ =	shalt  }
0x49: {  	_ =	shalt  }
0x4a: {  	_ =	shalt  }
0x4b: {  	_ =	shalt  }
0x4c: {  	_ =	shalt  }
0x4d: {  	_ =	shalt  }
0x4e: {  	_ =	shalt  }
0x4f: {  	_ =	shalt  }
0x50: {  	_ =	shalt  }
0x51: {  	_ =	shalt  }
0x52: {  	_ =	shalt  }
0x53: {  	_ =	shalt  }
0x54: {  	_ =	shalt  }
0x55: {  	_ =	shalt  }
0x56: {  	_ =	shalt  }
0x57: {  	_ =	shalt  }
0x58: {  	_ =	shalt  }
0x59: {  	_ =	shalt  }
0x5a: {  	_ =	shalt  }
0x5b: {  	_ =	shalt  }
0x5c: {  	_ =	shalt  }
0x5d: {  	_ =	shalt  }
0x5e: {  	_ =	shalt  }
0x5f: {  	_ =	shalt  }
0x60: {  	_ =	shalt  }
0x61: {  	_ =	shalt  }
0x62: {  	_ =	shalt  }
0x63: {  	_ =	shalt  }
0x64: {  	_ =	shalt  }
0x65: {  	_ =	shalt  }
0x66: {  	_ =	shalt  }
0x67: {  	_ =	shalt  }
0x68: {  	_ =	shalt  }
0x69: {  	_ =	shalt  }
0x6a: {  	_ =	shalt  }
0x6b: {  	_ =	shalt  }
0x6c: {  	_ =	shalt  }
0x6d: {  	_ =	shalt  }
0x6e: {  	_ =	shalt  }
0x6f: {  	_ =	shalt  }
0x70: {  	_ =	shalt  }
0x71: {  	_ =	shalt  }
0x72: {  	_ =	shalt  }
0x73: {  	_ =	shalt  }
0x74: {  	_ =	shalt  }
0x75: {  	_ =	shalt  }
0x76: {  	_ =	shalt  }
0x77: {  	_ =	shalt  }
0x78: {  	_ =	shalt  }
0x79: {  	_ =	shalt  }
0x7a: {  	_ =	shalt  }
0x7b: {  	_ =	shalt  }
0x7c: {  	_ =	shalt  }
0x7d: {  	_ =	shalt  }
0x7e: {  	_ =	shalt  }
0x7f: {  	_ =	shalt  }
0x80: {  	_ =	shalt  }
0x81: {  	_ =	shalt  }
0x82: {  	_ =	shalt  }
0x83: {  	_ =	shalt  }
0x84: {  	_ =	shalt  }
0x85: {  	_ =	shalt  }
0x86: {  	_ =	shalt  }
0x87: {  	_ =	shalt  }
.Lfunc_end0:
.L_simem_size_0:
called_computation_lowered:
.L_overlay_start_0:
0x88: {  	s2 =	sld [smem:$0x3FD9]  }
0x89: {  	s3 =	sld [smem:$0x3FFE];
	_ =	sdelay $0x1  }
0x8a: {  	s1 =	srdreg.scid  }
0x8b: {  	s0 =	sand.u32 $0x1, s1  }
0x8c: {  	s17 =	sshll.u32 s0, $0xA;
	s2 =	sadd.s32 s3, s2  }
0x8d: {  	s2 =	sadd.s32 s2, s17  }
0x8e: {  	[smem:$0x3FC4] =	sst s2  }
0x8f: {  	_ = 	snop  }
0x90: {  	s2 =	sld [smem:$0x3FC7]  }
0x91: {  	s18 =	sld [smem:$0x3FC6];
	(tm) =	ssettm $0x1  }
0x92: {  	s4 =	sld [smem:$0x3FFB];
	_ =	sdelay $0x3  }
0x93: {  	_ =	strace s4  }
0x94: {  	s4 =	sld [smem:$0x3FFC];
	_ =	sdelay $0x3  }
0x95: {  	_ =	strace s4  }
0x96: {  	s4 =	sld [smem:$0x3FFD];
	_ =	sdelay $0x3  }
0x97: {  	_ =	strace s4  }
0x98: {  	_ =	strace $0x8FFFFFFF  }
0x99: {  	s19 =	sld [smem:$0x3FDB];
	_ =	sdelay $0x1  }
0x9a: {  	s5 =	simm.s32 $_scs_section_size  }
0x9b: {  	s6 =	simm.s32 $_size__tile_overlayer_lowered;
	s7 =	simm.s32 $_tile_overlayer_lowered  }
0x9c: {  	s22 =	simm.s32 $0x1BFF;
	s21 =	sshll.u32 s7, $0x1;
	s4 =	sadd.s32 s5, s19  }
0x9d: {  	s8 =	simm.s32 $0x0;
	s20 =	sshll.u32 s6, $0x1;
	s6 =	sadd.s32 s21, s4  }
0x9e: {  	[timem:s8], [sflag:s22] =	dma.local [hbm:s6], s20  }
0x9f: {  	_ =	swait.ge [sflag:s22], s20  }
0xa0: {  	s5 =	ssub.s32 $0x0, s20;
	[sflag:s22] =	ssyncset.done $0x0  }
0xa1: {  	[sflag:s22] =	ssyncadd.s32 s5;
	_ =	sdelay $0x1  }
0xa2: {  	s23 =	simm.s32 $0x1B8B  }
0xa3: {  	_ =	swait.ge [sflag:s23], $0x1  }
0xa4: {  	[sflag:s23] =	ssyncset.done $0x0  }
0xa5: {  	s25 =	simm.s32 $0x1B8E;
	s24 =	sld [smem:$0x3FFE];
	[sflag:s23] =	ssyncadd.s32 $0xFFFFFFFF  }
0xa6: {  	s26 =	simm.s32 $execute0_lowered;
	[smem:$0x3FD2] =	sst s25  }
0xa7: {  	s6 =	sshll.u32 s26, $0x1;
	_ =	strace $0x80000046;
	[dreg:$0x1] =	wrdreg $0xFFFFFFFF  }
0xa8: {  	s28 =	simm.s32 $_size_execute0_lowered;
	s4 =	sadd.s32 s4, s6;
	[dreg:$0x0] =	wrdreg $0x0  }
0xa9: {  	s6 =	sshll.u32 s28, $0x1;
	[dreg:$0x2] =	wrdreg s4  }
0xaa: {  	[dreg:$0x3] =	wrdreg s6  }
0xab: {  	[dreg:$0x4] =	wrdreg $0xC0  }
0xac: {  	_ =	task [dreg:s8], $0x5FFFF  }
0xad: {  	[dreg:$0x1] =	wrdreg $0xFFFFFFFF  }
0xae: {  	[dreg:$0x0] =	wrdreg $0x60  }
0xaf: {  	[dreg:$0x2] =	wrdreg s2  }
0xb0: {  	[dreg:$0x3] =	wrdreg s18  }
0xb1: {  	[dreg:$0x4] =	wrdreg s24  }
0xb2: {  	[dreg:$0x5] =	wrdreg $0x9  }
0xb3: {  	_ =	task.clear_ibuf [dreg:s8], $0x6FFFF;
	_ =	strace $0x90000046  }
0xb4: {  	s29 =	simm.s32 $0x9;
	_ =	strace $0x80000048  }
0xb5: {  	_ =	swait.ge [sflag:s29], $0x1  }
0xb6: {  	[sflag:s29] =	ssyncadd.s32 $0xFFFFFFFF  }
0xb7: {  	_ =	strace $0x90000048  }
0xb8: {  	_ =	sfence  }
0xb9: {  	s30 =	sld [smem:$0x0];
	_ =	sdelay $0x2  }
0xba: {  	s31 =	sshll.u32 s1, $0xD;
	s1 =	sshrl.u32 s1, $0x2  }
0xbb: {  	s3 =	sand.u32 $0x4000, s31;
	s1 =	sadd.s32 s1, s30  }
0xbc: {  	s0 =	sor.u32 s3, s0;
	s1 =	sshll.u32 s1, $0x11  }
0xbd: {  	s0 =	sor.u32 s1, s0  }
0xbe: {  	s0 =	sadd.s32 $0x8F2B, s0  }
0xbf: {  	[sflag:s0] =	ssyncadd.remote.s32 $0x1  }
0xc0: {  	_ =	sfence.sel $0xFFFF  }
0xc1: {  	[dreg:$0x0] =	wrdreg $0xFFFFFFFF;
	(pc) =	sbr.abs _section_cstart, $3  }
0xc2: {  	[dreg:$0x1] =	wrdreg $0xFFFFFFFF  }
0xc3: {  	_ =	task.clear_ibuf [dreg:s8], $0x2FFFF;
	_ =	strace $0x9FFFFFFF  }
0xc4: {  	(tm) =	ssettm $0x7FFFFFFF  }
0xc5: {  	_ =	shalt  }
tec
execute0_lowered:
.L_overlay_start_1:
0x0: {  	(tag) =	ssettag $0x1  }
0x1: {  	s0 =	rddreg [dreg:$0x0]  }
0x2: {  	s1 =	rddreg [dreg:$0x1]  }
0x3: {  	s11 =	rddreg [dreg:$0x2]  }
0x4: {  	s2 =	srdreg.scid;
	s5 =	stileid.u32;
	s22 =	simm.s32 $0x4000  }
0x5: {  	s23 =	simm.s32 $0x1;
	s24 =	simm.s32 $0x2;
	s26 =	simm.s32 $0x3  }
0x6: {  	s28 =	simm.s32 $0x0;
	s3 =	sand.u32 $0x1, s2;
	s2 =	simm.s32 $0x0  }
0x7: {  	s5 =	sshll.u32 s5, $0x1;
	s4 =	ssub.s32 $0x2, s3;
	[smem:$0x7FF] =	sst s2  }
0x8: {  	s10 =	sor.u32 s3, s5;
	s6 =	sshrl.u32 s4, $0x1;
	_ =	strace $0x80000047  }
0x9: {  	s12 =	sshll.u32 s10, $0xE;
	s20 =	sshll.u32 s10, $0x4;
	s21 =	ssub.s32 s4, s6  }
0xa: {  	s31 =	sadd.s32 s0, s12;
	s13 =	sor.u32 $0x800, s12;
	s14 =	sor.u32 $0x1000, s12  }
0xb: {  	s15 =	sor.u32 $0x1800, s12;
	s16 =	sor.u32 $0x2000, s12;
	s17 =	sor.u32 $0x2800, s12  }
0xc: {  	s18 =	sor.u32 $0x3000, s12;
	s19 =	sor.u32 $0x3800, s12;
	s11 =	sadd.s32 s11, s20  }
0xd: {  	s12 =	sadd.s32 s1, s12;
	[dreg:$0x4] =	wrdreg s31;
	s4 =	sadd.s32 s0, s13  }
0xe: {  	s5 =	sadd.s32 s0, s14;
	s6 =	sadd.s32 s0, s15;
	s7 =	sadd.s32 s0, s16  }
0xf: {  	s8 =	sadd.s32 s0, s17;
	s9 =	sadd.s32 s0, s18;
	s10 =	sadd.s32 s0, s19  }
0x10: {  	s13 =	sadd.s32 s1, s13;
	s14 =	sadd.s32 s1, s14;
	s15 =	sadd.s32 s1, s15  }
0x11: {  	s16 =	sadd.s32 s1, s16;
	s17 =	sadd.s32 s1, s17;
	s18 =	sadd.s32 s1, s18  }
0x12: {  	s19 =	sadd.s32 s1, s19;
	s20 =	sadd.s32 $0x200, s11;
	s21 =	smax.u32 s21, $0x1  }
.LBB2_1:
0x13: {  	s0 =	rddreg [dreg:$0x4]  }
0x14: {  	[tilespmem:s2], [sflag:$0x1] =	stream.linear.gather [hbm4b:s0+s2], $0x4000, $0x38;
	[tilespmem:$0x8080] =	vst v63  }
0x15: {  	s3 =	sand.u32 $0x7, s2  }
0x16: {  	[tilespmem:s22], [sflag:$0x2] =	stream.linear.gather [hbm4b:s4+s2], $0x4000, $0x38;
	[tilespmem:$0x8080] =	vst v63  }
0x17: {  	s0 =	sshll.u32 s3, $0x4;
	_ =	swait.ge [sflag:s23], $0x4000  }
0x18: {  	s1 =	sand.u32 $0x70, s2;
	s0 =	sadd.s32 $0x0, s0;
	[sflag:s23] =	ssyncset.done $0x0  }
0x19: {  	s25 =	sand.u32 $0x3C00, s2;
	s0 =	sor.u32 $0x380, s0;
	[sflag:s23] =	ssyncadd.s32 $0xFFFFC000  }
0x1a: {  	s1 =	sor.u32 s1, s25;
	v0 =	vld [tilespmem:s0+$0x0]  }
0x1b: {  	v1 =	vld [tilespmem:s1+$0x0]  }
0x1c: {  	v2 =	vld [tilespmem:s1+$0x80]  }
0x1d: {  	v4 =	vld [tilespmem:s1+$0x100]  }
0x1e: {  	s25 =	simm.s32 $0x1;
	v5 =	vld [tilespmem:s1+$0x180]  }
0x1f: {  	s0 =	sand.u32 $0x7, s25;
	v7 =	vld [tilespmem:s1+$0x200]  }
0x20: {  	v8 =	vld [tilespmem:s1+$0x280];
	s0 =	sshll.u32 s0, $0x4  }
0x21: {  	s29 =	simm.s32 $0x80;
	s3 =	simm.s32 $0x10;
	v14 =	vld [tilespmem:s1+$0x300];
	s0 =	sadd.s32 $0x80, s0  }
0x22: {  	s30 =	sand.u32 $0x3C00, s29;
	s25 =	sand.u32 $0x70, s3;
	s0 =	sor.u32 $0x380, s0;
	v0 =	vmul.f32 v0, v0  }
0x23: {  	v6 =	vimm.f32 $0.0e+00;
	s30 =	sor.u32 s25, s30;
	v12 =	vld [tilespmem:s0+$0x0];
	v1 =	vmul.f32 v1, v1;
	v2 =	vmul.f32 v2, v2  }
0x24: {  	v9 =	vld [tilespmem:s30+$0x0];
	v10 =	vmul.f32 v5, v5;
	v3 =	vadd.f32 v0, v6;
	v0 =	vmul.f32 v4, v4  }
0x25: {  	v11 =	vld [tilespmem:s30+$0x80];
	v13 =	vmul.f32 v8, v8;
	v5 =	vadd.f32 v2, v6;
	v2 =	vmul.f32 v7, v7  }
0x26: {  	s31 =	simm.s32 $0x2;
	v14 =	vmul.f32 v14, v14;
	v4 =	vadd.f32 v1, v6;
	v7 =	vld [tilespmem:s30+$0x100];
	v1 =	vadd.f32 v0, v6  }
0x27: {  	s1 =	simm.s32 $0x20;
	s25 =	sand.u32 $0x7, s31;
	s0 =	simm.s32 $0x30;
	v8 =	vimm.f32 $0.0e+00;
	v0 =	vadd.f32 v10, v6;
	v10 =	vld [tilespmem:s30+$0x180];
	v2 =	vadd.f32 v2, v6  }
.LBB2_2:
0x28: {  	p0 =	sne.s32 s0, $0x7F0;
	s25 =	sshll.u32 s25, $0x4;
	v15 =	vld [tilespmem:s30+$0x200];
	v12 =	vmul.f32 v12, v12;
	s29 =	sadd.s32 $0x80, s29;
	v6 =	vadd.f32 v13, v6  }
0x29: {  	s1 =	sand.u32 $0x70, s1;
	s25 =	sadd.s32 s25, s29;
	s3 =	sand.u32 $0x3C00, s29;
	v9 =	vmul.f32 v9, v9;
	v13 =	vld [tilespmem:s30+$0x280];
	v8 =	vadd.f32 v14, v8  }
0x2a: {  	s25 =	sor.u32 $0x380, s25;
	v11 =	vmul.f32 v11, v11;
	v14 =	vld [tilespmem:s30+$0x300];
	s30 =	sor.u32 s1, s3;
	v3 =	vadd.f32 v12, v3;
	s1 =	smov.u32 s0  }
.Ltmp0:
0x2b: {  	v12 =	vld [tilespmem:s25+$0x0];
	v4 =	vadd.f32 v9, v4;
	v7 =	vmul.f32 v7, v7;
	(pc) =	sbr.rel @p0 .LBB2_2-.Ltmp0, $4  }
0x2c: {  	v9 =	vld [tilespmem:s30+$0x0];
	v5 =	vadd.f32 v11, v5;
	v10 =	vmul.f32 v10, v10  }
0x2d: {  	v11 =	vld [tilespmem:s30+$0x80];
	v1 =	vadd.f32 v7, v1;
	v15 =	vmul.f32 v15, v15  }
0x2e: {  	s31 =	sadd.s32 $0x1, s31;
	v7 =	vld [tilespmem:s30+$0x100];
	v0 =	vadd.f32 v10, v0;
	v13 =	vmul.f32 v13, v13  }
0x2f: {  	s0 =	sadd.s32 $0x10, s0;
	s25 =	sand.u32 $0x7, s31;
	v10 =	vld [tilespmem:s30+$0x180];
	v2 =	vadd.f32 v15, v2;
	v14 =	vmul.f32 v14, v14  }
0x30: {  	s0 =	sshll.u32 s25, $0x4;
	v15 =	vld [tilespmem:s30+$0x200];
	s3 =	sadd.s32 $0x80, s29  }
0x31: {  	v16 =	vld [tilespmem:s30+$0x280];
	s0 =	sadd.s32 s0, s3  }
0x32: {  	s1 =	sand.u32 $0x70, s1;
	v17 =	vld [tilespmem:s30+$0x300];
	s3 =	sand.u32 $0x3C00, s3;
	s0 =	sor.u32 $0x380, s0  }
0x33: {  	s1 =	sor.u32 s1, s3;
	v18 =	vld [tilespmem:s0+$0x0]  }
0x34: {  	v19 =	vld [tilespmem:s1+$0x0]  }
0x35: {  	v20 =	vld [tilespmem:s1+$0x80]  }
0x36: {  	v21 =	vld [tilespmem:s1+$0x100]  }
0x37: {  	v22 =	vld [tilespmem:s1+$0x180]  }
0x38: {  	v23 =	vld [tilespmem:s1+$0x200]  }
0x39: {  	v24 =	vld [tilespmem:s1+$0x280];
	s0 =	simm.s32 $0x0  }
0x3a: {  	v25 =	vld [tilespmem:s1+$0x300];
	[tilespmem:s0], [sflag:$0x1] =	stream.linear.gather [hbm4b:s5+s0], $0x4000, $0x38  }
0x3b: {  	v12 =	vmul.f32 v12, v12;
	s3 =	sand.u32 $0x7, s0  }
0x3c: {  	v6 =	vadd.f32 v13, v6;
	v9 =	vmul.f32 v9, v9;
	v11 =	vmul.f32 v11, v11;
	_ =	swait.ge [sflag:s24], $0x4000;
	s1 =	sshll.u32 s3, $0x4  }
0x3d: {  	v8 =	vadd.f32 v14, v8;
	v3 =	vadd.f32 v12, v3;
	v7 =	vmul.f32 v7, v7;
	s25 =	sand.u32 $0x70, s0;
	[sflag:s24] =	ssyncset.done $0x0;
	s1 =	sadd.s32 $0x0, s1  }
0x3e: {  	v4 =	vadd.f32 v9, v4;
	v5 =	vadd.f32 v11, v5;
	v9 =	vmul.f32 v10, v10;
	s0 =	sand.u32 $0x3C00, s0;
	[sflag:s24] =	ssyncadd.s32 $0xFFFFC000;
	s1 =	sor.u32 $0x380, s1  }
0x3f: {  	v1 =	vadd.f32 v7, v1;
	v7 =	vmul.f32 v15, v15;
	v10 =	vmul.f32 v16, v16;
	s0 =	sor.u32 s25, s0;
	v11 =	vld [tilespmem:s1+$0x4000]  }
0x40: {  	v0 =	vadd.f32 v9, v0;
	v9 =	vmul.f32 v17, v17;
	v12 =	vmul.f32 v18, v18;
	v13 =	vld [tilespmem:s0+$0x4000]  }
0x41: {  	v2 =	vadd.f32 v7, v2;
	v6 =	vadd.f32 v10, v6;
	v7 =	vmul.f32 v19, v19;
	v10 =	vld [tilespmem:s0+$0x4080]  }
0x42: {  	s3 =	simm.s32 $0x1;
	v8 =	vadd.f32 v9, v8;
	v9 =	vmul.f32 v20, v20;
	v14 =	vld [tilespmem:s0+$0x4100];
	v3 =	vadd.f32 v12, v3  }
0x43: {  	s1 =	sand.u32 $0x7, s3;
	v15 =	vld [tilespmem:s0+$0x4180];
	v4 =	vadd.f32 v7, v4;
	v7 =	vmul.f32 v21, v21;
	v12 =	vmul.f32 v22, v22  }
0x44: {  	v58 =	vld [tilespmem:s0+$0x4200];
	s1 =	sshll.u32 s1, $0x4;
	v57 =	vadd.f32 v9, v5;
	v5 =	vmul.f32 v23, v23  }
0x45: {  	s29 =	simm.s32 $0x80;
	s25 =	simm.s32 $0x10;
	v61 =	vld [tilespmem:s0+$0x4280];
	v9 =	vmul.f32 v24, v24;
	s1 =	sadd.s32 $0x80, s1;
	v59 =	vadd.f32 v7, v1;
	v60 =	vadd.f32 v12, v0  }
0x46: {  	s3 =	sand.u32 $0x70, s25;
	s25 =	sand.u32 $0x3C00, s29;
	v63 =	vld [tilespmem:s0+$0x4300];
	s1 =	sor.u32 $0x380, s1;
	v1 =	vmul.f32 v25, v25;
	v62 =	vadd.f32 v5, v2;
	v2 =	vmul.f32 v11, v11  }
0x47: {  	s30 =	sor.u32 s3, s25;
	v0 =	vadd.f32 v9, v6;
	v12 =	vld [tilespmem:s1+$0x4000];
	v6 =	vmul.f32 v13, v13;
	v7 =	vmul.f32 v10, v10  }
0x48: {  	v9 =	vld [tilespmem:s30+$0x4000];
	v10 =	vmul.f32 v15, v15;
	v5 =	vadd.f32 v2, v3;
	v2 =	vmul.f32 v14, v14  }
0x49: {  	v11 =	vld [tilespmem:s30+$0x4080];
	v1 =	vadd.f32 v1, v8;
	v6 =	vadd.f32 v6, v4;
	v4 =	vmul.f32 v58, v58  }
0x4a: {  	s31 =	simm.s32 $0x2;
	v8 =	vld [tilespmem:s30+$0x4100];
	v7 =	vadd.f32 v7, v57;
	v14 =	vmul.f32 v61, v61;
	v3 =	vadd.f32 v2, v59  }
0x4b: {  	s0 =	simm.s32 $0x30;
	s25 =	sand.u32 $0x7, s31;
	s1 =	simm.s32 $0x20;
	v13 =	vmul.f32 v63, v63;
	v2 =	vadd.f32 v10, v60;
	v10 =	vld [tilespmem:s30+$0x4180];
	v4 =	vadd.f32 v4, v62  }
.LBB2_4:
0x4c: {  	p0 =	sne.s32 s0, $0x7F0;
	s3 =	sshll.u32 s25, $0x4;
	v15 =	vld [tilespmem:s30+$0x4200];
	v12 =	vmul.f32 v12, v12;
	s29 =	sadd.s32 $0x80, s29;
	v0 =	vadd.f32 v14, v0  }
0x4d: {  	s1 =	sand.u32 $0x70, s1;
	s3 =	sadd.s32 s3, s29;
	s25 =	sand.u32 $0x3C00, s29;
	v9 =	vmul.f32 v9, v9;
	v14 =	vld [tilespmem:s30+$0x4280];
	v1 =	vadd.f32 v13, v1  }
0x4e: {  	s3 =	sor.u32 $0x380, s3;
	v11 =	vmul.f32 v11, v11;
	v13 =	vld [tilespmem:s30+$0x4300];
	s30 =	sor.u32 s1, s25;
	v5 =	vadd.f32 v12, v5;
	s1 =	smov.u32 s0  }
.Ltmp1:
0x4f: {  	v12 =	vld [tilespmem:s3+$0x4000];
	v6 =	vadd.f32 v9, v6;
	v8 =	vmul.f32 v8, v8;
	(pc) =	sbr.rel @p0 .LBB2_4-.Ltmp1, $4  }
0x50: {  	v9 =	vld [tilespmem:s30+$0x4000];
	v7 =	vadd.f32 v11, v7;
	v10 =	vmul.f32 v10, v10  }
0x51: {  	v11 =	vld [tilespmem:s30+$0x4080];
	v3 =	vadd.f32 v8, v3;
	v15 =	vmul.f32 v15, v15  }
0x52: {  	s31 =	sadd.s32 $0x1, s31;
	v8 =	vld [tilespmem:s30+$0x4100];
	v2 =	vadd.f32 v10, v2;
	v14 =	vmul.f32 v14, v14  }
0x53: {  	s25 =	sand.u32 $0x7, s31;
	s0 =	sadd.s32 $0x10, s0;
	v10 =	vld [tilespmem:s30+$0x4180];
	v4 =	vadd.f32 v15, v4;
	v13 =	vmul.f32 v13, v13  }
0x54: {  	s0 =	sshll.u32 s25, $0x4;
	v15 =	vld [tilespmem:s30+$0x4200];
	s3 =	sadd.s32 $0x80, s29  }
0x55: {  	v16 =	vld [tilespmem:s30+$0x4280];
	s0 =	sadd.s32 s0, s3  }
0x56: {  	s1 =	sand.u32 $0x70, s1;
	v17 =	vld [tilespmem:s30+$0x4300];
	s3 =	sand.u32 $0x3C00, s3;
	s0 =	sor.u32 $0x380, s0  }
0x57: {  	s1 =	sor.u32 s1, s3;
	v18 =	vld [tilespmem:s0+$0x4000]  }
0x58: {  	v19 =	vld [tilespmem:s1+$0x4000]  }
0x59: {  	v20 =	vld [tilespmem:s1+$0x4080]  }
0x5a: {  	v21 =	vld [tilespmem:s1+$0x4100]  }
0x5b: {  	v22 =	vld [tilespmem:s1+$0x4180]  }
0x5c: {  	v23 =	vld [tilespmem:s1+$0x4200]  }
0x5d: {  	v24 =	vld [tilespmem:s1+$0x4280];
	s0 =	simm.s32 $0x0  }
0x5e: {  	v25 =	vld [tilespmem:s1+$0x4300];
	[tilespmem:s22], [sflag:$0x2] =	stream.linear.gather [hbm4b:s6+s0], $0x4000, $0x38  }
0x5f: {  	v9 =	vmul.f32 v9, v9;
	s3 =	sand.u32 $0x7, s0  }
0x60: {  	v12 =	vmul.f32 v12, v12;
	v0 =	vadd.f32 v14, v0;
	v8 =	vmul.f32 v8, v8;
	_ =	swait.ge [sflag:s23], $0x4000;
	s1 =	sshll.u32 s3, $0x4  }
0x61: {  	v1 =	vadd.f32 v13, v1;
	v11 =	vmul.f32 v11, v11;
	v6 =	vadd.f32 v9, v6;
	s25 =	sand.u32 $0x70, s0;
	[sflag:s23] =	ssyncset.done $0x0;
	s1 =	sadd.s32 $0x0, s1  }
0x62: {  	v9 =	vmul.f32 v10, v10;
	s0 =	sand.u32 $0x3C00, s0;
	v3 =	vadd.f32 v8, v3;
	v8 =	vmul.f32 v15, v15;
	[sflag:s23] =	ssyncadd.s32 $0xFFFFC000;
	s1 =	sor.u32 $0x380, s1  }
0x63: {  	v5 =	vadd.f32 v12, v5;
	v7 =	vadd.f32 v11, v7;
	v10 =	vmul.f32 v16, v16;
	s0 =	sor.u32 s25, s0;
	v11 =	vld [tilespmem:s1+$0x0]  }
0x64: {  	v2 =	vadd.f32 v9, v2;
	v9 =	vmul.f32 v17, v17;
	v4 =	vadd.f32 v8, v4;
	v13 =	vld [tilespmem:s0+$0x0]  }
0x65: {  	v0 =	vadd.f32 v10, v0;
	v12 =	vmul.f32 v18, v18;
	v8 =	vmul.f32 v19, v19;
	v10 =	vld [tilespmem:s0+$0x80]  }
0x66: {  	s3 =	simm.s32 $0x1;
	v1 =	vadd.f32 v9, v1;
	v9 =	vmul.f32 v20, v20;
	v14 =	vld [tilespmem:s0+$0x100]  }
0x67: {  	s1 =	sand.u32 $0x7, s3;
	v15 =	vld [tilespmem:s0+$0x180];
	v5 =	vadd.f32 v12, v5;
	v6 =	vadd.f32 v8, v6;
	v8 =	vmul.f32 v21, v21  }
0x68: {  	v61 =	vld [tilespmem:s0+$0x200];
	s1 =	sshll.u32 s1, $0x4;
	v12 =	vmul.f32 v22, v22;
	v7 =	vadd.f32 v9, v7;
	v9 =	vmul.f32 v23, v23  }
0x69: {  	s29 =	simm.s32 $0x80;
	s25 =	simm.s32 $0x10;
	v60 =	vmul.f32 v24, v24;
	v62 =	vld [tilespmem:s0+$0x280];
	s1 =	sadd.s32 $0x80, s1;
	v3 =	vadd.f32 v8, v3;
	v8 =	vmul.f32 v25, v25  }
0x6a: {  	s3 =	sand.u32 $0x70, s25;
	s25 =	sand.u32 $0x3C00, s29;
	v63 =	vld [tilespmem:s0+$0x300];
	s1 =	sor.u32 $0x380, s1;
	v2 =	vadd.f32 v12, v2;
	v4 =	vadd.f32 v9, v4;
	v9 =	vmul.f32 v11, v11  }
0x6b: {  	s30 =	sor.u32 s3, s25;
	v12 =	vld [tilespmem:s1+$0x0];
	v10 =	vmul.f32 v10, v10;
	v1 =	vadd.f32 v8, v1;
	v8 =	vmul.f32 v13, v13  }
0x6c: {  	v13 =	vmul.f32 v14, v14;
	v14 =	vmul.f32 v15, v15;
	v5 =	vadd.f32 v9, v5;
	v9 =	vld [tilespmem:s30+$0x0]  }
0x6d: {  	v0 =	vadd.f32 v60, v0;
	v11 =	vld [tilespmem:s30+$0x80];
	v15 =	vmul.f32 v61, v61;
	v7 =	vadd.f32 v10, v7  }
0x6e: {  	s31 =	simm.s32 $0x2;
	v6 =	vadd.f32 v8, v6;
	v8 =	vld [tilespmem:s30+$0x100];
	v2 =	vadd.f32 v14, v2;
	v14 =	vmul.f32 v62, v62  }
0x6f: {  	s0 =	simm.s32 $0x30;
	s25 =	sand.u32 $0x7, s31;
	s1 =	simm.s32 $0x20;
	v10 =	vld [tilespmem:s30+$0x180];
	v3 =	vadd.f32 v13, v3;
	v4 =	vadd.f32 v15, v4;
	v13 =	vmul.f32 v63, v63  }
.LBB2_6:
0x70: {  	p0 =	sne.s32 s0, $0x7F0;
	s3 =	sshll.u32 s25, $0x4;
	v15 =	vld [tilespmem:s30+$0x200];
	v12 =	vmul.f32 v12, v12;
	s29 =	sadd.s32 $0x80, s29;
	v0 =	vadd.f32 v14, v0  }
0x71: {  	s1 =	sand.u32 $0x70, s1;
	s3 =	sadd.s32 s3, s29;
	s25 =	sand.u32 $0x3C00, s29;
	v9 =	vmul.f32 v9, v9;
	v14 =	vld [tilespmem:s30+$0x280];
	v1 =	vadd.f32 v13, v1  }
0x72: {  	s3 =	sor.u32 $0x380, s3;
	v11 =	vmul.f32 v11, v11;
	v13 =	vld [tilespmem:s30+$0x300];
	s30 =	sor.u32 s1, s25;
	v5 =	vadd.f32 v12, v5;
	s1 =	smov.u32 s0  }
.Ltmp2:
0x73: {  	v12 =	vld [tilespmem:s3+$0x0];
	v6 =	vadd.f32 v9, v6;
	v8 =	vmul.f32 v8, v8;
	(pc) =	sbr.rel @p0 .LBB2_6-.Ltmp2, $4  }
0x74: {  	v9 =	vld [tilespmem:s30+$0x0];
	v7 =	vadd.f32 v11, v7;
	v10 =	vmul.f32 v10, v10  }
0x75: {  	v11 =	vld [tilespmem:s30+$0x80];
	v3 =	vadd.f32 v8, v3;
	v15 =	vmul.f32 v15, v15  }
0x76: {  	s31 =	sadd.s32 $0x1, s31;
	v8 =	vld [tilespmem:s30+$0x100];
	v2 =	vadd.f32 v10, v2;
	v14 =	vmul.f32 v14, v14  }
0x77: {  	s25 =	sand.u32 $0x7, s31;
	s0 =	sadd.s32 $0x10, s0;
	v10 =	vld [tilespmem:s30+$0x180];
	v4 =	vadd.f32 v15, v4;
	v13 =	vmul.f32 v13, v13  }
0x78: {  	s0 =	sshll.u32 s25, $0x4;
	v15 =	vld [tilespmem:s30+$0x200];
	s3 =	sadd.s32 $0x80, s29  }
0x79: {  	v16 =	vld [tilespmem:s30+$0x280];
	s0 =	sadd.s32 s0, s3  }
0x7a: {  	s1 =	sand.u32 $0x70, s1;
	v17 =	vld [tilespmem:s30+$0x300];
	s3 =	sand.u32 $0x3C00, s3;
	s0 =	sor.u32 $0x380, s0  }
0x7b: {  	s1 =	sor.u32 s1, s3;
	v18 =	vld [tilespmem:s0+$0x0]  }
0x7c: {  	v19 =	vld [tilespmem:s1+$0x0]  }
0x7d: {  	v20 =	vld [tilespmem:s1+$0x80]  }
0x7e: {  	v21 =	vld [tilespmem:s1+$0x100]  }
0x7f: {  	v22 =	vld [tilespmem:s1+$0x180]  }
0x80: {  	v23 =	vld [tilespmem:s1+$0x200]  }
0x81: {  	v24 =	vld [tilespmem:s1+$0x280];
	s0 =	simm.s32 $0x0  }
0x82: {  	v25 =	vld [tilespmem:s1+$0x300];
	[tilespmem:s0], [sflag:$0x1] =	stream.linear.gather [hbm4b:s7+s0], $0x4000, $0x38  }
0x83: {  	v9 =	vmul.f32 v9, v9;
	s3 =	sand.u32 $0x7, s0  }
0x84: {  	v12 =	vmul.f32 v12, v12;
	v0 =	vadd.f32 v14, v0;
	v8 =	vmul.f32 v8, v8;
	_ =	swait.ge [sflag:s24], $0x4000;
	s1 =	sshll.u32 s3, $0x4  }
0x85: {  	v1 =	vadd.f32 v13, v1;
	v11 =	vmul.f32 v11, v11;
	v6 =	vadd.f32 v9, v6;
	s25 =	sand.u32 $0x70, s0;
	[sflag:s24] =	ssyncset.done $0x0;
	s1 =	sadd.s32 $0x0, s1  }
0x86: {  	v9 =	vmul.f32 v10, v10;
	s0 =	sand.u32 $0x3C00, s0;
	v3 =	vadd.f32 v8, v3;
	v8 =	vmul.f32 v15, v15;
	[sflag:s24] =	ssyncadd.s32 $0xFFFFC000;
	s1 =	sor.u32 $0x380, s1  }
0x87: {  	v5 =	vadd.f32 v12, v5;
	v7 =	vadd.f32 v11, v7;
	v10 =	vmul.f32 v16, v16;
	s0 =	sor.u32 s25, s0;
	v11 =	vld [tilespmem:s1+$0x4000]  }
0x88: {  	v2 =	vadd.f32 v9, v2;
	v9 =	vmul.f32 v17, v17;
	v4 =	vadd.f32 v8, v4;
	v13 =	vld [tilespmem:s0+$0x4000]  }
0x89: {  	v0 =	vadd.f32 v10, v0;
	v12 =	vmul.f32 v18, v18;
	v8 =	vmul.f32 v19, v19;
	v10 =	vld [tilespmem:s0+$0x4080]  }
0x8a: {  	s3 =	simm.s32 $0x1;
	v1 =	vadd.f32 v9, v1;
	v9 =	vmul.f32 v20, v20;
	v14 =	vld [tilespmem:s0+$0x4100]  }
0x8b: {  	s1 =	sand.u32 $0x7, s3;
	v15 =	vld [tilespmem:s0+$0x4180];
	v5 =	vadd.f32 v12, v5;
	v6 =	vadd.f32 v8, v6;
	v8 =	vmul.f32 v21, v21  }
0x8c: {  	v61 =	vld [tilespmem:s0+$0x4200];
	s1 =	sshll.u32 s1, $0x4;
	v12 =	vmul.f32 v22, v22;
	v7 =	vadd.f32 v9, v7;
	v9 =	vmul.f32 v23, v23  }
0x8d: {  	s29 =	simm.s32 $0x80;
	s25 =	simm.s32 $0x10;
	v60 =	vmul.f32 v24, v24;
	v62 =	vld [tilespmem:s0+$0x4280];
	s1 =	sadd.s32 $0x80, s1;
	v3 =	vadd.f32 v8, v3;
	v8 =	vmul.f32 v25, v25  }
0x8e: {  	s3 =	sand.u32 $0x70, s25;
	s25 =	sand.u32 $0x3C00, s29;
	v63 =	vld [tilespmem:s0+$0x4300];
	s1 =	sor.u32 $0x380, s1;
	v2 =	vadd.f32 v12, v2;
	v4 =	vadd.f32 v9, v4;
	v9 =	vmul.f32 v11, v11  }
0x8f: {  	s30 =	sor.u32 s3, s25;
	v12 =	vld [tilespmem:s1+$0x4000];
	v10 =	vmul.f32 v10, v10;
	v1 =	vadd.f32 v8, v1;
	v8 =	vmul.f32 v13, v13  }
0x90: {  	v13 =	vmul.f32 v14, v14;
	v14 =	vmul.f32 v15, v15;
	v5 =	vadd.f32 v9, v5;
	v9 =	vld [tilespmem:s30+$0x4000]  }
0x91: {  	v0 =	vadd.f32 v60, v0;
	v11 =	vld [tilespmem:s30+$0x4080];
	v15 =	vmul.f32 v61, v61;
	v7 =	vadd.f32 v10, v7  }
0x92: {  	s31 =	simm.s32 $0x2;
	v6 =	vadd.f32 v8, v6;
	v8 =	vld [tilespmem:s30+$0x4100];
	v2 =	vadd.f32 v14, v2;
	v14 =	vmul.f32 v62, v62  }
0x93: {  	s0 =	simm.s32 $0x30;
	s25 =	sand.u32 $0x7, s31;
	s1 =	simm.s32 $0x20;
	v10 =	vld [tilespmem:s30+$0x4180];
	v3 =	vadd.f32 v13, v3;
	v4 =	vadd.f32 v15, v4;
	v13 =	vmul.f32 v63, v63  }
.LBB2_8:
0x94: {  	p0 =	sne.s32 s0, $0x7F0;
	s3 =	sshll.u32 s25, $0x4;
	v15 =	vld [tilespmem:s30+$0x4200];
	v12 =	vmul.f32 v12, v12;
	s29 =	sadd.s32 $0x80, s29;
	v0 =	vadd.f32 v14, v0  }
0x95: {  	s1 =	sand.u32 $0x70, s1;
	s3 =	sadd.s32 s3, s29;
	s25 =	sand.u32 $0x3C00, s29;
	v9 =	vmul.f32 v9, v9;
	v14 =	vld [tilespmem:s30+$0x4280];
	v1 =	vadd.f32 v13, v1  }
0x96: {  	s3 =	sor.u32 $0x380, s3;
	v11 =	vmul.f32 v11, v11;
	v13 =	vld [tilespmem:s30+$0x4300];
	s30 =	sor.u32 s1, s25;
	v5 =	vadd.f32 v12, v5;
	s1 =	smov.u32 s0  }
.Ltmp3:
0x97: {  	v12 =	vld [tilespmem:s3+$0x4000];
	v6 =	vadd.f32 v9, v6;
	v8 =	vmul.f32 v8, v8;
	(pc) =	sbr.rel @p0 .LBB2_8-.Ltmp3, $4  }
0x98: {  	v9 =	vld [tilespmem:s30+$0x4000];
	v7 =	vadd.f32 v11, v7;
	v10 =	vmul.f32 v10, v10  }
0x99: {  	v11 =	vld [tilespmem:s30+$0x4080];
	v3 =	vadd.f32 v8, v3;
	v15 =	vmul.f32 v15, v15  }
0x9a: {  	s31 =	sadd.s32 $0x1, s31;
	v8 =	vld [tilespmem:s30+$0x4100];
	v2 =	vadd.f32 v10, v2;
	v14 =	vmul.f32 v14, v14  }
0x9b: {  	s25 =	sand.u32 $0x7, s31;
	s0 =	sadd.s32 $0x10, s0;
	v10 =	vld [tilespmem:s30+$0x4180];
	v4 =	vadd.f32 v15, v4;
	v13 =	vmul.f32 v13, v13  }
0x9c: {  	s0 =	sshll.u32 s25, $0x4;
	v15 =	vld [tilespmem:s30+$0x4200];
	s3 =	sadd.s32 $0x80, s29  }
0x9d: {  	v16 =	vld [tilespmem:s30+$0x4280];
	s0 =	sadd.s32 s0, s3  }
0x9e: {  	s1 =	sand.u32 $0x70, s1;
	v17 =	vld [tilespmem:s30+$0x4300];
	s3 =	sand.u32 $0x3C00, s3;
	s0 =	sor.u32 $0x380, s0  }
0x9f: {  	s1 =	sor.u32 s1, s3;
	v18 =	vld [tilespmem:s0+$0x4000]  }
0xa0: {  	v19 =	vld [tilespmem:s1+$0x4000]  }
0xa1: {  	v20 =	vld [tilespmem:s1+$0x4080]  }
0xa2: {  	v21 =	vld [tilespmem:s1+$0x4100]  }
0xa3: {  	v22 =	vld [tilespmem:s1+$0x4180]  }
0xa4: {  	v23 =	vld [tilespmem:s1+$0x4200]  }
0xa5: {  	v24 =	vld [tilespmem:s1+$0x4280];
	s0 =	simm.s32 $0x0  }
0xa6: {  	v25 =	vld [tilespmem:s1+$0x4300];
	[tilespmem:s22], [sflag:$0x2] =	stream.linear.gather [hbm4b:s8+s0], $0x4000, $0x38  }
0xa7: {  	v9 =	vmul.f32 v9, v9;
	s3 =	sand.u32 $0x7, s0  }
0xa8: {  	v12 =	vmul.f32 v12, v12;
	v0 =	vadd.f32 v14, v0;
	v8 =	vmul.f32 v8, v8;
	_ =	swait.ge [sflag:s23], $0x4000;
	s1 =	sshll.u32 s3, $0x4  }
0xa9: {  	v1 =	vadd.f32 v13, v1;
	v11 =	vmul.f32 v11, v11;
	v6 =	vadd.f32 v9, v6;
	s25 =	sand.u32 $0x70, s0;
	[sflag:s23] =	ssyncset.done $0x0;
	s1 =	sadd.s32 $0x0, s1  }
0xaa: {  	v9 =	vmul.f32 v10, v10;
	s0 =	sand.u32 $0x3C00, s0;
	v3 =	vadd.f32 v8, v3;
	v8 =	vmul.f32 v15, v15;
	[sflag:s23] =	ssyncadd.s32 $0xFFFFC000;
	s1 =	sor.u32 $0x380, s1  }
0xab: {  	v5 =	vadd.f32 v12, v5;
	v7 =	vadd.f32 v11, v7;
	v10 =	vmul.f32 v16, v16;
	s0 =	sor.u32 s25, s0;
	v11 =	vld [tilespmem:s1+$0x0]  }
0xac: {  	v2 =	vadd.f32 v9, v2;
	v9 =	vmul.f32 v17, v17;
	v4 =	vadd.f32 v8, v4;
	v13 =	vld [tilespmem:s0+$0x0]  }
0xad: {  	v0 =	vadd.f32 v10, v0;
	v12 =	vmul.f32 v18, v18;
	v8 =	vmul.f32 v19, v19;
	v10 =	vld [tilespmem:s0+$0x80]  }
0xae: {  	s3 =	simm.s32 $0x1;
	v1 =	vadd.f32 v9, v1;
	v9 =	vmul.f32 v20, v20;
	v14 =	vld [tilespmem:s0+$0x100]  }
0xaf: {  	s1 =	sand.u32 $0x7, s3;
	v15 =	vld [tilespmem:s0+$0x180];
	v5 =	vadd.f32 v12, v5;
	v6 =	vadd.f32 v8, v6;
	v8 =	vmul.f32 v21, v21  }
0xb0: {  	v61 =	vld [tilespmem:s0+$0x200];
	s1 =	sshll.u32 s1, $0x4;
	v12 =	vmul.f32 v22, v22;
	v7 =	vadd.f32 v9, v7;
	v9 =	vmul.f32 v23, v23  }
0xb1: {  	s29 =	simm.s32 $0x80;
	s25 =	simm.s32 $0x10;
	v60 =	vmul.f32 v24, v24;
	v62 =	vld [tilespmem:s0+$0x280];
	s1 =	sadd.s32 $0x80, s1;
	v3 =	vadd.f32 v8, v3;
	v8 =	vmul.f32 v25, v25  }
0xb2: {  	s3 =	sand.u32 $0x70, s25;
	s25 =	sand.u32 $0x3C00, s29;
	v63 =	vld [tilespmem:s0+$0x300];
	s1 =	sor.u32 $0x380, s1;
	v2 =	vadd.f32 v12, v2;
	v4 =	vadd.f32 v9, v4;
	v9 =	vmul.f32 v11, v11  }
0xb3: {  	s30 =	sor.u32 s3, s25;
	v12 =	vld [tilespmem:s1+$0x0];
	v10 =	vmul.f32 v10, v10;
	v1 =	vadd.f32 v8, v1;
	v8 =	vmul.f32 v13, v13  }
0xb4: {  	v13 =	vmul.f32 v14, v14;
	v14 =	vmul.f32 v15, v15;
	v5 =	vadd.f32 v9, v5;
	v9 =	vld [tilespmem:s30+$0x0]  }
0xb5: {  	v0 =	vadd.f32 v60, v0;
	v11 =	vld [tilespmem:s30+$0x80];
	v15 =	vmul.f32 v61, v61;
	v7 =	vadd.f32 v10, v7  }
0xb6: {  	s31 =	simm.s32 $0x2;
	v6 =	vadd.f32 v8, v6;
	v8 =	vld [tilespmem:s30+$0x100];
	v2 =	vadd.f32 v14, v2;
	v14 =	vmul.f32 v62, v62  }
0xb7: {  	s0 =	simm.s32 $0x30;
	s25 =	sand.u32 $0x7, s31;
	s1 =	simm.s32 $0x20;
	v10 =	vld [tilespmem:s30+$0x180];
	v3 =	vadd.f32 v13, v3;
	v4 =	vadd.f32 v15, v4;
	v13 =	vmul.f32 v63, v63  }
.LBB2_10:
0xb8: {  	p0 =	sne.s32 s0, $0x7F0;
	s3 =	sshll.u32 s25, $0x4;
	v15 =	vld [tilespmem:s30+$0x200];
	v12 =	vmul.f32 v12, v12;
	s29 =	sadd.s32 $0x80, s29;
	v0 =	vadd.f32 v14, v0  }
0xb9: {  	s1 =	sand.u32 $0x70, s1;
	s3 =	sadd.s32 s3, s29;
	s25 =	sand.u32 $0x3C00, s29;
	v9 =	vmul.f32 v9, v9;
	v14 =	vld [tilespmem:s30+$0x280];
	v1 =	vadd.f32 v13, v1  }
0xba: {  	s3 =	sor.u32 $0x380, s3;
	v11 =	vmul.f32 v11, v11;
	v13 =	vld [tilespmem:s30+$0x300];
	s30 =	sor.u32 s1, s25;
	v5 =	vadd.f32 v12, v5;
	s1 =	smov.u32 s0  }
.Ltmp4:
0xbb: {  	v12 =	vld [tilespmem:s3+$0x0];
	v6 =	vadd.f32 v9, v6;
	v8 =	vmul.f32 v8, v8;
	(pc) =	sbr.rel @p0 .LBB2_10-.Ltmp4, $4  }
0xbc: {  	v9 =	vld [tilespmem:s30+$0x0];
	v7 =	vadd.f32 v11, v7;
	v10 =	vmul.f32 v10, v10  }
0xbd: {  	v11 =	vld [tilespmem:s30+$0x80];
	v3 =	vadd.f32 v8, v3;
	v15 =	vmul.f32 v15, v15  }
0xbe: {  	s31 =	sadd.s32 $0x1, s31;
	v8 =	vld [tilespmem:s30+$0x100];
	v2 =	vadd.f32 v10, v2;
	v14 =	vmul.f32 v14, v14  }
0xbf: {  	s25 =	sand.u32 $0x7, s31;
	s0 =	sadd.s32 $0x10, s0;
	v10 =	vld [tilespmem:s30+$0x180];
	v4 =	vadd.f32 v15, v4;
	v13 =	vmul.f32 v13, v13  }
0xc0: {  	s0 =	sshll.u32 s25, $0x4;
	v15 =	vld [tilespmem:s30+$0x200];
	s3 =	sadd.s32 $0x80, s29  }
0xc1: {  	v16 =	vld [tilespmem:s30+$0x280];
	s0 =	sadd.s32 s0, s3  }
0xc2: {  	s1 =	sand.u32 $0x70, s1;
	v17 =	vld [tilespmem:s30+$0x300];
	s3 =	sand.u32 $0x3C00, s3;
	s0 =	sor.u32 $0x380, s0  }
0xc3: {  	s1 =	sor.u32 s1, s3;
	v18 =	vld [tilespmem:s0+$0x0]  }
0xc4: {  	v19 =	vld [tilespmem:s1+$0x0]  }
0xc5: {  	v20 =	vld [tilespmem:s1+$0x80]  }
0xc6: {  	v21 =	vld [tilespmem:s1+$0x100]  }
0xc7: {  	v22 =	vld [tilespmem:s1+$0x180]  }
0xc8: {  	v23 =	vld [tilespmem:s1+$0x200]  }
0xc9: {  	v24 =	vld [tilespmem:s1+$0x280];
	s0 =	simm.s32 $0x0  }
0xca: {  	v25 =	vld [tilespmem:s1+$0x300];
	[tilespmem:s0], [sflag:$0x1] =	stream.linear.gather [hbm4b:s9+s0], $0x4000, $0x38  }
0xcb: {  	v9 =	vmul.f32 v9, v9;
	s3 =	sand.u32 $0x7, s0  }
0xcc: {  	v12 =	vmul.f32 v12, v12;
	v0 =	vadd.f32 v14, v0;
	v8 =	vmul.f32 v8, v8;
	_ =	swait.ge [sflag:s24], $0x4000;
	s1 =	sshll.u32 s3, $0x4  }
0xcd: {  	v1 =	vadd.f32 v13, v1;
	v11 =	vmul.f32 v11, v11;
	v6 =	vadd.f32 v9, v6;
	s25 =	sand.u32 $0x70, s0;
	[sflag:s24] =	ssyncset.done $0x0;
	s1 =	sadd.s32 $0x0, s1  }
0xce: {  	v9 =	vmul.f32 v10, v10;
	s0 =	sand.u32 $0x3C00, s0;
	v3 =	vadd.f32 v8, v3;
	v8 =	vmul.f32 v15, v15;
	[sflag:s24] =	ssyncadd.s32 $0xFFFFC000;
	s1 =	sor.u32 $0x380, s1  }
0xcf: {  	v5 =	vadd.f32 v12, v5;
	v7 =	vadd.f32 v11, v7;
	v10 =	vmul.f32 v16, v16;
	s0 =	sor.u32 s25, s0;
	v11 =	vld [tilespmem:s1+$0x4000]  }
0xd0: {  	v2 =	vadd.f32 v9, v2;
	v9 =	vmul.f32 v17, v17;
	v4 =	vadd.f32 v8, v4;
	v13 =	vld [tilespmem:s0+$0x4000]  }
0xd1: {  	v0 =	vadd.f32 v10, v0;
	v12 =	vmul.f32 v18, v18;
	v8 =	vmul.f32 v19, v19;
	v10 =	vld [tilespmem:s0+$0x4080]  }
0xd2: {  	s3 =	simm.s32 $0x1;
	v1 =	vadd.f32 v9, v1;
	v9 =	vmul.f32 v20, v20;
	v14 =	vld [tilespmem:s0+$0x4100]  }
0xd3: {  	s1 =	sand.u32 $0x7, s3;
	v15 =	vld [tilespmem:s0+$0x4180];
	v5 =	vadd.f32 v12, v5;
	v6 =	vadd.f32 v8, v6;
	v8 =	vmul.f32 v21, v21  }
0xd4: {  	v61 =	vld [tilespmem:s0+$0x4200];
	s1 =	sshll.u32 s1, $0x4;
	v12 =	vmul.f32 v22, v22;
	v7 =	vadd.f32 v9, v7;
	v9 =	vmul.f32 v23, v23  }
0xd5: {  	s29 =	simm.s32 $0x80;
	s25 =	simm.s32 $0x10;
	v60 =	vmul.f32 v24, v24;
	v62 =	vld [tilespmem:s0+$0x4280];
	s1 =	sadd.s32 $0x80, s1;
	v3 =	vadd.f32 v8, v3;
	v8 =	vmul.f32 v25, v25  }
0xd6: {  	s3 =	sand.u32 $0x70, s25;
	s25 =	sand.u32 $0x3C00, s29;
	v63 =	vld [tilespmem:s0+$0x4300];
	s1 =	sor.u32 $0x380, s1;
	v2 =	vadd.f32 v12, v2;
	v4 =	vadd.f32 v9, v4;
	v9 =	vmul.f32 v11, v11  }
0xd7: {  	s30 =	sor.u32 s3, s25;
	v12 =	vld [tilespmem:s1+$0x4000];
	v10 =	vmul.f32 v10, v10;
	v1 =	vadd.f32 v8, v1;
	v8 =	vmul.f32 v13, v13  }
0xd8: {  	v13 =	vmul.f32 v14, v14;
	v14 =	vmul.f32 v15, v15;
	v5 =	vadd.f32 v9, v5;
	v9 =	vld [tilespmem:s30+$0x4000]  }
0xd9: {  	v0 =	vadd.f32 v60, v0;
	v11 =	vld [tilespmem:s30+$0x4080];
	v15 =	vmul.f32 v61, v61;
	v7 =	vadd.f32 v10, v7  }
0xda: {  	s31 =	simm.s32 $0x2;
	v6 =	vadd.f32 v8, v6;
	v8 =	vld [tilespmem:s30+$0x4100];
	v2 =	vadd.f32 v14, v2;
	v14 =	vmul.f32 v62, v62  }
0xdb: {  	s0 =	simm.s32 $0x30;
	s25 =	sand.u32 $0x7, s31;
	s1 =	simm.s32 $0x20;
	v10 =	vld [tilespmem:s30+$0x4180];
	v3 =	vadd.f32 v13, v3;
	v4 =	vadd.f32 v15, v4;
	v13 =	vmul.f32 v63, v63  }
.LBB2_12:
0xdc: {  	p0 =	sne.s32 s0, $0x7F0;
	s3 =	sshll.u32 s25, $0x4;
	v15 =	vld [tilespmem:s30+$0x4200];
	v12 =	vmul.f32 v12, v12;
	s29 =	sadd.s32 $0x80, s29;
	v0 =	vadd.f32 v14, v0  }
0xdd: {  	s1 =	sand.u32 $0x70, s1;
	s3 =	sadd.s32 s3, s29;
	s25 =	sand.u32 $0x3C00, s29;
	v9 =	vmul.f32 v9, v9;
	v14 =	vld [tilespmem:s30+$0x4280];
	v1 =	vadd.f32 v13, v1  }
0xde: {  	s3 =	sor.u32 $0x380, s3;
	v11 =	vmul.f32 v11, v11;
	v13 =	vld [tilespmem:s30+$0x4300];
	s30 =	sor.u32 s1, s25;
	v5 =	vadd.f32 v12, v5;
	s1 =	smov.u32 s0  }
.Ltmp5:
0xdf: {  	v12 =	vld [tilespmem:s3+$0x4000];
	v6 =	vadd.f32 v9, v6;
	v8 =	vmul.f32 v8, v8;
	(pc) =	sbr.rel @p0 .LBB2_12-.Ltmp5, $4  }
0xe0: {  	v9 =	vld [tilespmem:s30+$0x4000];
	v7 =	vadd.f32 v11, v7;
	v10 =	vmul.f32 v10, v10  }
0xe1: {  	v11 =	vld [tilespmem:s30+$0x4080];
	v3 =	vadd.f32 v8, v3;
	v15 =	vmul.f32 v15, v15  }
0xe2: {  	s31 =	sadd.s32 $0x1, s31;
	v8 =	vld [tilespmem:s30+$0x4100];
	v2 =	vadd.f32 v10, v2;
	v14 =	vmul.f32 v14, v14  }
0xe3: {  	s25 =	sand.u32 $0x7, s31;
	s0 =	sadd.s32 $0x10, s0;
	v10 =	vld [tilespmem:s30+$0x4180];
	v4 =	vadd.f32 v15, v4;
	v13 =	vmul.f32 v13, v13  }
0xe4: {  	s0 =	sshll.u32 s25, $0x4;
	v15 =	vld [tilespmem:s30+$0x4200];
	s3 =	sadd.s32 $0x80, s29  }
0xe5: {  	v16 =	vld [tilespmem:s30+$0x4280];
	s0 =	sadd.s32 s0, s3  }
0xe6: {  	s1 =	sand.u32 $0x70, s1;
	v17 =	vld [tilespmem:s30+$0x4300];
	s3 =	sand.u32 $0x3C00, s3;
	s0 =	sor.u32 $0x380, s0  }
0xe7: {  	s1 =	sor.u32 s1, s3;
	v18 =	vld [tilespmem:s0+$0x4000]  }
0xe8: {  	v19 =	vld [tilespmem:s1+$0x4000]  }
0xe9: {  	v20 =	vld [tilespmem:s1+$0x4080]  }
0xea: {  	v21 =	vld [tilespmem:s1+$0x4100]  }
0xeb: {  	v22 =	vld [tilespmem:s1+$0x4180]  }
0xec: {  	v23 =	vld [tilespmem:s1+$0x4200]  }
0xed: {  	v24 =	vld [tilespmem:s1+$0x4280];
	s0 =	simm.s32 $0x0  }
0xee: {  	v25 =	vld [tilespmem:s1+$0x4300];
	[tilespmem:s22], [sflag:$0x2] =	stream.linear.gather [hbm4b:s10+s0], $0x4000, $0x38  }
0xef: {  	v9 =	vmul.f32 v9, v9;
	s3 =	sand.u32 $0x7, s0  }
0xf0: {  	v12 =	vmul.f32 v12, v12;
	v0 =	vadd.f32 v14, v0;
	v8 =	vmul.f32 v8, v8;
	_ =	swait.ge [sflag:s23], $0x4000;
	s1 =	sshll.u32 s3, $0x4  }
0xf1: {  	v1 =	vadd.f32 v13, v1;
	v11 =	vmul.f32 v11, v11;
	v6 =	vadd.f32 v9, v6;
	s25 =	sand.u32 $0x70, s0;
	[sflag:s23] =	ssyncset.done $0x0;
	s1 =	sadd.s32 $0x0, s1  }
0xf2: {  	v9 =	vmul.f32 v10, v10;
	s0 =	sand.u32 $0x3C00, s0;
	v3 =	vadd.f32 v8, v3;
	v8 =	vmul.f32 v15, v15;
	[sflag:s23] =	ssyncadd.s32 $0xFFFFC000;
	s1 =	sor.u32 $0x380, s1  }
0xf3: {  	v5 =	vadd.f32 v12, v5;
	v7 =	vadd.f32 v11, v7;
	v10 =	vmul.f32 v16, v16;
	s0 =	sor.u32 s25, s0;
	v11 =	vld [tilespmem:s1+$0x0]  }
0xf4: {  	v2 =	vadd.f32 v9, v2;
	v9 =	vmul.f32 v17, v17;
	v4 =	vadd.f32 v8, v4;
	v13 =	vld [tilespmem:s0+$0x0]  }
0xf5: {  	v0 =	vadd.f32 v10, v0;
	v12 =	vmul.f32 v18, v18;
	v8 =	vmul.f32 v19, v19;
	v10 =	vld [tilespmem:s0+$0x80]  }
0xf6: {  	s3 =	simm.s32 $0x1;
	v1 =	vadd.f32 v9, v1;
	v9 =	vmul.f32 v20, v20;
	v14 =	vld [tilespmem:s0+$0x100]  }
0xf7: {  	s1 =	sand.u32 $0x7, s3;
	v15 =	vld [tilespmem:s0+$0x180];
	v5 =	vadd.f32 v12, v5;
	v6 =	vadd.f32 v8, v6;
	v8 =	vmul.f32 v21, v21  }
0xf8: {  	v61 =	vld [tilespmem:s0+$0x200];
	s1 =	sshll.u32 s1, $0x4;
	v12 =	vmul.f32 v22, v22;
	v7 =	vadd.f32 v9, v7;
	v9 =	vmul.f32 v23, v23  }
0xf9: {  	s29 =	simm.s32 $0x80;
	s25 =	simm.s32 $0x10;
	v60 =	vmul.f32 v24, v24;
	v62 =	vld [tilespmem:s0+$0x280];
	s1 =	sadd.s32 $0x80, s1;
	v3 =	vadd.f32 v8, v3;
	v8 =	vmul.f32 v25, v25  }
0xfa: {  	s3 =	sand.u32 $0x70, s25;
	s25 =	sand.u32 $0x3C00, s29;
	v63 =	vld [tilespmem:s0+$0x300];
	s1 =	sor.u32 $0x380, s1;
	v2 =	vadd.f32 v12, v2;
	v4 =	vadd.f32 v9, v4;
	v9 =	vmul.f32 v11, v11  }
0xfb: {  	s30 =	sor.u32 s3, s25;
	v12 =	vld [tilespmem:s1+$0x0];
	v10 =	vmul.f32 v10, v10;
	v1 =	vadd.f32 v8, v1;
	v8 =	vmul.f32 v13, v13  }
0xfc: {  	v13 =	vmul.f32 v14, v14;
	v14 =	vmul.f32 v15, v15;
	v5 =	vadd.f32 v9, v5;
	v9 =	vld [tilespmem:s30+$0x0]  }
0xfd: {  	v0 =	vadd.f32 v60, v0;
	v11 =	vld [tilespmem:s30+$0x80];
	v15 =	vmul.f32 v61, v61;
	v7 =	vadd.f32 v10, v7  }
0xfe: {  	s31 =	simm.s32 $0x2;
	v6 =	vadd.f32 v8, v6;
	v8 =	vld [tilespmem:s30+$0x100];
	v2 =	vadd.f32 v14, v2;
	v14 =	vmul.f32 v62, v62  }
0xff: {  	s0 =	simm.s32 $0x30;
	s25 =	sand.u32 $0x7, s31;
	s1 =	simm.s32 $0x20;
	v10 =	vld [tilespmem:s30+$0x180];
	v3 =	vadd.f32 v13, v3;
	v4 =	vadd.f32 v15, v4;
	v13 =	vmul.f32 v63, v63  }
.LBB2_14:
0x100: {  	p0 =	sne.s32 s0, $0x7F0;
	s3 =	sshll.u32 s25, $0x4;
	v15 =	vld [tilespmem:s30+$0x200];
	v12 =	vmul.f32 v12, v12;
	s29 =	sadd.s32 $0x80, s29;
	v0 =	vadd.f32 v14, v0  }
0x101: {  	s1 =	sand.u32 $0x70, s1;
	s3 =	sadd.s32 s3, s29;
	s25 =	sand.u32 $0x3C00, s29;
	v9 =	vmul.f32 v9, v9;
	v14 =	vld [tilespmem:s30+$0x280];
	v1 =	vadd.f32 v13, v1  }
0x102: {  	s3 =	sor.u32 $0x380, s3;
	v11 =	vmul.f32 v11, v11;
	v13 =	vld [tilespmem:s30+$0x300];
	s30 =	sor.u32 s1, s25;
	v5 =	vadd.f32 v12, v5;
	s1 =	smov.u32 s0  }
.Ltmp6:
0x103: {  	v12 =	vld [tilespmem:s3+$0x0];
	v6 =	vadd.f32 v9, v6;
	v8 =	vmul.f32 v8, v8;
	(pc) =	sbr.rel @p0 .LBB2_14-.Ltmp6, $4  }
0x104: {  	v9 =	vld [tilespmem:s30+$0x0];
	v7 =	vadd.f32 v11, v7;
	v10 =	vmul.f32 v10, v10  }
0x105: {  	v11 =	vld [tilespmem:s30+$0x80];
	v3 =	vadd.f32 v8, v3;
	v15 =	vmul.f32 v15, v15  }
0x106: {  	s31 =	sadd.s32 $0x1, s31;
	v8 =	vld [tilespmem:s30+$0x100];
	v2 =	vadd.f32 v10, v2;
	v14 =	vmul.f32 v14, v14  }
0x107: {  	s25 =	sand.u32 $0x7, s31;
	s0 =	sadd.s32 $0x10, s0;
	v10 =	vld [tilespmem:s30+$0x180];
	v4 =	vadd.f32 v15, v4;
	v13 =	vmul.f32 v13, v13  }
0x108: {  	s0 =	sshll.u32 s25, $0x4;
	v15 =	vld [tilespmem:s30+$0x200];
	s3 =	sadd.s32 $0x80, s29  }
0x109: {  	v16 =	vld [tilespmem:s30+$0x280];
	s0 =	sadd.s32 s0, s3  }
0x10a: {  	s1 =	sand.u32 $0x70, s1;
	v17 =	vld [tilespmem:s30+$0x300];
	s3 =	sand.u32 $0x3C00, s3;
	s0 =	sor.u32 $0x380, s0  }
0x10b: {  	s1 =	sor.u32 s1, s3;
	v18 =	vld [tilespmem:s0+$0x0]  }
0x10c: {  	v19 =	vld [tilespmem:s1+$0x0]  }
0x10d: {  	v20 =	vld [tilespmem:s1+$0x80]  }
0x10e: {  	v21 =	vld [tilespmem:s1+$0x100]  }
0x10f: {  	v22 =	vld [tilespmem:s1+$0x180]  }
0x110: {  	v23 =	vld [tilespmem:s1+$0x200]  }
0x111: {  	v9 =	vmul.f32 v9, v9;
	v24 =	vld [tilespmem:s1+$0x280];
	s0 =	simm.s32 $0x0  }
0x112: {  	v12 =	vmul.f32 v12, v12;
	v0 =	vadd.f32 v14, v0;
	v25 =	vld [tilespmem:s1+$0x300];
	_ =	swait.ge [sflag:s24], $0x4000;
	v8 =	vmul.f32 v8, v8;
	s3 =	sand.u32 $0x7, s0  }
0x113: {  	v1 =	vadd.f32 v13, v1;
	v11 =	vmul.f32 v11, v11;
	v6 =	vadd.f32 v9, v6;
	[sflag:s24] =	ssyncset.done $0x0;
	s25 =	sand.u32 $0x70, s0;
	s0 =	sand.u32 $0x3C00, s0  }
0x114: {  	v9 =	vmul.f32 v10, v10;
	s1 =	sshll.u32 s3, $0x4;
	[sflag:s24] =	ssyncadd.s32 $0xFFFFC000;
	v3 =	vadd.f32 v8, v3;
	v8 =	vmul.f32 v15, v15;
	s0 =	sor.u32 s25, s0  }
0x115: {  	v5 =	vadd.f32 v12, v5;
	v7 =	vadd.f32 v11, v7;
	v10 =	vmul.f32 v16, v16;
	s1 =	sadd.s32 $0x0, s1;
	v13 =	vld [tilespmem:s0+$0x4000]  }
0x116: {  	v2 =	vadd.f32 v9, v2;
	v9 =	vmul.f32 v17, v17;
	v15 =	vld [tilespmem:s0+$0x4180];
	s1 =	sor.u32 $0x380, s1;
	v4 =	vadd.f32 v8, v4  }
0x117: {  	v0 =	vadd.f32 v10, v0;
	v11 =	vld [tilespmem:s1+$0x4000];
	v12 =	vmul.f32 v18, v18;
	v8 =	vmul.f32 v19, v19  }
0x118: {  	s3 =	simm.s32 $0x1;
	v10 =	vld [tilespmem:s0+$0x4080];
	v1 =	vadd.f32 v9, v1;
	v9 =	vmul.f32 v20, v20;
	v14 =	vmul.f32 v22, v22  }
0x119: {  	s1 =	sand.u32 $0x7, s3;
	v5 =	vadd.f32 v12, v5;
	v12 =	vld [tilespmem:s0+$0x4100];
	v6 =	vadd.f32 v8, v6;
	v8 =	vmul.f32 v21, v21  }
0x11a: {  	v61 =	vld [tilespmem:s0+$0x4200];
	v60 =	vmul.f32 v24, v24;
	s1 =	sshll.u32 s1, $0x4;
	v7 =	vadd.f32 v9, v7;
	v9 =	vmul.f32 v23, v23  }
0x11b: {  	s30 =	simm.s32 $0x80;
	s25 =	simm.s32 $0x10;
	v63 =	vld [tilespmem:s0+$0x4280];
	v14 =	vadd.f32 v14, v2;
	s1 =	sadd.s32 $0x80, s1;
	v62 =	vadd.f32 v8, v3;
	v3 =	vmul.f32 v25, v25  }
0x11c: {  	s3 =	sand.u32 $0x70, s25;
	s25 =	sand.u32 $0x3C00, s30;
	v2 =	vadd.f32 v60, v0;
	s1 =	sor.u32 $0x380, s1;
	v4 =	vadd.f32 v9, v4;
	v9 =	vld [tilespmem:s0+$0x4300];
	v0 =	vmul.f32 v11, v11  }
0x11d: {  	s29 =	sor.u32 s3, s25;
	v8 =	vmul.f32 v13, v13;
	v10 =	vmul.f32 v10, v10;
	v1 =	vadd.f32 v3, v1;
	v3 =	vld [tilespmem:s1+$0x4000]  }
0x11e: {  	v13 =	vmul.f32 v15, v15;
	v11 =	vld [tilespmem:s29+$0x4000];
	v0 =	vadd.f32 v0, v5;
	v5 =	vmul.f32 v12, v12  }
0x11f: {  	v15 =	vmul.f32 v61, v61;
	v8 =	vadd.f32 v8, v6;
	v7 =	vadd.f32 v10, v7;
	v12 =	vld [tilespmem:s29+$0x4080]  }
0x120: {  	s31 =	simm.s32 $0x2;
	v10 =	vld [tilespmem:s29+$0x4100];
	v6 =	vadd.f32 v5, v62;
	v5 =	vadd.f32 v13, v14;
	v14 =	vmul.f32 v63, v63  }
0x121: {  	s25 =	sand.u32 $0x7, s31;
	s0 =	simm.s32 $0x30;
	s1 =	simm.s32 $0x20;
	v4 =	vadd.f32 v15, v4;
	v13 =	vld [tilespmem:s29+$0x4180];
	v9 =	vmul.f32 v9, v9  }
.LBB2_16:
0x122: {  	p0 =	sne.s32 s0, $0x7F0;
	s3 =	sshll.u32 s25, $0x4;
	v15 =	vld [tilespmem:s29+$0x4200];
	v3 =	vmul.f32 v3, v3;
	s30 =	sadd.s32 $0x80, s30;
	v2 =	vadd.f32 v14, v2  }
0x123: {  	s1 =	sand.u32 $0x70, s1;
	s3 =	sadd.s32 s3, s30;
	s25 =	sand.u32 $0x3C00, s30;
	v11 =	vmul.f32 v11, v11;
	v14 =	vld [tilespmem:s29+$0x4280];
	v1 =	vadd.f32 v9, v1  }
0x124: {  	s3 =	sor.u32 $0x380, s3;
	v9 =	vmul.f32 v12, v12;
	v16 =	vld [tilespmem:s29+$0x4300];
	s29 =	sor.u32 s1, s25;
	v0 =	vadd.f32 v3, v0;
	s1 =	smov.u32 s0  }
.Ltmp7:
0x125: {  	v3 =	vld [tilespmem:s3+$0x4000];
	v8 =	vadd.f32 v11, v8;
	v10 =	vmul.f32 v10, v10;
	(pc) =	sbr.rel @p0 .LBB2_16-.Ltmp7, $4  }
0x126: {  	v11 =	vld [tilespmem:s29+$0x4000];
	v7 =	vadd.f32 v9, v7;
	v9 =	vmul.f32 v13, v13  }
0x127: {  	v12 =	vld [tilespmem:s29+$0x4080];
	v6 =	vadd.f32 v10, v6;
	v15 =	vmul.f32 v15, v15  }
0x128: {  	s31 =	sadd.s32 $0x1, s31;
	v10 =	vld [tilespmem:s29+$0x4100];
	v5 =	vadd.f32 v9, v5;
	v14 =	vmul.f32 v14, v14  }
0x129: {  	s25 =	sand.u32 $0x7, s31;
	s0 =	sadd.s32 $0x10, s0;
	v13 =	vld [tilespmem:s29+$0x4180];
	v4 =	vadd.f32 v15, v4;
	v9 =	vmul.f32 v16, v16  }
0x12a: {  	s0 =	sadd.s32 $0x80, s30  }
0x12b: {  	s1 =	sand.u32 $0x70, s1;
	s3 =	sand.u32 $0x3C00, s0  }
0x12c: {  	s1 =	sor.u32 s1, s3  }
0x12d: {  	v15 =	vld [tilespmem:s1+$0x4000]  }
0x12e: {  	v16 =	vld [tilespmem:s1+$0x4080];
	_ =	sdelay $0x1  }
0x12f: {  	v11 =	vmul.f32 v11, v11;
	v17 =	vld [tilespmem:s1+$0x4100]  }
0x130: {  	v18 =	vld [tilespmem:s29+$0x4200];
	v12 =	vmul.f32 v12, v12  }
0x131: {  	v8 =	vadd.f32 v11, v8;
	v10 =	vmul.f32 v10, v10;
	v11 =	vld [tilespmem:s1+$0x4180];
	v13 =	vmul.f32 v13, v13  }
0x132: {  	v7 =	vadd.f32 v12, v7;
	v12 =	vld [tilespmem:s29+$0x4280];
	v15 =	vmul.f32 v15, v15;
	v16 =	vmul.f32 v16, v16  }
0x133: {  	v6 =	vadd.f32 v10, v6;
	v10 =	vld [tilespmem:s1+$0x4200];
	v5 =	vadd.f32 v13, v5  }
0x134: {  	v13 =	vld [tilespmem:s1+$0x4280];
	v62 =	vmul.f32 v17, v17;
	v8 =	vadd.f32 v15, v8;
	v7 =	vadd.f32 v16, v7  }
0x135: {  	v63 =	vmul.f32 v18, v18;
	v15 =	vld [tilespmem:s29+$0x4300]  }
0x136: {  	s25 =	sshll.u32 s25, $0x4;
	v6 =	vadd.f32 v62, v6;
	v7 =	vadd.f32 v7, v8;
	v8 =	vmul.f32 v11, v11  }
0x137: {  	v2 =	vadd.f32 v14, v2;
	s0 =	sadd.s32 s25, s0;
	v4 =	vadd.f32 v63, v4;
	v11 =	vmul.f32 v12, v12;
	v12 =	vld [tilespmem:s1+$0x4300]  }
0x138: {  	s0 =	sor.u32 $0x380, s0;
	v10 =	vmul.f32 v10, v10;
	v5 =	vadd.f32 v8, v5;
	v6 =	vadd.f32 v6, v7  }
0x139: {  	v1 =	vadd.f32 v9, v1;
	v9 =	vmul.f32 v13, v13;
	v7 =	vld [tilespmem:s0+$0x4000];
	v2 =	vadd.f32 v11, v2  }
0x13a: {  	v4 =	vadd.f32 v10, v4;
	v8 =	vmul.f32 v15, v15;
	v5 =	vadd.f32 v5, v6  }
0x13b: {  	v3 =	vmul.f32 v3, v3;
	v2 =	vadd.f32 v9, v2  }
0x13c: {  	v1 =	vadd.f32 v8, v1;
	v6 =	vmul.f32 v12, v12;
	v4 =	vadd.f32 v4, v5  }
0x13d: {  	v0 =	vadd.f32 v3, v0  }
0x13e: {  	v3 =	vmul.f32 v7, v7;
	v1 =	vadd.f32 v6, v1;
	v2 =	vadd.f32 v2, v4;
	_ =	sdelay $0x1  }
0x13f: {  	v0 =	vadd.f32 v3, v0;
	v1 =	vadd.f32 v1, v2;
	_ =	sdelay $0x1  }
0x140: {  	v0 =	vadd.f32 v0, v1;
	_ =	sdelay $0x1  }
0x141: {  	s25 =	simm.s32 $0x8000;
	s0 =	simm.s32 $0x0;
	[tilespmem:$0x8000] =	vst v0  }
0x142: {  	[hbm4b:s11+s0] =	stream.linear.scatter [tilespmem:s25], [sflag:$0x3], $0x80, $0x38;
	[tilespmem:$0x8080] =	vst v63  }
0x143: {  	_ =	swait.ge [sflag:s26], $0x80  }
0x144: {  	[sflag:s26] =	ssyncset.done $0x0  }
0x145: {  	s3 =	sand.u32 $0x7, s0;
	[sflag:s26] =	ssyncadd.s32 $0xFFFFFF80  }
0x146: {  	[tilespmem:s0], [sflag:$0x1] =	stream.linear.gather [hbm4b:s12+s0], $0x4000, $0x38;
	[tilespmem:$0x8080] =	vst v63  }
0x147: {  	s1 =	sshll.u32 s3, $0x4  }
0x148: {  	[tilespmem:s22], [sflag:$0x2] =	stream.linear.gather [hbm4b:s13+s0], $0x4000, $0x38;
	[tilespmem:$0x8080] =	vst v63  }
0x149: {  	s1 =	sadd.s32 $0x0, s1;
	_ =	swait.ge [sflag:s23], $0x4000  }
0x14a: {  	s1 =	sor.u32 $0x380, s1;
	[sflag:s23] =	ssyncset.done $0x0  }
0x14b: {  	s25 =	sand.u32 $0x70, s0;
	s0 =	sand.u32 $0x3C00, s0;
	[sflag:s23] =	ssyncadd.s32 $0xFFFFC000  }
0x14c: {  	s0 =	sor.u32 s25, s0;
	v0 =	vld [tilespmem:s1+$0x0]  }
0x14d: {  	v1 =	vld [tilespmem:s0+$0x0]  }
0x14e: {  	v2 =	vld [tilespmem:s0+$0x80]  }
0x14f: {  	v4 =	vld [tilespmem:s0+$0x100]  }
0x150: {  	s3 =	simm.s32 $0x1;
	v5 =	vld [tilespmem:s0+$0x180]  }
0x151: {  	s1 =	sand.u32 $0x7, s3;
	v7 =	vld [tilespmem:s0+$0x200]  }
0x152: {  	v8 =	vld [tilespmem:s0+$0x280];
	s1 =	sshll.u32 s1, $0x4  }
0x153: {  	s29 =	simm.s32 $0x80;
	s25 =	simm.s32 $0x10;
	v14 =	vld [tilespmem:s0+$0x300];
	s1 =	sadd.s32 $0x80, s1  }
0x154: {  	s3 =	sand.u32 $0x70, s25;
	s25 =	sand.u32 $0x3C00, s29;
	s1 =	sor.u32 $0x380, s1;
	v0 =	vmul.f32 v0, v0  }
0x155: {  	v6 =	vimm.f32 $0.0e+00;
	s30 =	sor.u32 s3, s25;
	v12 =	vld [tilespmem:s1+$0x0];
	v1 =	vmul.f32 v1, v1;
	v2 =	vmul.f32 v2, v2  }
0x156: {  	v9 =	vld [tilespmem:s30+$0x0];
	v10 =	vmul.f32 v5, v5;
	v3 =	vadd.f32 v0, v6;
	v0 =	vmul.f32 v4, v4  }
0x157: {  	v11 =	vld [tilespmem:s30+$0x80];
	v13 =	vmul.f32 v8, v8;
	v5 =	vadd.f32 v2, v6;
	v2 =	vmul.f32 v7, v7  }
0x158: {  	s31 =	simm.s32 $0x2;
	v14 =	vmul.f32 v14, v14;
	v4 =	vadd.f32 v1, v6;
	v7 =	vld [tilespmem:s30+$0x100];
	v1 =	vadd.f32 v0, v6  }
0x159: {  	s0 =	simm.s32 $0x30;
	s25 =	sand.u32 $0x7, s31;
	s1 =	simm.s32 $0x20;
	v8 =	vimm.f32 $0.0e+00;
	v0 =	vadd.f32 v10, v6;
	v10 =	vld [tilespmem:s30+$0x180];
	v2 =	vadd.f32 v2, v6  }
.LBB2_18:
0x15a: {  	p0 =	sne.s32 s0, $0x7F0;
	s3 =	sshll.u32 s25, $0x4;
	v15 =	vld [tilespmem:s30+$0x200];
	v12 =	vmul.f32 v12, v12;
	s29 =	sadd.s32 $0x80, s29;
	v6 =	vadd.f32 v13, v6  }
0x15b: {  	s1 =	sand.u32 $0x70, s1;
	s3 =	sadd.s32 s3, s29;
	s25 =	sand.u32 $0x3C00, s29;
	v9 =	vmul.f32 v9, v9;
	v13 =	vld [tilespmem:s30+$0x280];
	v8 =	vadd.f32 v14, v8  }
0x15c: {  	s3 =	sor.u32 $0x380, s3;
	v11 =	vmul.f32 v11, v11;
	v14 =	vld [tilespmem:s30+$0x300];
	s30 =	sor.u32 s1, s25;
	v3 =	vadd.f32 v12, v3;
	s1 =	smov.u32 s0  }
.Ltmp8:
0x15d: {  	v12 =	vld [tilespmem:s3+$0x0];
	v4 =	vadd.f32 v9, v4;
	v7 =	vmul.f32 v7, v7;
	(pc) =	sbr.rel @p0 .LBB2_18-.Ltmp8, $4  }
0x15e: {  	v9 =	vld [tilespmem:s30+$0x0];
	v5 =	vadd.f32 v11, v5;
	v10 =	vmul.f32 v10, v10  }
0x15f: {  	v11 =	vld [tilespmem:s30+$0x80];
	v1 =	vadd.f32 v7, v1;
	v15 =	vmul.f32 v15, v15  }
0x160: {  	s31 =	sadd.s32 $0x1, s31;
	v7 =	vld [tilespmem:s30+$0x100];
	v0 =	vadd.f32 v10, v0;
	v13 =	vmul.f32 v13, v13  }
0x161: {  	s25 =	sand.u32 $0x7, s31;
	s0 =	sadd.s32 $0x10, s0;
	v10 =	vld [tilespmem:s30+$0x180];
	v2 =	vadd.f32 v15, v2;
	v14 =	vmul.f32 v14, v14  }
0x162: {  	s0 =	sshll.u32 s25, $0x4;
	v15 =	vld [tilespmem:s30+$0x200];
	s3 =	sadd.s32 $0x80, s29  }
0x163: {  	v16 =	vld [tilespmem:s30+$0x280];
	s0 =	sadd.s32 s0, s3  }
0x164: {  	s1 =	sand.u32 $0x70, s1;
	v17 =	vld [tilespmem:s30+$0x300];
	s3 =	sand.u32 $0x3C00, s3;
	s0 =	sor.u32 $0x380, s0  }
0x165: {  	s1 =	sor.u32 s1, s3;
	v18 =	vld [tilespmem:s0+$0x0]  }
0x166: {  	v19 =	vld [tilespmem:s1+$0x0]  }
0x167: {  	v20 =	vld [tilespmem:s1+$0x80]  }
0x168: {  	v21 =	vld [tilespmem:s1+$0x100]  }
0x169: {  	v22 =	vld [tilespmem:s1+$0x180]  }
0x16a: {  	v23 =	vld [tilespmem:s1+$0x200]  }
0x16b: {  	v24 =	vld [tilespmem:s1+$0x280];
	s0 =	simm.s32 $0x0  }
0x16c: {  	v25 =	vld [tilespmem:s1+$0x300];
	[tilespmem:s0], [sflag:$0x1] =	stream.linear.gather [hbm4b:s14+s0], $0x4000, $0x38  }
0x16d: {  	v12 =	vmul.f32 v12, v12;
	s3 =	sand.u32 $0x7, s0  }
0x16e: {  	v6 =	vadd.f32 v13, v6;
	v9 =	vmul.f32 v9, v9;
	v11 =	vmul.f32 v11, v11;
	_ =	swait.ge [sflag:s24], $0x4000;
	s1 =	sshll.u32 s3, $0x4  }
0x16f: {  	v8 =	vadd.f32 v14, v8;
	v3 =	vadd.f32 v12, v3;
	v7 =	vmul.f32 v7, v7;
	s25 =	sand.u32 $0x70, s0;
	[sflag:s24] =	ssyncset.done $0x0;
	s1 =	sadd.s32 $0x0, s1  }
0x170: {  	v4 =	vadd.f32 v9, v4;
	v5 =	vadd.f32 v11, v5;
	v9 =	vmul.f32 v10, v10;
	s0 =	sand.u32 $0x3C00, s0;
	[sflag:s24] =	ssyncadd.s32 $0xFFFFC000;
	s1 =	sor.u32 $0x380, s1  }
0x171: {  	v1 =	vadd.f32 v7, v1;
	v7 =	vmul.f32 v15, v15;
	v10 =	vmul.f32 v16, v16;
	s0 =	sor.u32 s25, s0;
	v11 =	vld [tilespmem:s1+$0x4000]  }
0x172: {  	v0 =	vadd.f32 v9, v0;
	v9 =	vmul.f32 v17, v17;
	v12 =	vmul.f32 v18, v18;
	v13 =	vld [tilespmem:s0+$0x4000]  }
0x173: {  	v2 =	vadd.f32 v7, v2;
	v6 =	vadd.f32 v10, v6;
	v7 =	vmul.f32 v19, v19;
	v10 =	vld [tilespmem:s0+$0x4080]  }
0x174: {  	s3 =	simm.s32 $0x1;
	v8 =	vadd.f32 v9, v8;
	v9 =	vmul.f32 v20, v20;
	v14 =	vld [tilespmem:s0+$0x4100];
	v3 =	vadd.f32 v12, v3  }
0x175: {  	s1 =	sand.u32 $0x7, s3;
	v15 =	vld [tilespmem:s0+$0x4180];
	v4 =	vadd.f32 v7, v4;
	v7 =	vmul.f32 v21, v21;
	v12 =	vmul.f32 v22, v22  }
0x176: {  	v58 =	vld [tilespmem:s0+$0x4200];
	s1 =	sshll.u32 s1, $0x4;
	v57 =	vadd.f32 v9, v5;
	v5 =	vmul.f32 v23, v23  }
0x177: {  	s29 =	simm.s32 $0x80;
	s25 =	simm.s32 $0x10;
	v61 =	vld [tilespmem:s0+$0x4280];
	v9 =	vmul.f32 v24, v24;
	s1 =	sadd.s32 $0x80, s1;
	v59 =	vadd.f32 v7, v1;
	v60 =	vadd.f32 v12, v0  }
0x178: {  	s3 =	sand.u32 $0x70, s25;
	s25 =	sand.u32 $0x3C00, s29;
	v63 =	vld [tilespmem:s0+$0x4300];
	s1 =	sor.u32 $0x380, s1;
	v1 =	vmul.f32 v25, v25;
	v62 =	vadd.f32 v5, v2;
	v2 =	vmul.f32 v11, v11  }
0x179: {  	s30 =	sor.u32 s3, s25;
	v0 =	vadd.f32 v9, v6;
	v12 =	vld [tilespmem:s1+$0x4000];
	v6 =	vmul.f32 v13, v13;
	v7 =	vmul.f32 v10, v10  }
0x17a: {  	v9 =	vld [tilespmem:s30+$0x4000];
	v10 =	vmul.f32 v15, v15;
	v5 =	vadd.f32 v2, v3;
	v2 =	vmul.f32 v14, v14  }
0x17b: {  	v11 =	vld [tilespmem:s30+$0x4080];
	v1 =	vadd.f32 v1, v8;
	v6 =	vadd.f32 v6, v4;
	v4 =	vmul.f32 v58, v58  }
0x17c: {  	s31 =	simm.s32 $0x2;
	v8 =	vld [tilespmem:s30+$0x4100];
	v7 =	vadd.f32 v7, v57;
	v14 =	vmul.f32 v61, v61;
	v3 =	vadd.f32 v2, v59  }
0x17d: {  	s0 =	simm.s32 $0x30;
	s25 =	sand.u32 $0x7, s31;
	s1 =	simm.s32 $0x20;
	v13 =	vmul.f32 v63, v63;
	v2 =	vadd.f32 v10, v60;
	v10 =	vld [tilespmem:s30+$0x4180];
	v4 =	vadd.f32 v4, v62  }
.LBB2_20:
0x17e: {  	p0 =	sne.s32 s0, $0x7F0;
	s3 =	sshll.u32 s25, $0x4;
	v15 =	vld [tilespmem:s30+$0x4200];
	v12 =	vmul.f32 v12, v12;
	s29 =	sadd.s32 $0x80, s29;
	v0 =	vadd.f32 v14, v0  }
0x17f: {  	s1 =	sand.u32 $0x70, s1;
	s3 =	sadd.s32 s3, s29;
	s25 =	sand.u32 $0x3C00, s29;
	v9 =	vmul.f32 v9, v9;
	v14 =	vld [tilespmem:s30+$0x4280];
	v1 =	vadd.f32 v13, v1  }
0x180: {  	s3 =	sor.u32 $0x380, s3;
	v11 =	vmul.f32 v11, v11;
	v13 =	vld [tilespmem:s30+$0x4300];
	s30 =	sor.u32 s1, s25;
	v5 =	vadd.f32 v12, v5;
	s1 =	smov.u32 s0  }
.Ltmp9:
0x181: {  	v12 =	vld [tilespmem:s3+$0x4000];
	v6 =	vadd.f32 v9, v6;
	v8 =	vmul.f32 v8, v8;
	(pc) =	sbr.rel @p0 .LBB2_20-.Ltmp9, $4  }
0x182: {  	v9 =	vld [tilespmem:s30+$0x4000];
	v7 =	vadd.f32 v11, v7;
	v10 =	vmul.f32 v10, v10  }
0x183: {  	v11 =	vld [tilespmem:s30+$0x4080];
	v3 =	vadd.f32 v8, v3;
	v15 =	vmul.f32 v15, v15  }
0x184: {  	s31 =	sadd.s32 $0x1, s31;
	v8 =	vld [tilespmem:s30+$0x4100];
	v2 =	vadd.f32 v10, v2;
	v14 =	vmul.f32 v14, v14  }
0x185: {  	s25 =	sand.u32 $0x7, s31;
	s0 =	sadd.s32 $0x10, s0;
	v10 =	vld [tilespmem:s30+$0x4180];
	v4 =	vadd.f32 v15, v4;
	v13 =	vmul.f32 v13, v13  }
0x186: {  	s0 =	sshll.u32 s25, $0x4;
	v15 =	vld [tilespmem:s30+$0x4200];
	s3 =	sadd.s32 $0x80, s29  }
0x187: {  	v16 =	vld [tilespmem:s30+$0x4280];
	s0 =	sadd.s32 s0, s3  }
0x188: {  	s1 =	sand.u32 $0x70, s1;
	v17 =	vld [tilespmem:s30+$0x4300];
	s3 =	sand.u32 $0x3C00, s3;
	s0 =	sor.u32 $0x380, s0  }
0x189: {  	s1 =	sor.u32 s1, s3;
	v18 =	vld [tilespmem:s0+$0x4000]  }
0x18a: {  	v19 =	vld [tilespmem:s1+$0x4000]  }
0x18b: {  	v20 =	vld [tilespmem:s1+$0x4080]  }
0x18c: {  	v21 =	vld [tilespmem:s1+$0x4100]  }
0x18d: {  	v22 =	vld [tilespmem:s1+$0x4180]  }
0x18e: {  	v23 =	vld [tilespmem:s1+$0x4200]  }
0x18f: {  	v24 =	vld [tilespmem:s1+$0x4280];
	s0 =	simm.s32 $0x0  }
0x190: {  	v25 =	vld [tilespmem:s1+$0x4300];
	[tilespmem:s22], [sflag:$0x2] =	stream.linear.gather [hbm4b:s15+s0], $0x4000, $0x38  }
0x191: {  	v9 =	vmul.f32 v9, v9;
	s3 =	sand.u32 $0x7, s0  }
0x192: {  	v12 =	vmul.f32 v12, v12;
	v0 =	vadd.f32 v14, v0;
	v8 =	vmul.f32 v8, v8;
	_ =	swait.ge [sflag:s23], $0x4000;
	s1 =	sshll.u32 s3, $0x4  }
0x193: {  	v1 =	vadd.f32 v13, v1;
	v11 =	vmul.f32 v11, v11;
	v6 =	vadd.f32 v9, v6;
	s25 =	sand.u32 $0x70, s0;
	[sflag:s23] =	ssyncset.done $0x0;
	s1 =	sadd.s32 $0x0, s1  }
0x194: {  	v9 =	vmul.f32 v10, v10;
	s0 =	sand.u32 $0x3C00, s0;
	v3 =	vadd.f32 v8, v3;
	v8 =	vmul.f32 v15, v15;
	[sflag:s23] =	ssyncadd.s32 $0xFFFFC000;
	s1 =	sor.u32 $0x380, s1  }
0x195: {  	v5 =	vadd.f32 v12, v5;
	v7 =	vadd.f32 v11, v7;
	v10 =	vmul.f32 v16, v16;
	s0 =	sor.u32 s25, s0;
	v11 =	vld [tilespmem:s1+$0x0]  }
0x196: {  	v2 =	vadd.f32 v9, v2;
	v9 =	vmul.f32 v17, v17;
	v4 =	vadd.f32 v8, v4;
	v13 =	vld [tilespmem:s0+$0x0]  }
0x197: {  	v0 =	vadd.f32 v10, v0;
	v12 =	vmul.f32 v18, v18;
	v8 =	vmul.f32 v19, v19;
	v10 =	vld [tilespmem:s0+$0x80]  }
0x198: {  	s3 =	simm.s32 $0x1;
	v1 =	vadd.f32 v9, v1;
	v9 =	vmul.f32 v20, v20;
	v14 =	vld [tilespmem:s0+$0x100]  }
0x199: {  	s1 =	sand.u32 $0x7, s3;
	v15 =	vld [tilespmem:s0+$0x180];
	v5 =	vadd.f32 v12, v5;
	v6 =	vadd.f32 v8, v6;
	v8 =	vmul.f32 v21, v21  }
0x19a: {  	v61 =	vld [tilespmem:s0+$0x200];
	s1 =	sshll.u32 s1, $0x4;
	v12 =	vmul.f32 v22, v22;
	v7 =	vadd.f32 v9, v7;
	v9 =	vmul.f32 v23, v23  }
0x19b: {  	s29 =	simm.s32 $0x80;
	s25 =	simm.s32 $0x10;
	v60 =	vmul.f32 v24, v24;
	v62 =	vld [tilespmem:s0+$0x280];
	s1 =	sadd.s32 $0x80, s1;
	v3 =	vadd.f32 v8, v3;
	v8 =	vmul.f32 v25, v25  }
0x19c: {  	s3 =	sand.u32 $0x70, s25;
	s25 =	sand.u32 $0x3C00, s29;
	v63 =	vld [tilespmem:s0+$0x300];
	s1 =	sor.u32 $0x380, s1;
	v2 =	vadd.f32 v12, v2;
	v4 =	vadd.f32 v9, v4;
	v9 =	vmul.f32 v11, v11  }
0x19d: {  	s30 =	sor.u32 s3, s25;
	v12 =	vld [tilespmem:s1+$0x0];
	v10 =	vmul.f32 v10, v10;
	v1 =	vadd.f32 v8, v1;
	v8 =	vmul.f32 v13, v13  }
0x19e: {  	v13 =	vmul.f32 v14, v14;
	v14 =	vmul.f32 v15, v15;
	v5 =	vadd.f32 v9, v5;
	v9 =	vld [tilespmem:s30+$0x0]  }
0x19f: {  	v0 =	vadd.f32 v60, v0;
	v11 =	vld [tilespmem:s30+$0x80];
	v15 =	vmul.f32 v61, v61;
	v7 =	vadd.f32 v10, v7  }
0x1a0: {  	s31 =	simm.s32 $0x2;
	v6 =	vadd.f32 v8, v6;
	v8 =	vld [tilespmem:s30+$0x100];
	v2 =	vadd.f32 v14, v2;
	v14 =	vmul.f32 v62, v62  }
0x1a1: {  	s0 =	simm.s32 $0x30;
	s25 =	sand.u32 $0x7, s31;
	s1 =	simm.s32 $0x20;
	v10 =	vld [tilespmem:s30+$0x180];
	v3 =	vadd.f32 v13, v3;
	v4 =	vadd.f32 v15, v4;
	v13 =	vmul.f32 v63, v63  }
.LBB2_22:
0x1a2: {  	p0 =	sne.s32 s0, $0x7F0;
	s3 =	sshll.u32 s25, $0x4;
	v15 =	vld [tilespmem:s30+$0x200];
	v12 =	vmul.f32 v12, v12;
	s29 =	sadd.s32 $0x80, s29;
	v0 =	vadd.f32 v14, v0  }
0x1a3: {  	s1 =	sand.u32 $0x70, s1;
	s3 =	sadd.s32 s3, s29;
	s25 =	sand.u32 $0x3C00, s29;
	v9 =	vmul.f32 v9, v9;
	v14 =	vld [tilespmem:s30+$0x280];
	v1 =	vadd.f32 v13, v1  }
0x1a4: {  	s3 =	sor.u32 $0x380, s3;
	v11 =	vmul.f32 v11, v11;
	v13 =	vld [tilespmem:s30+$0x300];
	s30 =	sor.u32 s1, s25;
	v5 =	vadd.f32 v12, v5;
	s1 =	smov.u32 s0  }
.Ltmp10:
0x1a5: {  	v12 =	vld [tilespmem:s3+$0x0];
	v6 =	vadd.f32 v9, v6;
	v8 =	vmul.f32 v8, v8;
	(pc) =	sbr.rel @p0 .LBB2_22-.Ltmp10, $4  }
0x1a6: {  	v9 =	vld [tilespmem:s30+$0x0];
	v7 =	vadd.f32 v11, v7;
	v10 =	vmul.f32 v10, v10  }
0x1a7: {  	v11 =	vld [tilespmem:s30+$0x80];
	v3 =	vadd.f32 v8, v3;
	v15 =	vmul.f32 v15, v15  }
0x1a8: {  	s31 =	sadd.s32 $0x1, s31;
	v8 =	vld [tilespmem:s30+$0x100];
	v2 =	vadd.f32 v10, v2;
	v14 =	vmul.f32 v14, v14  }
0x1a9: {  	s25 =	sand.u32 $0x7, s31;
	s0 =	sadd.s32 $0x10, s0;
	v10 =	vld [tilespmem:s30+$0x180];
	v4 =	vadd.f32 v15, v4;
	v13 =	vmul.f32 v13, v13  }
0x1aa: {  	s0 =	sshll.u32 s25, $0x4;
	v15 =	vld [tilespmem:s30+$0x200];
	s3 =	sadd.s32 $0x80, s29  }
0x1ab: {  	v16 =	vld [tilespmem:s30+$0x280];
	s0 =	sadd.s32 s0, s3  }
0x1ac: {  	s1 =	sand.u32 $0x70, s1;
	v17 =	vld [tilespmem:s30+$0x300];
	s3 =	sand.u32 $0x3C00, s3;
	s0 =	sor.u32 $0x380, s0  }
0x1ad: {  	s1 =	sor.u32 s1, s3;
	v18 =	vld [tilespmem:s0+$0x0]  }
0x1ae: {  	v19 =	vld [tilespmem:s1+$0x0]  }
0x1af: {  	v20 =	vld [tilespmem:s1+$0x80]  }
0x1b0: {  	v21 =	vld [tilespmem:s1+$0x100]  }
0x1b1: {  	v22 =	vld [tilespmem:s1+$0x180]  }
0x1b2: {  	v23 =	vld [tilespmem:s1+$0x200]  }
0x1b3: {  	v24 =	vld [tilespmem:s1+$0x280];
	s0 =	simm.s32 $0x0  }
0x1b4: {  	v25 =	vld [tilespmem:s1+$0x300];
	[tilespmem:s0], [sflag:$0x1] =	stream.linear.gather [hbm4b:s16+s0], $0x4000, $0x38  }
0x1b5: {  	v9 =	vmul.f32 v9, v9;
	s3 =	sand.u32 $0x7, s0  }
0x1b6: {  	v12 =	vmul.f32 v12, v12;
	v0 =	vadd.f32 v14, v0;
	v8 =	vmul.f32 v8, v8;
	_ =	swait.ge [sflag:s24], $0x4000;
	s1 =	sshll.u32 s3, $0x4  }
0x1b7: {  	v1 =	vadd.f32 v13, v1;
	v11 =	vmul.f32 v11, v11;
	v6 =	vadd.f32 v9, v6;
	s25 =	sand.u32 $0x70, s0;
	[sflag:s24] =	ssyncset.done $0x0;
	s1 =	sadd.s32 $0x0, s1  }
0x1b8: {  	v9 =	vmul.f32 v10, v10;
	s0 =	sand.u32 $0x3C00, s0;
	v3 =	vadd.f32 v8, v3;
	v8 =	vmul.f32 v15, v15;
	[sflag:s24] =	ssyncadd.s32 $0xFFFFC000;
	s1 =	sor.u32 $0x380, s1  }
0x1b9: {  	v5 =	vadd.f32 v12, v5;
	v7 =	vadd.f32 v11, v7;
	v10 =	vmul.f32 v16, v16;
	s0 =	sor.u32 s25, s0;
	v11 =	vld [tilespmem:s1+$0x4000]  }
0x1ba: {  	v2 =	vadd.f32 v9, v2;
	v9 =	vmul.f32 v17, v17;
	v4 =	vadd.f32 v8, v4;
	v13 =	vld [tilespmem:s0+$0x4000]  }
0x1bb: {  	v0 =	vadd.f32 v10, v0;
	v12 =	vmul.f32 v18, v18;
	v8 =	vmul.f32 v19, v19;
	v10 =	vld [tilespmem:s0+$0x4080]  }
0x1bc: {  	s3 =	simm.s32 $0x1;
	v1 =	vadd.f32 v9, v1;
	v9 =	vmul.f32 v20, v20;
	v14 =	vld [tilespmem:s0+$0x4100]  }
0x1bd: {  	s1 =	sand.u32 $0x7, s3;
	v15 =	vld [tilespmem:s0+$0x4180];
	v5 =	vadd.f32 v12, v5;
	v6 =	vadd.f32 v8, v6;
	v8 =	vmul.f32 v21, v21  }
0x1be: {  	v61 =	vld [tilespmem:s0+$0x4200];
	s1 =	sshll.u32 s1, $0x4;
	v12 =	vmul.f32 v22, v22;
	v7 =	vadd.f32 v9, v7;
	v9 =	vmul.f32 v23, v23  }
0x1bf: {  	s29 =	simm.s32 $0x80;
	s25 =	simm.s32 $0x10;
	v60 =	vmul.f32 v24, v24;
	v62 =	vld [tilespmem:s0+$0x4280];
	s1 =	sadd.s32 $0x80, s1;
	v3 =	vadd.f32 v8, v3;
	v8 =	vmul.f32 v25, v25  }
0x1c0: {  	s3 =	sand.u32 $0x70, s25;
	s25 =	sand.u32 $0x3C00, s29;
	v63 =	vld [tilespmem:s0+$0x4300];
	s1 =	sor.u32 $0x380, s1;
	v2 =	vadd.f32 v12, v2;
	v4 =	vadd.f32 v9, v4;
	v9 =	vmul.f32 v11, v11  }
0x1c1: {  	s30 =	sor.u32 s3, s25;
	v12 =	vld [tilespmem:s1+$0x4000];
	v10 =	vmul.f32 v10, v10;
	v1 =	vadd.f32 v8, v1;
	v8 =	vmul.f32 v13, v13  }
0x1c2: {  	v13 =	vmul.f32 v14, v14;
	v14 =	vmul.f32 v15, v15;
	v5 =	vadd.f32 v9, v5;
	v9 =	vld [tilespmem:s30+$0x4000]  }
0x1c3: {  	v0 =	vadd.f32 v60, v0;
	v11 =	vld [tilespmem:s30+$0x4080];
	v15 =	vmul.f32 v61, v61;
	v7 =	vadd.f32 v10, v7  }
0x1c4: {  	s31 =	simm.s32 $0x2;
	v6 =	vadd.f32 v8, v6;
	v8 =	vld [tilespmem:s30+$0x4100];
	v2 =	vadd.f32 v14, v2;
	v14 =	vmul.f32 v62, v62  }
0x1c5: {  	s0 =	simm.s32 $0x30;
	s25 =	sand.u32 $0x7, s31;
	s1 =	simm.s32 $0x20;
	v10 =	vld [tilespmem:s30+$0x4180];
	v3 =	vadd.f32 v13, v3;
	v4 =	vadd.f32 v15, v4;
	v13 =	vmul.f32 v63, v63  }
.LBB2_24:
0x1c6: {  	p0 =	sne.s32 s0, $0x7F0;
	s3 =	sshll.u32 s25, $0x4;
	v15 =	vld [tilespmem:s30+$0x4200];
	v12 =	vmul.f32 v12, v12;
	s29 =	sadd.s32 $0x80, s29;
	v0 =	vadd.f32 v14, v0  }
0x1c7: {  	s1 =	sand.u32 $0x70, s1;
	s3 =	sadd.s32 s3, s29;
	s25 =	sand.u32 $0x3C00, s29;
	v9 =	vmul.f32 v9, v9;
	v14 =	vld [tilespmem:s30+$0x4280];
	v1 =	vadd.f32 v13, v1  }
0x1c8: {  	s3 =	sor.u32 $0x380, s3;
	v11 =	vmul.f32 v11, v11;
	v13 =	vld [tilespmem:s30+$0x4300];
	s30 =	sor.u32 s1, s25;
	v5 =	vadd.f32 v12, v5;
	s1 =	smov.u32 s0  }
.Ltmp11:
0x1c9: {  	v12 =	vld [tilespmem:s3+$0x4000];
	v6 =	vadd.f32 v9, v6;
	v8 =	vmul.f32 v8, v8;
	(pc) =	sbr.rel @p0 .LBB2_24-.Ltmp11, $4  }
0x1ca: {  	v9 =	vld [tilespmem:s30+$0x4000];
	v7 =	vadd.f32 v11, v7;
	v10 =	vmul.f32 v10, v10  }
0x1cb: {  	v11 =	vld [tilespmem:s30+$0x4080];
	v3 =	vadd.f32 v8, v3;
	v15 =	vmul.f32 v15, v15  }
0x1cc: {  	s31 =	sadd.s32 $0x1, s31;
	v8 =	vld [tilespmem:s30+$0x4100];
	v2 =	vadd.f32 v10, v2;
	v14 =	vmul.f32 v14, v14  }
0x1cd: {  	s25 =	sand.u32 $0x7, s31;
	s0 =	sadd.s32 $0x10, s0;
	v10 =	vld [tilespmem:s30+$0x4180];
	v4 =	vadd.f32 v15, v4;
	v13 =	vmul.f32 v13, v13  }
0x1ce: {  	s0 =	sshll.u32 s25, $0x4;
	v15 =	vld [tilespmem:s30+$0x4200];
	s3 =	sadd.s32 $0x80, s29  }
0x1cf: {  	v16 =	vld [tilespmem:s30+$0x4280];
	s0 =	sadd.s32 s0, s3  }
0x1d0: {  	s1 =	sand.u32 $0x70, s1;
	v17 =	vld [tilespmem:s30+$0x4300];
	s3 =	sand.u32 $0x3C00, s3;
	s0 =	sor.u32 $0x380, s0  }
0x1d1: {  	s1 =	sor.u32 s1, s3;
	v18 =	vld [tilespmem:s0+$0x4000]  }
0x1d2: {  	v19 =	vld [tilespmem:s1+$0x4000]  }
0x1d3: {  	v20 =	vld [tilespmem:s1+$0x4080]  }
0x1d4: {  	v21 =	vld [tilespmem:s1+$0x4100]  }
0x1d5: {  	v22 =	vld [tilespmem:s1+$0x4180]  }
0x1d6: {  	v23 =	vld [tilespmem:s1+$0x4200]  }
0x1d7: {  	v24 =	vld [tilespmem:s1+$0x4280];
	s0 =	simm.s32 $0x0  }
0x1d8: {  	v25 =	vld [tilespmem:s1+$0x4300];
	[tilespmem:s22], [sflag:$0x2] =	stream.linear.gather [hbm4b:s17+s0], $0x4000, $0x38  }
0x1d9: {  	v9 =	vmul.f32 v9, v9;
	s3 =	sand.u32 $0x7, s0  }
0x1da: {  	v12 =	vmul.f32 v12, v12;
	v0 =	vadd.f32 v14, v0;
	v8 =	vmul.f32 v8, v8;
	_ =	swait.ge [sflag:s23], $0x4000;
	s1 =	sshll.u32 s3, $0x4  }
0x1db: {  	v1 =	vadd.f32 v13, v1;
	v11 =	vmul.f32 v11, v11;
	v6 =	vadd.f32 v9, v6;
	s25 =	sand.u32 $0x70, s0;
	[sflag:s23] =	ssyncset.done $0x0;
	s1 =	sadd.s32 $0x0, s1  }
0x1dc: {  	v9 =	vmul.f32 v10, v10;
	s0 =	sand.u32 $0x3C00, s0;
	v3 =	vadd.f32 v8, v3;
	v8 =	vmul.f32 v15, v15;
	[sflag:s23] =	ssyncadd.s32 $0xFFFFC000;
	s1 =	sor.u32 $0x380, s1  }
0x1dd: {  	v5 =	vadd.f32 v12, v5;
	v7 =	vadd.f32 v11, v7;
	v10 =	vmul.f32 v16, v16;
	s0 =	sor.u32 s25, s0;
	v11 =	vld [tilespmem:s1+$0x0]  }
0x1de: {  	v2 =	vadd.f32 v9, v2;
	v9 =	vmul.f32 v17, v17;
	v4 =	vadd.f32 v8, v4;
	v13 =	vld [tilespmem:s0+$0x0]  }
0x1df: {  	v0 =	vadd.f32 v10, v0;
	v12 =	vmul.f32 v18, v18;
	v8 =	vmul.f32 v19, v19;
	v10 =	vld [tilespmem:s0+$0x80]  }
0x1e0: {  	s3 =	simm.s32 $0x1;
	v1 =	vadd.f32 v9, v1;
	v9 =	vmul.f32 v20, v20;
	v14 =	vld [tilespmem:s0+$0x100]  }
0x1e1: {  	s1 =	sand.u32 $0x7, s3;
	v15 =	vld [tilespmem:s0+$0x180];
	v5 =	vadd.f32 v12, v5;
	v6 =	vadd.f32 v8, v6;
	v8 =	vmul.f32 v21, v21  }
0x1e2: {  	v61 =	vld [tilespmem:s0+$0x200];
	s1 =	sshll.u32 s1, $0x4;
	v12 =	vmul.f32 v22, v22;
	v7 =	vadd.f32 v9, v7;
	v9 =	vmul.f32 v23, v23  }
0x1e3: {  	s29 =	simm.s32 $0x80;
	s25 =	simm.s32 $0x10;
	v60 =	vmul.f32 v24, v24;
	v62 =	vld [tilespmem:s0+$0x280];
	s1 =	sadd.s32 $0x80, s1;
	v3 =	vadd.f32 v8, v3;
	v8 =	vmul.f32 v25, v25  }
0x1e4: {  	s3 =	sand.u32 $0x70, s25;
	s25 =	sand.u32 $0x3C00, s29;
	v63 =	vld [tilespmem:s0+$0x300];
	s1 =	sor.u32 $0x380, s1;
	v2 =	vadd.f32 v12, v2;
	v4 =	vadd.f32 v9, v4;
	v9 =	vmul.f32 v11, v11  }
0x1e5: {  	s30 =	sor.u32 s3, s25;
	v12 =	vld [tilespmem:s1+$0x0];
	v10 =	vmul.f32 v10, v10;
	v1 =	vadd.f32 v8, v1;
	v8 =	vmul.f32 v13, v13  }
0x1e6: {  	v13 =	vmul.f32 v14, v14;
	v14 =	vmul.f32 v15, v15;
	v5 =	vadd.f32 v9, v5;
	v9 =	vld [tilespmem:s30+$0x0]  }
0x1e7: {  	v0 =	vadd.f32 v60, v0;
	v11 =	vld [tilespmem:s30+$0x80];
	v15 =	vmul.f32 v61, v61;
	v7 =	vadd.f32 v10, v7  }
0x1e8: {  	s31 =	simm.s32 $0x2;
	v6 =	vadd.f32 v8, v6;
	v8 =	vld [tilespmem:s30+$0x100];
	v2 =	vadd.f32 v14, v2;
	v14 =	vmul.f32 v62, v62  }
0x1e9: {  	s0 =	simm.s32 $0x30;
	s25 =	sand.u32 $0x7, s31;
	s1 =	simm.s32 $0x20;
	v10 =	vld [tilespmem:s30+$0x180];
	v3 =	vadd.f32 v13, v3;
	v4 =	vadd.f32 v15, v4;
	v13 =	vmul.f32 v63, v63  }
.LBB2_26:
0x1ea: {  	p0 =	sne.s32 s0, $0x7F0;
	s3 =	sshll.u32 s25, $0x4;
	v15 =	vld [tilespmem:s30+$0x200];
	v12 =	vmul.f32 v12, v12;
	s29 =	sadd.s32 $0x80, s29;
	v0 =	vadd.f32 v14, v0  }
0x1eb: {  	s1 =	sand.u32 $0x70, s1;
	s3 =	sadd.s32 s3, s29;
	s25 =	sand.u32 $0x3C00, s29;
	v9 =	vmul.f32 v9, v9;
	v14 =	vld [tilespmem:s30+$0x280];
	v1 =	vadd.f32 v13, v1  }
0x1ec: {  	s3 =	sor.u32 $0x380, s3;
	v11 =	vmul.f32 v11, v11;
	v13 =	vld [tilespmem:s30+$0x300];
	s30 =	sor.u32 s1, s25;
	v5 =	vadd.f32 v12, v5;
	s1 =	smov.u32 s0  }
.Ltmp12:
0x1ed: {  	v12 =	vld [tilespmem:s3+$0x0];
	v6 =	vadd.f32 v9, v6;
	v8 =	vmul.f32 v8, v8;
	(pc) =	sbr.rel @p0 .LBB2_26-.Ltmp12, $4  }
0x1ee: {  	v9 =	vld [tilespmem:s30+$0x0];
	v7 =	vadd.f32 v11, v7;
	v10 =	vmul.f32 v10, v10  }
0x1ef: {  	v11 =	vld [tilespmem:s30+$0x80];
	v3 =	vadd.f32 v8, v3;
	v15 =	vmul.f32 v15, v15  }
0x1f0: {  	s31 =	sadd.s32 $0x1, s31;
	v8 =	vld [tilespmem:s30+$0x100];
	v2 =	vadd.f32 v10, v2;
	v14 =	vmul.f32 v14, v14  }
0x1f1: {  	s25 =	sand.u32 $0x7, s31;
	s0 =	sadd.s32 $0x10, s0;
	v10 =	vld [tilespmem:s30+$0x180];
	v4 =	vadd.f32 v15, v4;
	v13 =	vmul.f32 v13, v13  }
0x1f2: {  	s0 =	sshll.u32 s25, $0x4;
	v15 =	vld [tilespmem:s30+$0x200];
	s3 =	sadd.s32 $0x80, s29  }
0x1f3: {  	v16 =	vld [tilespmem:s30+$0x280];
	s0 =	sadd.s32 s0, s3  }
0x1f4: {  	s1 =	sand.u32 $0x70, s1;
	v17 =	vld [tilespmem:s30+$0x300];
	s3 =	sand.u32 $0x3C00, s3;
	s0 =	sor.u32 $0x380, s0  }
0x1f5: {  	s1 =	sor.u32 s1, s3;
	v18 =	vld [tilespmem:s0+$0x0]  }
0x1f6: {  	v19 =	vld [tilespmem:s1+$0x0]  }
0x1f7: {  	v20 =	vld [tilespmem:s1+$0x80]  }
0x1f8: {  	v21 =	vld [tilespmem:s1+$0x100]  }
0x1f9: {  	v22 =	vld [tilespmem:s1+$0x180]  }
0x1fa: {  	v23 =	vld [tilespmem:s1+$0x200]  }
0x1fb: {  	v24 =	vld [tilespmem:s1+$0x280];
	s0 =	simm.s32 $0x0  }
0x1fc: {  	v25 =	vld [tilespmem:s1+$0x300];
	[tilespmem:s0], [sflag:$0x1] =	stream.linear.gather [hbm4b:s18+s0], $0x4000, $0x38  }
0x1fd: {  	v9 =	vmul.f32 v9, v9;
	s3 =	sand.u32 $0x7, s0  }
0x1fe: {  	v12 =	vmul.f32 v12, v12;
	v0 =	vadd.f32 v14, v0;
	v8 =	vmul.f32 v8, v8;
	_ =	swait.ge [sflag:s24], $0x4000;
	s1 =	sshll.u32 s3, $0x4  }
0x1ff: {  	v1 =	vadd.f32 v13, v1;
	v11 =	vmul.f32 v11, v11;
	v6 =	vadd.f32 v9, v6;
	s25 =	sand.u32 $0x70, s0;
	[sflag:s24] =	ssyncset.done $0x0;
	s1 =	sadd.s32 $0x0, s1  }
0x200: {  	v9 =	vmul.f32 v10, v10;
	s0 =	sand.u32 $0x3C00, s0;
	v3 =	vadd.f32 v8, v3;
	v8 =	vmul.f32 v15, v15;
	[sflag:s24] =	ssyncadd.s32 $0xFFFFC000;
	s1 =	sor.u32 $0x380, s1  }
0x201: {  	v5 =	vadd.f32 v12, v5;
	v7 =	vadd.f32 v11, v7;
	v10 =	vmul.f32 v16, v16;
	s0 =	sor.u32 s25, s0;
	v11 =	vld [tilespmem:s1+$0x4000]  }
0x202: {  	v2 =	vadd.f32 v9, v2;
	v9 =	vmul.f32 v17, v17;
	v4 =	vadd.f32 v8, v4;
	v13 =	vld [tilespmem:s0+$0x4000]  }
0x203: {  	v0 =	vadd.f32 v10, v0;
	v12 =	vmul.f32 v18, v18;
	v8 =	vmul.f32 v19, v19;
	v10 =	vld [tilespmem:s0+$0x4080]  }
0x204: {  	s3 =	simm.s32 $0x1;
	v1 =	vadd.f32 v9, v1;
	v9 =	vmul.f32 v20, v20;
	v14 =	vld [tilespmem:s0+$0x4100]  }
0x205: {  	s1 =	sand.u32 $0x7, s3;
	v15 =	vld [tilespmem:s0+$0x4180];
	v5 =	vadd.f32 v12, v5;
	v6 =	vadd.f32 v8, v6;
	v8 =	vmul.f32 v21, v21  }
0x206: {  	v61 =	vld [tilespmem:s0+$0x4200];
	s1 =	sshll.u32 s1, $0x4;
	v12 =	vmul.f32 v22, v22;
	v7 =	vadd.f32 v9, v7;
	v9 =	vmul.f32 v23, v23  }
0x207: {  	s29 =	simm.s32 $0x80;
	s25 =	simm.s32 $0x10;
	v60 =	vmul.f32 v24, v24;
	v62 =	vld [tilespmem:s0+$0x4280];
	s1 =	sadd.s32 $0x80, s1;
	v3 =	vadd.f32 v8, v3;
	v8 =	vmul.f32 v25, v25  }
0x208: {  	s3 =	sand.u32 $0x70, s25;
	s25 =	sand.u32 $0x3C00, s29;
	v63 =	vld [tilespmem:s0+$0x4300];
	s1 =	sor.u32 $0x380, s1;
	v2 =	vadd.f32 v12, v2;
	v4 =	vadd.f32 v9, v4;
	v9 =	vmul.f32 v11, v11  }
0x209: {  	s30 =	sor.u32 s3, s25;
	v12 =	vld [tilespmem:s1+$0x4000];
	v10 =	vmul.f32 v10, v10;
	v1 =	vadd.f32 v8, v1;
	v8 =	vmul.f32 v13, v13  }
0x20a: {  	v13 =	vmul.f32 v14, v14;
	v14 =	vmul.f32 v15, v15;
	v5 =	vadd.f32 v9, v5;
	v9 =	vld [tilespmem:s30+$0x4000]  }
0x20b: {  	v0 =	vadd.f32 v60, v0;
	v11 =	vld [tilespmem:s30+$0x4080];
	v15 =	vmul.f32 v61, v61;
	v7 =	vadd.f32 v10, v7  }
0x20c: {  	s31 =	simm.s32 $0x2;
	v6 =	vadd.f32 v8, v6;
	v8 =	vld [tilespmem:s30+$0x4100];
	v2 =	vadd.f32 v14, v2;
	v14 =	vmul.f32 v62, v62  }
0x20d: {  	s0 =	simm.s32 $0x30;
	s25 =	sand.u32 $0x7, s31;
	s1 =	simm.s32 $0x20;
	v10 =	vld [tilespmem:s30+$0x4180];
	v3 =	vadd.f32 v13, v3;
	v4 =	vadd.f32 v15, v4;
	v13 =	vmul.f32 v63, v63  }
.LBB2_28:
0x20e: {  	p0 =	sne.s32 s0, $0x7F0;
	s3 =	sshll.u32 s25, $0x4;
	v15 =	vld [tilespmem:s30+$0x4200];
	v12 =	vmul.f32 v12, v12;
	s29 =	sadd.s32 $0x80, s29;
	v0 =	vadd.f32 v14, v0  }
0x20f: {  	s1 =	sand.u32 $0x70, s1;
	s3 =	sadd.s32 s3, s29;
	s25 =	sand.u32 $0x3C00, s29;
	v9 =	vmul.f32 v9, v9;
	v14 =	vld [tilespmem:s30+$0x4280];
	v1 =	vadd.f32 v13, v1  }
0x210: {  	s3 =	sor.u32 $0x380, s3;
	v11 =	vmul.f32 v11, v11;
	v13 =	vld [tilespmem:s30+$0x4300];
	s30 =	sor.u32 s1, s25;
	v5 =	vadd.f32 v12, v5;
	s1 =	smov.u32 s0  }
.Ltmp13:
0x211: {  	v12 =	vld [tilespmem:s3+$0x4000];
	v6 =	vadd.f32 v9, v6;
	v8 =	vmul.f32 v8, v8;
	(pc) =	sbr.rel @p0 .LBB2_28-.Ltmp13, $4  }
0x212: {  	v9 =	vld [tilespmem:s30+$0x4000];
	v7 =	vadd.f32 v11, v7;
	v10 =	vmul.f32 v10, v10  }
0x213: {  	v11 =	vld [tilespmem:s30+$0x4080];
	v3 =	vadd.f32 v8, v3;
	v15 =	vmul.f32 v15, v15  }
0x214: {  	s31 =	sadd.s32 $0x1, s31;
	v8 =	vld [tilespmem:s30+$0x4100];
	v2 =	vadd.f32 v10, v2;
	v14 =	vmul.f32 v14, v14  }
0x215: {  	s25 =	sand.u32 $0x7, s31;
	s0 =	sadd.s32 $0x10, s0;
	v10 =	vld [tilespmem:s30+$0x4180];
	v4 =	vadd.f32 v15, v4;
	v13 =	vmul.f32 v13, v13  }
0x216: {  	s0 =	sshll.u32 s25, $0x4;
	v15 =	vld [tilespmem:s30+$0x4200];
	s3 =	sadd.s32 $0x80, s29  }
0x217: {  	v16 =	vld [tilespmem:s30+$0x4280];
	s0 =	sadd.s32 s0, s3  }
0x218: {  	s1 =	sand.u32 $0x70, s1;
	v17 =	vld [tilespmem:s30+$0x4300];
	s3 =	sand.u32 $0x3C00, s3;
	s0 =	sor.u32 $0x380, s0  }
0x219: {  	s1 =	sor.u32 s1, s3;
	v18 =	vld [tilespmem:s0+$0x4000]  }
0x21a: {  	v19 =	vld [tilespmem:s1+$0x4000]  }
0x21b: {  	v20 =	vld [tilespmem:s1+$0x4080]  }
0x21c: {  	v21 =	vld [tilespmem:s1+$0x4100]  }
0x21d: {  	v22 =	vld [tilespmem:s1+$0x4180]  }
0x21e: {  	v23 =	vld [tilespmem:s1+$0x4200]  }
0x21f: {  	v24 =	vld [tilespmem:s1+$0x4280];
	s0 =	simm.s32 $0x0  }
0x220: {  	v25 =	vld [tilespmem:s1+$0x4300];
	[tilespmem:s22], [sflag:$0x2] =	stream.linear.gather [hbm4b:s19+s0], $0x4000, $0x38  }
0x221: {  	v9 =	vmul.f32 v9, v9;
	s3 =	sand.u32 $0x7, s0  }
0x222: {  	v12 =	vmul.f32 v12, v12;
	v0 =	vadd.f32 v14, v0;
	v8 =	vmul.f32 v8, v8;
	_ =	swait.ge [sflag:s23], $0x4000;
	s1 =	sshll.u32 s3, $0x4  }
0x223: {  	v1 =	vadd.f32 v13, v1;
	v11 =	vmul.f32 v11, v11;
	v6 =	vadd.f32 v9, v6;
	s25 =	sand.u32 $0x70, s0;
	[sflag:s23] =	ssyncset.done $0x0;
	s1 =	sadd.s32 $0x0, s1  }
0x224: {  	v9 =	vmul.f32 v10, v10;
	s0 =	sand.u32 $0x3C00, s0;
	v3 =	vadd.f32 v8, v3;
	v8 =	vmul.f32 v15, v15;
	[sflag:s23] =	ssyncadd.s32 $0xFFFFC000;
	s1 =	sor.u32 $0x380, s1  }
0x225: {  	v5 =	vadd.f32 v12, v5;
	v7 =	vadd.f32 v11, v7;
	v10 =	vmul.f32 v16, v16;
	s0 =	sor.u32 s25, s0;
	v11 =	vld [tilespmem:s1+$0x0]  }
0x226: {  	v2 =	vadd.f32 v9, v2;
	v9 =	vmul.f32 v17, v17;
	v4 =	vadd.f32 v8, v4;
	v13 =	vld [tilespmem:s0+$0x0]  }
0x227: {  	v0 =	vadd.f32 v10, v0;
	v12 =	vmul.f32 v18, v18;
	v8 =	vmul.f32 v19, v19;
	v10 =	vld [tilespmem:s0+$0x80]  }
0x228: {  	s3 =	simm.s32 $0x1;
	v1 =	vadd.f32 v9, v1;
	v9 =	vmul.f32 v20, v20;
	v14 =	vld [tilespmem:s0+$0x100]  }
0x229: {  	s1 =	sand.u32 $0x7, s3;
	v15 =	vld [tilespmem:s0+$0x180];
	v5 =	vadd.f32 v12, v5;
	v6 =	vadd.f32 v8, v6;
	v8 =	vmul.f32 v21, v21  }
0x22a: {  	v61 =	vld [tilespmem:s0+$0x200];
	s1 =	sshll.u32 s1, $0x4;
	v12 =	vmul.f32 v22, v22;
	v7 =	vadd.f32 v9, v7;
	v9 =	vmul.f32 v23, v23  }
0x22b: {  	s29 =	simm.s32 $0x80;
	s25 =	simm.s32 $0x10;
	v60 =	vmul.f32 v24, v24;
	v62 =	vld [tilespmem:s0+$0x280];
	s1 =	sadd.s32 $0x80, s1;
	v3 =	vadd.f32 v8, v3;
	v8 =	vmul.f32 v25, v25  }
0x22c: {  	s3 =	sand.u32 $0x70, s25;
	s25 =	sand.u32 $0x3C00, s29;
	v63 =	vld [tilespmem:s0+$0x300];
	s1 =	sor.u32 $0x380, s1;
	v2 =	vadd.f32 v12, v2;
	v4 =	vadd.f32 v9, v4;
	v9 =	vmul.f32 v11, v11  }
0x22d: {  	s30 =	sor.u32 s3, s25;
	v12 =	vld [tilespmem:s1+$0x0];
	v10 =	vmul.f32 v10, v10;
	v1 =	vadd.f32 v8, v1;
	v8 =	vmul.f32 v13, v13  }
0x22e: {  	v13 =	vmul.f32 v14, v14;
	v14 =	vmul.f32 v15, v15;
	v5 =	vadd.f32 v9, v5;
	v9 =	vld [tilespmem:s30+$0x0]  }
0x22f: {  	v0 =	vadd.f32 v60, v0;
	v11 =	vld [tilespmem:s30+$0x80];
	v15 =	vmul.f32 v61, v61;
	v7 =	vadd.f32 v10, v7  }
0x230: {  	s31 =	simm.s32 $0x2;
	v6 =	vadd.f32 v8, v6;
	v8 =	vld [tilespmem:s30+$0x100];
	v2 =	vadd.f32 v14, v2;
	v14 =	vmul.f32 v62, v62  }
0x231: {  	s0 =	simm.s32 $0x30;
	s25 =	sand.u32 $0x7, s31;
	s1 =	simm.s32 $0x20;
	v10 =	vld [tilespmem:s30+$0x180];
	v3 =	vadd.f32 v13, v3;
	v4 =	vadd.f32 v15, v4;
	v13 =	vmul.f32 v63, v63  }
.LBB2_30:
0x232: {  	p0 =	sne.s32 s0, $0x7F0;
	s3 =	sshll.u32 s25, $0x4;
	v15 =	vld [tilespmem:s30+$0x200];
	v12 =	vmul.f32 v12, v12;
	s29 =	sadd.s32 $0x80, s29;
	v0 =	vadd.f32 v14, v0  }
0x233: {  	s1 =	sand.u32 $0x70, s1;
	s3 =	sadd.s32 s3, s29;
	s25 =	sand.u32 $0x3C00, s29;
	v9 =	vmul.f32 v9, v9;
	v14 =	vld [tilespmem:s30+$0x280];
	v1 =	vadd.f32 v13, v1  }
0x234: {  	s3 =	sor.u32 $0x380, s3;
	v11 =	vmul.f32 v11, v11;
	v13 =	vld [tilespmem:s30+$0x300];
	s30 =	sor.u32 s1, s25;
	v5 =	vadd.f32 v12, v5;
	s1 =	smov.u32 s0  }
.Ltmp14:
0x235: {  	v12 =	vld [tilespmem:s3+$0x0];
	v6 =	vadd.f32 v9, v6;
	v8 =	vmul.f32 v8, v8;
	(pc) =	sbr.rel @p0 .LBB2_30-.Ltmp14, $4  }
0x236: {  	v9 =	vld [tilespmem:s30+$0x0];
	v7 =	vadd.f32 v11, v7;
	v10 =	vmul.f32 v10, v10  }
0x237: {  	v11 =	vld [tilespmem:s30+$0x80];
	v3 =	vadd.f32 v8, v3;
	v15 =	vmul.f32 v15, v15  }
0x238: {  	s31 =	sadd.s32 $0x1, s31;
	v8 =	vld [tilespmem:s30+$0x100];
	v2 =	vadd.f32 v10, v2;
	v14 =	vmul.f32 v14, v14  }
0x239: {  	s25 =	sand.u32 $0x7, s31;
	s0 =	sadd.s32 $0x10, s0;
	v10 =	vld [tilespmem:s30+$0x180];
	v4 =	vadd.f32 v15, v4;
	v13 =	vmul.f32 v13, v13  }
0x23a: {  	s0 =	sshll.u32 s25, $0x4;
	v15 =	vld [tilespmem:s30+$0x200];
	s3 =	sadd.s32 $0x80, s29  }
0x23b: {  	v16 =	vld [tilespmem:s30+$0x280];
	s0 =	sadd.s32 s0, s3  }
0x23c: {  	s1 =	sand.u32 $0x70, s1;
	v17 =	vld [tilespmem:s30+$0x300];
	s3 =	sand.u32 $0x3C00, s3;
	s0 =	sor.u32 $0x380, s0  }
0x23d: {  	s1 =	sor.u32 s1, s3;
	v18 =	vld [tilespmem:s0+$0x0]  }
0x23e: {  	v19 =	vld [tilespmem:s1+$0x0]  }
0x23f: {  	v20 =	vld [tilespmem:s1+$0x80]  }
0x240: {  	v21 =	vld [tilespmem:s1+$0x100]  }
0x241: {  	v22 =	vld [tilespmem:s1+$0x180]  }
0x242: {  	v23 =	vld [tilespmem:s1+$0x200]  }
0x243: {  	v9 =	vmul.f32 v9, v9;
	v24 =	vld [tilespmem:s1+$0x280];
	s0 =	simm.s32 $0x0  }
0x244: {  	v12 =	vmul.f32 v12, v12;
	v0 =	vadd.f32 v14, v0;
	v25 =	vld [tilespmem:s1+$0x300];
	_ =	swait.ge [sflag:s24], $0x4000;
	v8 =	vmul.f32 v8, v8;
	s3 =	sand.u32 $0x7, s0  }
0x245: {  	v1 =	vadd.f32 v13, v1;
	v11 =	vmul.f32 v11, v11;
	v6 =	vadd.f32 v9, v6;
	[sflag:s24] =	ssyncset.done $0x0;
	s25 =	sand.u32 $0x70, s0;
	s0 =	sand.u32 $0x3C00, s0  }
0x246: {  	v9 =	vmul.f32 v10, v10;
	s1 =	sshll.u32 s3, $0x4;
	[sflag:s24] =	ssyncadd.s32 $0xFFFFC000;
	v3 =	vadd.f32 v8, v3;
	v8 =	vmul.f32 v15, v15;
	s0 =	sor.u32 s25, s0  }
0x247: {  	v5 =	vadd.f32 v12, v5;
	v7 =	vadd.f32 v11, v7;
	v10 =	vmul.f32 v16, v16;
	s1 =	sadd.s32 $0x0, s1;
	v13 =	vld [tilespmem:s0+$0x4000]  }
0x248: {  	v2 =	vadd.f32 v9, v2;
	v9 =	vmul.f32 v17, v17;
	v15 =	vld [tilespmem:s0+$0x4180];
	s1 =	sor.u32 $0x380, s1;
	v4 =	vadd.f32 v8, v4  }
0x249: {  	v0 =	vadd.f32 v10, v0;
	v11 =	vld [tilespmem:s1+$0x4000];
	v12 =	vmul.f32 v18, v18;
	v8 =	vmul.f32 v19, v19  }
0x24a: {  	s3 =	simm.s32 $0x1;
	v10 =	vld [tilespmem:s0+$0x4080];
	v1 =	vadd.f32 v9, v1;
	v9 =	vmul.f32 v20, v20;
	v14 =	vmul.f32 v22, v22  }
0x24b: {  	s1 =	sand.u32 $0x7, s3;
	v5 =	vadd.f32 v12, v5;
	v12 =	vld [tilespmem:s0+$0x4100];
	v6 =	vadd.f32 v8, v6;
	v8 =	vmul.f32 v21, v21  }
0x24c: {  	v61 =	vld [tilespmem:s0+$0x4200];
	v60 =	vmul.f32 v24, v24;
	s1 =	sshll.u32 s1, $0x4;
	v7 =	vadd.f32 v9, v7;
	v9 =	vmul.f32 v23, v23  }
0x24d: {  	s30 =	simm.s32 $0x80;
	s25 =	simm.s32 $0x10;
	v63 =	vld [tilespmem:s0+$0x4280];
	v14 =	vadd.f32 v14, v2;
	s1 =	sadd.s32 $0x80, s1;
	v62 =	vadd.f32 v8, v3;
	v3 =	vmul.f32 v25, v25  }
0x24e: {  	s3 =	sand.u32 $0x70, s25;
	s25 =	sand.u32 $0x3C00, s30;
	v2 =	vadd.f32 v60, v0;
	s1 =	sor.u32 $0x380, s1;
	v4 =	vadd.f32 v9, v4;
	v9 =	vld [tilespmem:s0+$0x4300];
	v0 =	vmul.f32 v11, v11  }
0x24f: {  	s29 =	sor.u32 s3, s25;
	v8 =	vmul.f32 v13, v13;
	v10 =	vmul.f32 v10, v10;
	v1 =	vadd.f32 v3, v1;
	v3 =	vld [tilespmem:s1+$0x4000]  }
0x250: {  	v13 =	vmul.f32 v15, v15;
	v11 =	vld [tilespmem:s29+$0x4000];
	v0 =	vadd.f32 v0, v5;
	v5 =	vmul.f32 v12, v12  }
0x251: {  	v15 =	vmul.f32 v61, v61;
	v8 =	vadd.f32 v8, v6;
	v7 =	vadd.f32 v10, v7;
	v12 =	vld [tilespmem:s29+$0x4080]  }
0x252: {  	s31 =	simm.s32 $0x2;
	v10 =	vld [tilespmem:s29+$0x4100];
	v6 =	vadd.f32 v5, v62;
	v5 =	vadd.f32 v13, v14;
	v14 =	vmul.f32 v63, v63  }
0x253: {  	s25 =	sand.u32 $0x7, s31;
	s0 =	simm.s32 $0x30;
	s1 =	simm.s32 $0x20;
	v4 =	vadd.f32 v15, v4;
	v13 =	vld [tilespmem:s29+$0x4180];
	v9 =	vmul.f32 v9, v9  }
.LBB2_32:
0x254: {  	p0 =	sne.s32 s0, $0x7F0;
	s3 =	sshll.u32 s25, $0x4;
	v15 =	vld [tilespmem:s29+$0x4200];
	v3 =	vmul.f32 v3, v3;
	s30 =	sadd.s32 $0x80, s30;
	v2 =	vadd.f32 v14, v2  }
0x255: {  	s1 =	sand.u32 $0x70, s1;
	s3 =	sadd.s32 s3, s30;
	s25 =	sand.u32 $0x3C00, s30;
	v11 =	vmul.f32 v11, v11;
	v14 =	vld [tilespmem:s29+$0x4280];
	v1 =	vadd.f32 v9, v1  }
0x256: {  	s3 =	sor.u32 $0x380, s3;
	v9 =	vmul.f32 v12, v12;
	v16 =	vld [tilespmem:s29+$0x4300];
	s29 =	sor.u32 s1, s25;
	v0 =	vadd.f32 v3, v0;
	s1 =	smov.u32 s0  }
.Ltmp15:
0x257: {  	v3 =	vld [tilespmem:s3+$0x4000];
	v8 =	vadd.f32 v11, v8;
	v10 =	vmul.f32 v10, v10;
	(pc) =	sbr.rel @p0 .LBB2_32-.Ltmp15, $4  }
0x258: {  	v11 =	vld [tilespmem:s29+$0x4000];
	v7 =	vadd.f32 v9, v7;
	v9 =	vmul.f32 v13, v13  }
0x259: {  	v12 =	vld [tilespmem:s29+$0x4080];
	v6 =	vadd.f32 v10, v6;
	v15 =	vmul.f32 v15, v15  }
0x25a: {  	s31 =	sadd.s32 $0x1, s31;
	v10 =	vld [tilespmem:s29+$0x4100];
	v5 =	vadd.f32 v9, v5;
	v14 =	vmul.f32 v14, v14  }
0x25b: {  	s25 =	sand.u32 $0x7, s31;
	s0 =	sadd.s32 $0x10, s0;
	v13 =	vld [tilespmem:s29+$0x4180];
	v4 =	vadd.f32 v15, v4;
	v9 =	vmul.f32 v16, v16  }
0x25c: {  	s0 =	sadd.s32 $0x80, s30  }
0x25d: {  	s1 =	sand.u32 $0x70, s1;
	s3 =	sand.u32 $0x3C00, s0  }
0x25e: {  	s1 =	sor.u32 s1, s3  }
0x25f: {  	v15 =	vld [tilespmem:s1+$0x4000]  }
0x260: {  	v16 =	vld [tilespmem:s1+$0x4080];
	_ =	sdelay $0x1  }
0x261: {  	v11 =	vmul.f32 v11, v11;
	v17 =	vld [tilespmem:s1+$0x4100]  }
0x262: {  	v18 =	vld [tilespmem:s29+$0x4200];
	v12 =	vmul.f32 v12, v12  }
0x263: {  	v8 =	vadd.f32 v11, v8;
	v10 =	vmul.f32 v10, v10;
	v49 =	vld [tilespmem:s1+$0x4180]  }
0x264: {  	v50 =	vld [tilespmem:s29+$0x4280];
	v7 =	vadd.f32 v12, v7;
	v15 =	vmul.f32 v15, v15;
	v16 =	vmul.f32 v16, v16  }
0x265: {  	v51 =	vld [tilespmem:s1+$0x4200];
	v13 =	vmul.f32 v13, v13;
	v6 =	vadd.f32 v10, v6  }
0x266: {  	v52 =	vld [tilespmem:s29+$0x4300];
	v53 =	vmul.f32 v17, v17;
	v8 =	vadd.f32 v15, v8;
	v7 =	vadd.f32 v16, v7  }
0x267: {  	v55 =	vld [tilespmem:s1+$0x4280];
	v54 =	vmul.f32 v18, v18;
	v5 =	vadd.f32 v13, v5  }
0x268: {  	s30 =	sshll.u32 s25, $0x4;
	v56 =	vmul.f32 v49, v49;
	v6 =	vadd.f32 v53, v6;
	v7 =	vadd.f32 v7, v8  }
0x269: {  	v2 =	vadd.f32 v14, v2;
	s0 =	sadd.s32 s30, s0;
	v58 =	vld [tilespmem:s1+$0x4300];
	v57 =	vmul.f32 v50, v50;
	v4 =	vadd.f32 v54, v4  }
0x26a: {  	s0 =	sor.u32 $0x380, s0;
	v10 =	vmul.f32 v51, v51;
	v5 =	vadd.f32 v56, v5;
	v6 =	vadd.f32 v6, v7  }
0x26b: {  	v1 =	vadd.f32 v9, v1;
	v59 =	vld [tilespmem:s0+$0x4000];
	v60 =	vmul.f32 v52, v52;
	v2 =	vadd.f32 v57, v2  }
0x26c: {  	v61 =	vmul.f32 v55, v55;
	v4 =	vadd.f32 v10, v4;
	v5 =	vadd.f32 v5, v6  }
0x26d: {  	v3 =	vmul.f32 v3, v3;
	v1 =	vadd.f32 v60, v1  }
0x26e: {  	v62 =	vmul.f32 v58, v58;
	v2 =	vadd.f32 v61, v2;
	v4 =	vadd.f32 v4, v5  }
0x26f: {  	v0 =	vadd.f32 v3, v0  }
0x270: {  	v63 =	vmul.f32 v59, v59;
	v1 =	vadd.f32 v62, v1;
	v2 =	vadd.f32 v2, v4;
	_ =	sdelay $0x1  }
0x271: {  	v0 =	vadd.f32 v63, v0;
	v1 =	vadd.f32 v1, v2;
	_ =	sdelay $0x1  }
0x272: {  	s28 =	sadd.s32 $0x1, s28;
	v0 =	vadd.f32 v0, v1  }
0x273: {  	p0 =	sne.s32 s28, s21  }
.Ltmp16:
0x274: {  	s31 =	simm.s32 $0x8000;
	[tilespmem:$0x8000] =	vst v0;
	(pc) =	sbr.rel @p0 .LBB2_1-.Ltmp16, $4  }
0x275: {  	[hbm4b:s20+s2] =	stream.linear.scatter [tilespmem:s31], [sflag:$0x3], $0x80, $0x38;
	[tilespmem:$0x8080] =	vst v63  }
0x276: {  	_ =	swait.ge [sflag:s26], $0x80  }
0x277: {  	[sflag:s26] =	ssyncset.done $0x0  }
0x278: {  	[sflag:s26] =	ssyncadd.s32 $0xFFFFFF80  }
0x279: {  	_ =	sfence.sel $0x180000  }
0x27a: {  	[bflag:$0x0] =	sbarrier.arrive $0xFFFF  }
0x27b: {  	_ =	strace $0x90000047  }
0x27c: {  	s0 =	stileid.u32;
	[bflag:$0x2] =	sbarrier.arrive $0xFFFF  }
0x27d: {  	p0 =	sne.s32 s0, $0x0;
	s0 =	rddreg [dreg:$0x3]  }
0x27e: {  	s0 =	sadd.s32 @!p0 $0x100000, s0  }
0x27f: {  	[sflag:s0] =	ssyncadd.tile.s32 @!p0 $0x1;
	_ =	shalt  }
.Lfunc_end2:
_tile_overlayer_lowered:
.L_overlay_start_2:
0x280: {  	(tag) =	ssettag $0x2  }
0x281: {  	s0 =	rddreg [dreg:$0x0];
	s2 =	stileid.u32  }
0x282: {  	s1 =	rddreg [dreg:$0x1];
	p0 =	sne.s32 s2, $0x0  }
0x283: {  	s3 =	rddreg [dreg:$0x2];
	[bflag:$0x3] =	sbarrier.arrive $0xFFFF;
	s2 =	simm.s32 @!p0 $0x1C03  }
0x284: {  	[timem:s3], [sflag:s2] =	dma.local @!p0 [hbm:s0], s1  }
0x285: {  	s0 =	simm.s32 @!p0 $0x3  }
0x286: {  	_ =	swait.ge @!p0 [sflag:s0], s1  }
0x287: {  	s1 =	ssub.s32 @!p0 $0x0, s1;
	[sflag:s0] =	ssyncset.done @!p0 $0x0  }
0x288: {  	[sflag:s0] =	ssyncadd.s32 @!p0 s1  }
0x289: {  	[bflag:$0x3] =	sbarrier.arrive $0xFFFF  }
0x28a: {  	_ =	shalt  }

</sc_bundles>
